<compile_context>
chip_gen: v7x
topology: tpu7x:2x2x1
jax: 0.10.2.dev20260603
libtpu: 0.0.44.dev20260713+nightly
codegen_flags: <defaults>
</compile_context>

<pallas_src>
import functools

import jax
import jax.numpy as jnp
from jax import lax
from jax.experimental import pallas as pl
from jax.experimental.pallas import tpu as pltpu
from jax.experimental.pallas import tpu_sc as plsc

B = 16384
C = 100
S_SCALE = 30.0
NC = 2
NS = 16
L = 16
NW = NC * NS
RPW = B // NW
NGROUP = RPW // L
NACC = 8

_LN2 = 0.6931471805599453
_SQRT2 = 1.4142135623730951

_GDN = lax.GatherDimensionNumbers(
    offset_dims=(), collapsed_slice_dims=(0,), start_index_map=(0,))


def _vgather16(vec, idx):
    return lax.gather(vec, idx[:, None], dimension_numbers=_GDN,
                      slice_sizes=(1,),
                      mode=lax.GatherScatterMode.PROMISE_IN_BOUNDS)


def _ldam_body(xf_hbm, t_hbm, m_hbm, out_hbm,
               slab, tv, mvv, accv, sem_slab):
    wid = lax.axis_index("s") * NC + lax.axis_index("c")
    base = wid * RPW
    slab_copy = pltpu.async_copy(
        xf_hbm.at[:, pl.ds(base, RPW)], slab, sem_slab)
    pltpu.sync_copy(t_hbm.at[pl.ds(base, RPW)], tv)
    pltpu.sync_copy(m_hbm, mvv.at[pl.ds(0, C)])

    zero = jnp.zeros((L,), jnp.float32)
    iot = lax.iota(jnp.int32, L)
    lane_masks = [iot == i for i in range(L)]
    mreg = [mvv[pl.ds(16 * k, 16)] for k in range(7)]

    slab_copy.wait()

    def margin_body(j, zt):
        r0 = j * L
        tt = tv[pl.ds(r0, L)]
        low = lax.bitwise_and(tt, 15)
        hi = lax.shift_right_logical(tt, 4)
        mt = _vgather16(mreg[0], low)
        for k in range(1, 7):
            mt = jnp.where(hi == k, _vgather16(mreg[k], low), mt)
        for i in range(L):
            ti = tt[i]
            v = slab[ti, pl.ds(r0, L)]
            v2 = jnp.where(lane_masks[i], v - mt, v)
            zt = zt + jnp.where(lane_masks[i], v2, 0.0)
            slab[ti, pl.ds(r0, L)] = v2
        return zt

    ztacc = lax.fori_loop(0, NGROUP, margin_body, zero)

    def group_body(g, acc):
        r0 = g * L
        mxs = [slab[c, pl.ds(r0, L)] for c in range(NACC)]
        for c in range(NACC, C):
            mxs[c % NACC] = jnp.maximum(mxs[c % NACC],
                                        slab[c, pl.ds(r0, L)])
        mx = mxs[0]
        for a in range(1, NACC):
            mx = jnp.maximum(mx, mxs[a])
        kk = S_SCALE * mx
        sss = [zero] * NACC
        for c in range(C):
            v = slab[c, pl.ds(r0, L)]
            sss[c % NACC] = sss[c % NACC] + jnp.exp(S_SCALE * v - kk)
        ss = sss[0]
        for a in range(1, NACC):
            ss = ss + sss[a]
        bits = lax.bitcast_convert_type(ss, jnp.int32)
        ex = lax.shift_right_arithmetic(bits, 23) - 127
        mf = lax.bitcast_convert_type(
            lax.bitwise_or(lax.bitwise_and(bits, 0x7FFFFF), 0x3F800000),
            jnp.float32)
        big = mf > _SQRT2
        mf = jnp.where(big, mf * 0.5, mf)
        ex = jnp.where(big, ex + 1, ex)
        u = (mf - 1.0) / (mf + 1.0)
        u2 = u * u
        ln = ex.astype(jnp.float32) * _LN2 + 2.0 * u * (
            1.0 + u2 * (0.3333333333 + u2 * 0.2))
        return acc + (kk + ln)

    acc = lax.fori_loop(0, NGROUP, group_body, zero)

    accv[...] = (acc - S_SCALE * ztacc) * (1.0 / B)
    pltpu.sync_copy(accv, out_hbm.at[wid])


_ldam_sc = functools.partial(
    pl.kernel,
    out_type=jax.ShapeDtypeStruct((NW, L), jnp.float32),
    mesh=plsc.VectorSubcoreMesh(core_axis_name="c", subcore_axis_name="s"),
    compiler_params=pltpu.CompilerParams(use_tc_tiling_on_sc=True),
    scratch_types=[
        pltpu.VMEM((C, RPW), jnp.float32),
        pltpu.VMEM((RPW,), jnp.int32),
        pltpu.VMEM((112,), jnp.float32),
        pltpu.VMEM((L,), jnp.float32),
        pltpu.SemaphoreType.DMA,
    ],
)(_ldam_body)


def _sum_body(p_ref, o_ref):
    o_ref[0, 0] = jnp.sum(p_ref[...])


_sum_tc = pl.pallas_call(
    _sum_body,
    out_shape=jax.ShapeDtypeStruct((1, 1), jnp.float32),
    out_specs=pl.BlockSpec(memory_space=pltpu.SMEM),
)


def kernel(x, target, m_list):
    parts = _ldam_sc(x.T, target, m_list)
    return _sum_tc(parts)[0, 0]

# --- scband reference (transcript-rebuilt; emitter-appended) ---
"""Pipeline reference for scband-ldamloss-60833916780834 (READ-ONLY COPY).

The authoritative reference and input builder live on the scoring server;
editing this copy changes nothing except your own understanding.
"""

import jax, jax.numpy as jnp
import numpy as np

CLS_NUM_LIST = [5000, 4773, 4556, 4349, 4151, 3962, 3782, 3610, 3446, 3290, 3140, 2997, 2861, 2731, 2607, 2488, 2375, 2267, 2164, 2066, 1972, 1882, 1797, 1715, 1637, 1563, 1492, 1424, 1359, 1297, 1238, 1182, 1128, 1077, 1028, 981, 937, 894, 854, 815, 778, 742, 709, 676, 646, 616, 588, 562, 536, 512, 488, 466, 445, 425, 406, 387, 370, 353, 337, 321, 307, 293, 280, 267, 255, 243, 232, 222, 211, 202, 193, 184, 176, 168, 160, 153, 146, 139, 133, 127, 121, 115, 110, 105, 100, 96, 92, 87, 83, 80, 76, 73, 69, 66, 63, 60, 57, 55, 52, 50]
MAX_M = 0.5
S = 30.0
B = 16384
C = 100


def setup_inputs(seed: int = 0) -> dict:
    key = jax.random.key(seed)
    k1, k2 = jax.random.split(key)
    x = jax.random.normal(k1, (B, C), dtype=jnp.float32)
    target = jax.random.randint(k2, (B,), 0, C, dtype=jnp.int32)
    m = 1.0 / np.sqrt(np.sqrt(np.asarray(CLS_NUM_LIST, dtype=np.float64)))
    m = m * (MAX_M / np.max(m))
    m_list = jnp.asarray(m, dtype=jnp.float32)
    return {"x": x, "target": target, "m_list": m_list}


def reference(x, target, m_list):
    # index = one-hot scatter of target into [B, C]
    onehot = jax.nn.one_hot(target, C, dtype=x.dtype)
    # batch_m = m_list[None,:] @ onehot.T  -> per-sample margin, shape [B, 1]
    batch_m = jnp.matmul(m_list[None, :], onehot.T).reshape(-1, 1)
    x_m = x - batch_m
    output = jnp.where(onehot > 0, x_m, x)
    logits = S * output
    # cross_entropy with mean reduction, no class weights
    logp = jax.nn.log_softmax(logits, axis=-1)
    nll = -jnp.take_along_axis(logp, target[:, None].astype(jnp.int32), axis=1)[:, 0]
    return jnp.mean(nll)

if __name__ == "__main__":
    import jax
    _d = setup_inputs()
    print(jax.jit(kernel)(*tuple(_d.values())))

</pallas_src>

<mosaic_0001>
#map = affine_map<(d0, d1) -> (0, 0)>
#map1 = affine_map<(d0, d1) -> (0)>
module attributes {stable_mosaic.version = 14 : i64} {
  func.func @_ldam_body(%arg0: i32, %arg1: i32, %arg2: memref<100x16384xf32, #tpu.memory_space<hbm>>, %arg3: memref<16384xi32, #tpu.memory_space<hbm>>, %arg4: memref<100xf32, #tpu.memory_space<hbm>>, %arg5: memref<32x16xf32, #tpu.memory_space<hbm>>, %arg6: memref<100x512xf32, #tpu.memory_space<vmem>>, %arg7: memref<512xi32, #tpu.memory_space<vmem>>, %arg8: memref<112xf32, #tpu.memory_space<vmem>>, %arg9: memref<16xf32, #tpu.memory_space<vmem>>, %arg10: memref<!tpu.dma_semaphore, #tpu.memory_space<semaphore_mem>>) attributes {dimension_semantics = [#tpu.dimension_semantics<core_parallel>, #tpu.dimension_semantics<subcore_parallel>], iteration_bounds = array<i64: 2, 16>, scalar_prefetch = 0 : i64, scratch_operands = 5 : i64, tpu.core_type = #tpu.core_type<sc_vector_subcore>, window_params = [{transform_indices = #map}, {transform_indices = #map1}, {transform_indices = #map1}, {transform_indices = #map}]} {
    %mul3A = arith.constant 2 : i32
    %mul3A_0 = arith.muli %arg1, %mul3A : i32
    %add3A = arith.addi %mul3A_0, %arg0 : i32
    %mul3A_1 = arith.constant 512 : i32
    %mul3A_2 = arith.muli %add3A, %mul3A_1 : i32
    %dma_start3A = arith.constant 0 : i32
    %dma_start3A_3 = tpu.memref_slice %arg2[%dma_start3A, %mul3A_2] : memref<100x16384xf32, #tpu.memory_space<hbm>> -> memref<100x512xf32, #tpu.memory_space<hbm>>
    %dma_start3A_4 = arith.constant 0 : i32
    %dma_start3A_5 = tpu.memref_slice %arg2[%dma_start3A_4, %mul3A_2] : memref<100x16384xf32, #tpu.memory_space<hbm>> -> memref<100x512xf32, #tpu.memory_space<hbm>>
    tpu.enqueue_dma source(%dma_start3A_5 : memref<100x512xf32, #tpu.memory_space<hbm>>) target(%arg6 : memref<100x512xf32, #tpu.memory_space<vmem>>) target_semaphore(%arg10 : memref<!tpu.dma_semaphore, #tpu.memory_space<semaphore_mem>>)
    "tpu.region"() ({
      %run_scoped3A = tpu.sem_alloc : memref<!tpu.dma_semaphore, #tpu.memory_space<semaphore_mem>>
      %dma_start3A_97 = tpu.memref_slice %arg3[%mul3A_2] : memref<16384xi32, #tpu.memory_space<hbm>> -> memref<512xi32, #tpu.memory_space<hbm>>
      %dma_start3A_98 = tpu.memref_slice %arg3[%mul3A_2] : memref<16384xi32, #tpu.memory_space<hbm>> -> memref<512xi32, #tpu.memory_space<hbm>>
      tpu.enqueue_dma source(%dma_start3A_98 : memref<512xi32, #tpu.memory_space<hbm>>) target(%arg7 : memref<512xi32, #tpu.memory_space<vmem>>) target_semaphore(%run_scoped3A : memref<!tpu.dma_semaphore, #tpu.memory_space<semaphore_mem>>)
      %dma_wait3A_99 = tpu.memref_slice %arg3[%mul3A_2] : memref<16384xi32, #tpu.memory_space<hbm>> -> memref<512xi32, #tpu.memory_space<hbm>>
      %dma_wait3A_100 = tpu.memref_slice %arg3[%mul3A_2] : memref<16384xi32, #tpu.memory_space<hbm>> -> memref<512xi32, #tpu.memory_space<hbm>>
      tpu.wait_dma2 semaphore(%run_scoped3A : memref<!tpu.dma_semaphore, #tpu.memory_space<semaphore_mem>>) src(%dma_wait3A_100 : memref<512xi32, #tpu.memory_space<hbm>>) dst(%arg7 : memref<512xi32, #tpu.memory_space<vmem>>)
      tpu.yield
    }) : () -> ()
    "tpu.region"() ({
      %run_scoped3A = tpu.sem_alloc : memref<!tpu.dma_semaphore, #tpu.memory_space<semaphore_mem>>
      %dma_start3A_97 = arith.constant 0 : i32
      %dma_start3A_98 = tpu.memref_slice %arg8[%dma_start3A_97] : memref<112xf32, #tpu.memory_space<vmem>> -> memref<100xf32, #tpu.memory_space<vmem>>
      %dma_start3A_99 = arith.constant 0 : i32
      %dma_start3A_100 = tpu.memref_slice %arg8[%dma_start3A_99] : memref<112xf32, #tpu.memory_space<vmem>> -> memref<100xf32, #tpu.memory_space<vmem>>
      tpu.enqueue_dma source(%arg4 : memref<100xf32, #tpu.memory_space<hbm>>) target(%dma_start3A_100 : memref<100xf32, #tpu.memory_space<vmem>>) target_semaphore(%run_scoped3A : memref<!tpu.dma_semaphore, #tpu.memory_space<semaphore_mem>>)
      %dma_wait3A_101 = arith.constant 0 : i32
      %dma_wait3A_102 = tpu.memref_slice %arg8[%dma_wait3A_101] : memref<112xf32, #tpu.memory_space<vmem>> -> memref<100xf32, #tpu.memory_space<vmem>>
      %dma_wait3A_103 = arith.constant 0 : i32
      %dma_wait3A_104 = tpu.memref_slice %arg8[%dma_wait3A_103] : memref<112xf32, #tpu.memory_space<vmem>> -> memref<100xf32, #tpu.memory_space<vmem>>
      tpu.wait_dma2 semaphore(%run_scoped3A : memref<!tpu.dma_semaphore, #tpu.memory_space<semaphore_mem>>) src(%arg4 : memref<100xf32, #tpu.memory_space<hbm>>) dst(%dma_wait3A_104 : memref<100xf32, #tpu.memory_space<vmem>>)
      tpu.yield
    }) : () -> ()
    %broadcast_in_dim3A = arith.constant 0.000000e+00 : f32
    %broadcast_in_dim3A_6 = vector.broadcast %broadcast_in_dim3A : f32 to vector<16xf32>
    %iota3A = tpu.iota {dimensions = array<i32: 0>} : vector<16xi32>
    %eq3A = arith.constant 0 : i32
    %eq3A_7 = vector.broadcast %eq3A : i32 to vector<16xi32>
    %eq3A_8 = arith.cmpi eq, %iota3A, %eq3A_7 : vector<16xi32>
    %eq3A_9 = arith.constant 1 : i32
    %eq3A_10 = vector.broadcast %eq3A_9 : i32 to vector<16xi32>
    %eq3A_11 = arith.cmpi eq, %iota3A, %eq3A_10 : vector<16xi32>
    %eq3A_12 = arith.constant 2 : i32
    %eq3A_13 = vector.broadcast %eq3A_12 : i32 to vector<16xi32>
    %eq3A_14 = arith.cmpi eq, %iota3A, %eq3A_13 : vector<16xi32>
    %eq3A_15 = arith.constant 3 : i32
    %eq3A_16 = vector.broadcast %eq3A_15 : i32 to vector<16xi32>
    %eq3A_17 = arith.cmpi eq, %iota3A, %eq3A_16 : vector<16xi32>
    %eq3A_18 = arith.constant 4 : i32
    %eq3A_19 = vector.broadcast %eq3A_18 : i32 to vector<16xi32>
    %eq3A_20 = arith.cmpi eq, %iota3A, %eq3A_19 : vector<16xi32>
    %eq3A_21 = arith.constant 5 : i32
    %eq3A_22 = vector.broadcast %eq3A_21 : i32 to vector<16xi32>
    %eq3A_23 = arith.cmpi eq, %iota3A, %eq3A_22 : vector<16xi32>
    %eq3A_24 = arith.constant 6 : i32
    %eq3A_25 = vector.broadcast %eq3A_24 : i32 to vector<16xi32>
    %eq3A_26 = arith.cmpi eq, %iota3A, %eq3A_25 : vector<16xi32>
    %eq3A_27 = arith.constant 7 : i32
    %eq3A_28 = vector.broadcast %eq3A_27 : i32 to vector<16xi32>
    %eq3A_29 = arith.cmpi eq, %iota3A, %eq3A_28 : vector<16xi32>
    %eq3A_30 = arith.constant 8 : i32
    %eq3A_31 = vector.broadcast %eq3A_30 : i32 to vector<16xi32>
    %eq3A_32 = arith.cmpi eq, %iota3A, %eq3A_31 : vector<16xi32>
    %eq3A_33 = arith.constant 9 : i32
    %eq3A_34 = vector.broadcast %eq3A_33 : i32 to vector<16xi32>
    %eq3A_35 = arith.cmpi eq, %iota3A, %eq3A_34 : vector<16xi32>
    %eq3A_36 = arith.constant 10 : i32
    %eq3A_37 = vector.broadcast %eq3A_36 : i32 to vector<16xi32>
    %eq3A_38 = arith.cmpi eq, %iota3A, %eq3A_37 : vector<16xi32>
    %eq3A_39 = arith.constant 11 : i32
    %eq3A_40 = vector.broadcast %eq3A_39 : i32 to vector<16xi32>
    %eq3A_41 = arith.cmpi eq, %iota3A, %eq3A_40 : vector<16xi32>
    %eq3A_42 = arith.constant 12 : i32
    %eq3A_43 = vector.broadcast %eq3A_42 : i32 to vector<16xi32>
    %eq3A_44 = arith.cmpi eq, %iota3A, %eq3A_43 : vector<16xi32>
    %eq3A_45 = arith.constant 13 : i32
    %eq3A_46 = vector.broadcast %eq3A_45 : i32 to vector<16xi32>
    %eq3A_47 = arith.cmpi eq, %iota3A, %eq3A_46 : vector<16xi32>
    %eq3A_48 = arith.constant 14 : i32
    %eq3A_49 = vector.broadcast %eq3A_48 : i32 to vector<16xi32>
    %eq3A_50 = arith.cmpi eq, %iota3A, %eq3A_49 : vector<16xi32>
    %eq3A_51 = arith.constant 15 : i32
    %eq3A_52 = vector.broadcast %eq3A_51 : i32 to vector<16xi32>
    %eq3A_53 = arith.cmpi eq, %iota3A, %eq3A_52 : vector<16xi32>
    %get3A = arith.constant 0 : index
    %get3A_54 = tpu.vector_load %arg8[%get3A] {strides = array<i32>} : memref<112xf32, #tpu.memory_space<vmem>>, vector<16xf32>,
    %get3A_55 = vector.shape_cast %get3A_54 : vector<16xf32> to vector<16xf32>
    %get3A_56 = arith.constant 16 : index
    %get3A_57 = tpu.vector_load %arg8[%get3A_56] {strides = array<i32>} : memref<112xf32, #tpu.memory_space<vmem>>, vector<16xf32>,
    %get3A_58 = vector.shape_cast %get3A_57 : vector<16xf32> to vector<16xf32>
    %get3A_59 = arith.constant 32 : index
    %get3A_60 = tpu.vector_load %arg8[%get3A_59] {strides = array<i32>} : memref<112xf32, #tpu.memory_space<vmem>>, vector<16xf32>,
    %get3A_61 = vector.shape_cast %get3A_60 : vector<16xf32> to vector<16xf32>
    %get3A_62 = arith.constant 48 : index
    %get3A_63 = tpu.vector_load %arg8[%get3A_62] {strides = array<i32>} : memref<112xf32, #tpu.memory_space<vmem>>, vector<16xf32>,
    %get3A_64 = vector.shape_cast %get3A_63 : vector<16xf32> to vector<16xf32>
    %get3A_65 = arith.constant 64 : index
    %get3A_66 = tpu.vector_load %arg8[%get3A_65] {strides = array<i32>} : memref<112xf32, #tpu.memory_space<vmem>>, vector<16xf32>,
    %get3A_67 = vector.shape_cast %get3A_66 : vector<16xf32> to vector<16xf32>
    %get3A_68 = arith.constant 80 : index
    %get3A_69 = tpu.vector_load %arg8[%get3A_68] {strides = array<i32>} : memref<112xf32, #tpu.memory_space<vmem>>, vector<16xf32>,
    %get3A_70 = vector.shape_cast %get3A_69 : vector<16xf32> to vector<16xf32>
    %get3A_71 = arith.constant 96 : index
    %get3A_72 = tpu.vector_load %arg8[%get3A_71] {strides = array<i32>} : memref<112xf32, #tpu.memory_space<vmem>>, vector<16xf32>,
    %get3A_73 = vector.shape_cast %get3A_72 : vector<16xf32> to vector<16xf32>
    %dma_wait3A = arith.constant 0 : i32
    %dma_wait3A_74 = tpu.memref_slice %arg2[%dma_wait3A, %mul3A_2] : memref<100x16384xf32, #tpu.memory_space<hbm>> -> memref<100x512xf32, #tpu.memory_space<hbm>>
    %dma_wait3A_75 = arith.constant 0 : i32
    %dma_wait3A_76 = tpu.memref_slice %arg2[%dma_wait3A_75, %mul3A_2] : memref<100x16384xf32, #tpu.memory_space<hbm>> -> memref<100x512xf32, #tpu.memory_space<hbm>>
    tpu.wait_dma2 semaphore(%arg10 : memref<!tpu.dma_semaphore, #tpu.memory_space<semaphore_mem>>) src(%dma_wait3A_76 : memref<100x512xf32, #tpu.memory_space<hbm>>) dst(%arg6 : memref<100x512xf32, #tpu.memory_space<vmem>>)
    %scan3A = arith.constant 0 : i32
    %scan3A_77 = arith.constant 32 : i32
    %scan3A_78 = arith.addi %scan3A, %scan3A_77 : i32
    %scan3A_79 = arith.constant 1 : i32
    %scan3A_80 = scf.for %scan3A_97 = %scan3A to %scan3A_78 step %scan3A_79 iter_args(%scan3A_98 = %broadcast_in_dim3A_6) -> (vector<16xf32>)  : i32 {
      %mul3A_99 = arith.constant 16 : i32
      %mul3A_100 = arith.muli %scan3A_97, %mul3A_99 : i32
      %get3A_101 = arith.index_cast %mul3A_100 : i32 to index
      %get3A_102 = tpu.vector_load %arg7[%get3A_101] {strides = array<i32>} : memref<512xi32, #tpu.memory_space<vmem>>, vector<16xi32>,
      %get3A_103 = vector.shape_cast %get3A_102 : vector<16xi32> to vector<16xi32>
      %and3A = arith.constant 15 : i32
      %and3A_104 = vector.broadcast %and3A : i32 to vector<16xi32>
      %and3A_105 = arith.andi %get3A_103, %and3A_104 : vector<16xi32>
      %shift_right_logical3A = arith.constant 4 : i32
      %shift_right_logical3A_106 = vector.broadcast %shift_right_logical3A : i32 to vector<16xi32>
      %shift_right_logical3A_107 = arith.shrui %get3A_103, %shift_right_logical3A_106 : vector<16xi32>
      %broadcast_in_dim3A_108 = vector.shape_cast %and3A_105 : vector<16xi32> to vector<16x1xi32>
      %gather3A = vector.shape_cast %broadcast_in_dim3A_108 : vector<16x1xi32> to vector<16xi32>
      %gather3A_109 = tpu.dynamic_gather %get3A_55[%gather3A] in [0] : vector<16xf32>, vector<16xi32> -> vector<16xf32>
      %eq3A_110 = arith.constant 1 : i32
      %eq3A_111 = vector.broadcast %eq3A_110 : i32 to vector<16xi32>
      %eq3A_112 = arith.cmpi eq, %shift_right_logical3A_107, %eq3A_111 : vector<16xi32>
      %broadcast_in_dim3A_113 = vector.shape_cast %and3A_105 : vector<16xi32> to vector<16x1xi32>
      %gather3A_114 = vector.shape_cast %broadcast_in_dim3A_113 : vector<16x1xi32> to vector<16xi32>
      %gather3A_115 = tpu.dynamic_gather %get3A_58[%gather3A_114] in [0] : vector<16xf32>, vector<16xi32> -> vector<16xf32>
      %select_n3A = arith.select %eq3A_112, %gather3A_115, %gather3A_109 : vector<16xi1>, vector<16xf32>
      %eq3A_116 = arith.constant 2 : i32
      %eq3A_117 = vector.broadcast %eq3A_116 : i32 to vector<16xi32>
      %eq3A_118 = arith.cmpi eq, %shift_right_logical3A_107, %eq3A_117 : vector<16xi32>
      %broadcast_in_dim3A_119 = vector.shape_cast %and3A_105 : vector<16xi32> to vector<16x1xi32>
      %gather3A_120 = vector.shape_cast %broadcast_in_dim3A_119 : vector<16x1xi32> to vector<16xi32>
      %gather3A_121 = tpu.dynamic_gather %get3A_61[%gather3A_120] in [0] : vector<16xf32>, vector<16xi32> -> vector<16xf32>
      %select_n3A_122 = arith.select %eq3A_118, %gather3A_121, %select_n3A : vector<16xi1>, vector<16xf32>
      %eq3A_123 = arith.constant 3 : i32
      %eq3A_124 = vector.broadcast %eq3A_123 : i32 to vector<16xi32>
      %eq3A_125 = arith.cmpi eq, %shift_right_logical3A_107, %eq3A_124 : vector<16xi32>
      %broadcast_in_dim3A_126 = vector.shape_cast %and3A_105 : vector<16xi32> to vector<16x1xi32>
      %gather3A_127 = vector.shape_cast %broadcast_in_dim3A_126 : vector<16x1xi32> to vector<16xi32>
      %gather3A_128 = tpu.dynamic_gather %get3A_64[%gather3A_127] in [0] : vector<16xf32>, vector<16xi32> -> vector<16xf32>
      %select_n3A_129 = arith.select %eq3A_125, %gather3A_128, %select_n3A_122 : vector<16xi1>, vector<16xf32>
      %eq3A_130 = arith.constant 4 : i32
      %eq3A_131 = vector.broadcast %eq3A_130 : i32 to vector<16xi32>
      %eq3A_132 = arith.cmpi eq, %shift_right_logical3A_107, %eq3A_131 : vector<16xi32>
      %broadcast_in_dim3A_133 = vector.shape_cast %and3A_105 : vector<16xi32> to vector<16x1xi32>
      %gather3A_134 = vector.shape_cast %broadcast_in_dim3A_133 : vector<16x1xi32> to vector<16xi32>
      %gather3A_135 = tpu.dynamic_gather %get3A_67[%gather3A_134] in [0] : vector<16xf32>, vector<16xi32> -> vector<16xf32>
      %select_n3A_136 = arith.select %eq3A_132, %gather3A_135, %select_n3A_129 : vector<16xi1>, vector<16xf32>
      %eq3A_137 = arith.constant 5 : i32
      %eq3A_138 = vector.broadcast %eq3A_137 : i32 to vector<16xi32>
      %eq3A_139 = arith.cmpi eq, %shift_right_logical3A_107, %eq3A_138 : vector<16xi32>
      %broadcast_in_dim3A_140 = vector.shape_cast %and3A_105 : vector<16xi32> to vector<16x1xi32>
      %gather3A_141 = vector.shape_cast %broadcast_in_dim3A_140 : vector<16x1xi32> to vector<16xi32>
      %gather3A_142 = tpu.dynamic_gather %get3A_70[%gather3A_141] in [0] : vector<16xf32>, vector<16xi32> -> vector<16xf32>
      %select_n3A_143 = arith.select %eq3A_139, %gather3A_142, %select_n3A_136 : vector<16xi1>, vector<16xf32>
      %eq3A_144 = arith.constant 6 : i32
      %eq3A_145 = vector.broadcast %eq3A_144 : i32 to vector<16xi32>
      %eq3A_146 = arith.cmpi eq, %shift_right_logical3A_107, %eq3A_145 : vector<16xi32>
      %broadcast_in_dim3A_147 = vector.shape_cast %and3A_105 : vector<16xi32> to vector<16x1xi32>
      %gather3A_148 = vector.shape_cast %broadcast_in_dim3A_147 : vector<16x1xi32> to vector<16xi32>
      %gather3A_149 = tpu.dynamic_gather %get3A_73[%gather3A_148] in [0] : vector<16xf32>, vector<16xi32> -> vector<16xf32>
      %select_n3A_150 = arith.select %eq3A_146, %gather3A_149, %select_n3A_143 : vector<16xi1>, vector<16xf32>
      %slice3A = vector.extract_strided_slice %get3A_103 {offsets = [0], sizes = [1], strides = [1]} : vector<16xi32> to vector<1xi32>
      %squeeze3A = vector.extract %slice3A[0] : i32 from vector<1xi32>
      %get3A_151 = arith.index_cast %squeeze3A : i32 to index
      %get3A_152 = arith.index_cast %mul3A_100 : i32 to index
      %get3A_153 = tpu.vector_load %arg6[%get3A_151, %get3A_152] {strides = array<i32>} : memref<100x512xf32, #tpu.memory_space<vmem>>, vector<1x16xf32>,
      %get3A_154 = vector.shape_cast %get3A_153 : vector<1x16xf32> to vector<16xf32>
      %sub3A_155 = arith.subf %get3A_154, %select_n3A_150 : vector<16xf32>
      %select_n3A_156 = arith.select %eq3A_8, %sub3A_155, %get3A_154 : vector<16xi1>, vector<16xf32>
      %jit3A = arith.constant 0.000000e+00 : f32
      %broadcast_in_dim3A_157 = vector.broadcast %jit3A : f32 to vector<16xf32>
      %select_n3A_158 = arith.select %eq3A_8, %select_n3A_156, %broadcast_in_dim3A_157 : vector<16xi1>, vector<16xf32>
      %add3A_159 = arith.addf %scan3A_98, %select_n3A_158 : vector<16xf32>
      %swap3A_160 = arith.index_cast %squeeze3A : i32 to index
      %swap3A_161 = arith.index_cast %mul3A_100 : i32 to index
      %swap3A_162 = tpu.vector_load %arg6[%swap3A_160, %swap3A_161] {strides = array<i32>} : memref<100x512xf32, #tpu.memory_space<vmem>>, vector<1x16xf32>,
      %swap3A_163 = vector.shape_cast %swap3A_162 : vector<1x16xf32> to vector<16xf32>
      %swap3A_164 = vector.shape_cast %select_n3A_156 : vector<16xf32> to vector<1x16xf32>
      tpu.vector_store %arg6[%swap3A_160, %swap3A_161], %swap3A_164 {strides = array<i32>} : memref<100x512xf32, #tpu.memory_space<vmem>>, vector<1x16xf32>,
      %slice3A_165 = vector.extract_strided_slice %get3A_103 {offsets = [1], sizes = [1], strides = [1]} : vector<16xi32> to vector<1xi32>
      %squeeze3A_166 = vector.extract %slice3A_165[0] : i32 from vector<1xi32>
      %get3A_167 = arith.index_cast %squeeze3A_166 : i32 to index
      %get3A_168 = arith.index_cast %mul3A_100 : i32 to index
      %get3A_169 = tpu.vector_load %arg6[%get3A_167, %get3A_168] {strides = array<i32>} : memref<100x512xf32, #tpu.memory_space<vmem>>, vector<1x16xf32>,
      %get3A_170 = vector.shape_cast %get3A_169 : vector<1x16xf32> to vector<16xf32>
      %sub3A_171 = arith.subf %get3A_170, %select_n3A_150 : vector<16xf32>
      %select_n3A_172 = arith.select %eq3A_11, %sub3A_171, %get3A_170 : vector<16xi1>, vector<16xf32>
      %jit3A_173 = arith.constant 0.000000e+00 : f32
      %broadcast_in_dim3A_174 = vector.broadcast %jit3A_173 : f32 to vector<16xf32>
      %select_n3A_175 = arith.select %eq3A_11, %select_n3A_172, %broadcast_in_dim3A_174 : vector<16xi1>, vector<16xf32>
      %add3A_176 = arith.addf %add3A_159, %select_n3A_175 : vector<16xf32>
      %swap3A_177 = arith.index_cast %squeeze3A_166 : i32 to index
      %swap3A_178 = arith.index_cast %mul3A_100 : i32 to index
      %swap3A_179 = tpu.vector_load %arg6[%swap3A_177, %swap3A_178] {strides = array<i32>} : memref<100x512xf32, #tpu.memory_space<vmem>>, vector<1x16xf32>,
      %swap3A_180 = vector.shape_cast %swap3A_179 : vector<1x16xf32> to vector<16xf32>
      %swap3A_181 = vector.shape_cast %select_n3A_172 : vector<16xf32> to vector<1x16xf32>
      tpu.vector_store %arg6[%swap3A_177, %swap3A_178], %swap3A_181 {strides = array<i32>} : memref<100x512xf32, #tpu.memory_space<vmem>>, vector<1x16xf32>,
      %slice3A_182 = vector.extract_strided_slice %get3A_103 {offsets = [2], sizes = [1], strides = [1]} : vector<16xi32> to vector<1xi32>
      %squeeze3A_183 = vector.extract %slice3A_182[0] : i32 from vector<1xi32>
      %get3A_184 = arith.index_cast %squeeze3A_183 : i32 to index
      %get3A_185 = arith.index_cast %mul3A_100 : i32 to index
      %get3A_186 = tpu.vector_load %arg6[%get3A_184, %get3A_185] {strides = array<i32>} : memref<100x512xf32, #tpu.memory_space<vmem>>, vector<1x16xf32>,
      %get3A_187 = vector.shape_cast %get3A_186 : vector<1x16xf32> to vector<16xf32>
      %sub3A_188 = arith.subf %get3A_187, %select_n3A_150 : vector<16xf32>
      %select_n3A_189 = arith.select %eq3A_14, %sub3A_188, %get3A_187 : vector<16xi1>, vector<16xf32>
      %jit3A_190 = arith.constant 0.000000e+00 : f32
      %broadcast_in_dim3A_191 = vector.broadcast %jit3A_190 : f32 to vector<16xf32>
      %select_n3A_192 = arith.select %eq3A_14, %select_n3A_189, %broadcast_in_dim3A_191 : vector<16xi1>, vector<16xf32>
      %add3A_193 = arith.addf %add3A_176, %select_n3A_192 : vector<16xf32>
      %swap3A_194 = arith.index_cast %squeeze3A_183 : i32 to index
      %swap3A_195 = arith.index_cast %mul3A_100 : i32 to index
      %swap3A_196 = tpu.vector_load %arg6[%swap3A_194, %swap3A_195] {strides = array<i32>} : memref<100x512xf32, #tpu.memory_space<vmem>>, vector<1x16xf32>,
      %swap3A_197 = vector.shape_cast %swap3A_196 : vector<1x16xf32> to vector<16xf32>
      %swap3A_198 = vector.shape_cast %select_n3A_189 : vector<16xf32> to vector<1x16xf32>
      tpu.vector_store %arg6[%swap3A_194, %swap3A_195], %swap3A_198 {strides = array<i32>} : memref<100x512xf32, #tpu.memory_space<vmem>>, vector<1x16xf32>,
      %slice3A_199 = vector.extract_strided_slice %get3A_103 {offsets = [3], sizes = [1], strides = [1]} : vector<16xi32> to vector<1xi32>
      %squeeze3A_200 = vector.extract %slice3A_199[0] : i32 from vector<1xi32>
      %get3A_201 = arith.index_cast %squeeze3A_200 : i32 to index
      %get3A_202 = arith.index_cast %mul3A_100 : i32 to index
      %get3A_203 = tpu.vector_load %arg6[%get3A_201, %get3A_202] {strides = array<i32>} : memref<100x512xf32, #tpu.memory_space<vmem>>, vector<1x16xf32>,
      %get3A_204 = vector.shape_cast %get3A_203 : vector<1x16xf32> to vector<16xf32>
      %sub3A_205 = arith.subf %get3A_204, %select_n3A_150 : vector<16xf32>
      %select_n3A_206 = arith.select %eq3A_17, %sub3A_205, %get3A_204 : vector<16xi1>, vector<16xf32>
      %jit3A_207 = arith.constant 0.000000e+00 : f32
      %broadcast_in_dim3A_208 = vector.broadcast %jit3A_207 : f32 to vector<16xf32>
      %select_n3A_209 = arith.select %eq3A_17, %select_n3A_206, %broadcast_in_dim3A_208 : vector<16xi1>, vector<16xf32>
      %add3A_210 = arith.addf %add3A_193, %select_n3A_209 : vector<16xf32>
      %swap3A_211 = arith.index_cast %squeeze3A_200 : i32 to index
      %swap3A_212 = arith.index_cast %mul3A_100 : i32 to index
      %swap3A_213 = tpu.vector_load %arg6[%swap3A_211, %swap3A_212] {strides = array<i32>} : memref<100x512xf32, #tpu.memory_space<vmem>>, vector<1x16xf32>,
      %swap3A_214 = vector.shape_cast %swap3A_213 : vector<1x16xf32> to vector<16xf32>
      %swap3A_215 = vector.shape_cast %select_n3A_206 : vector<16xf32> to vector<1x16xf32>
      tpu.vector_store %arg6[%swap3A_211, %swap3A_212], %swap3A_215 {strides = array<i32>} : memref<100x512xf32, #tpu.memory_space<vmem>>, vector<1x16xf32>,
      %slice3A_216 = vector.extract_strided_slice %get3A_103 {offsets = [4], sizes = [1], strides = [1]} : vector<16xi32> to vector<1xi32>
      %squeeze3A_217 = vector.extract %slice3A_216[0] : i32 from vector<1xi32>
      %get3A_218 = arith.index_cast %squeeze3A_217 : i32 to index
      %get3A_219 = arith.index_cast %mul3A_100 : i32 to index
      %get3A_220 = tpu.vector_load %arg6[%get3A_218, %get3A_219] {strides = array<i32>} : memref<100x512xf32, #tpu.memory_space<vmem>>, vector<1x16xf32>,
      %get3A_221 = vector.shape_cast %get3A_220 : vector<1x16xf32> to vector<16xf32>
      %sub3A_222 = arith.subf %get3A_221, %select_n3A_150 : vector<16xf32>
      %select_n3A_223 = arith.select %eq3A_20, %sub3A_222, %get3A_221 : vector<16xi1>, vector<16xf32>
      %jit3A_224 = arith.constant 0.000000e+00 : f32
      %broadcast_in_dim3A_225 = vector.broadcast %jit3A_224 : f32 to vector<16xf32>
      %select_n3A_226 = arith.select %eq3A_20, %select_n3A_223, %broadcast_in_dim3A_225 : vector<16xi1>, vector<16xf32>
      %add3A_227 = arith.addf %add3A_210, %select_n3A_226 : vector<16xf32>
      %swap3A_228 = arith.index_cast %squeeze3A_217 : i32 to index
      %swap3A_229 = arith.index_cast %mul3A_100 : i32 to index
      %swap3A_230 = tpu.vector_load %arg6[%swap3A_228, %swap3A_229] {strides = array<i32>} : memref<100x512xf32, #tpu.memory_space<vmem>>, vector<1x16xf32>,
      %swap3A_231 = vector.shape_cast %swap3A_230 : vector<1x16xf32> to vector<16xf32>
      %swap3A_232 = vector.shape_cast %select_n3A_223 : vector<16xf32> to vector<1x16xf32>
      tpu.vector_store %arg6[%swap3A_228, %swap3A_229], %swap3A_232 {strides = array<i32>} : memref<100x512xf32, #tpu.memory_space<vmem>>, vector<1x16xf32>,
      %slice3A_233 = vector.extract_strided_slice %get3A_103 {offsets = [5], sizes = [1], strides = [1]} : vector<16xi32> to vector<1xi32>
      %squeeze3A_234 = vector.extract %slice3A_233[0] : i32 from vector<1xi32>
      %get3A_235 = arith.index_cast %squeeze3A_234 : i32 to index
      %get3A_236 = arith.index_cast %mul3A_100 : i32 to index
      %get3A_237 = tpu.vector_load %arg6[%get3A_235, %get3A_236] {strides = array<i32>} : memref<100x512xf32, #tpu.memory_space<vmem>>, vector<1x16xf32>,
      %get3A_238 = vector.shape_cast %get3A_237 : vector<1x16xf32> to vector<16xf32>
      %sub3A_239 = arith.subf %get3A_238, %select_n3A_150 : vector<16xf32>
      %select_n3A_240 = arith.select %eq3A_23, %sub3A_239, %get3A_238 : vector<16xi1>, vector<16xf32>
      %jit3A_241 = arith.constant 0.000000e+00 : f32
      %broadcast_in_dim3A_242 = vector.broadcast %jit3A_241 : f32 to vector<16xf32>
      %select_n3A_243 = arith.select %eq3A_23, %select_n3A_240, %broadcast_in_dim3A_242 : vector<16xi1>, vector<16xf32>
      %add3A_244 = arith.addf %add3A_227, %select_n3A_243 : vector<16xf32>
      %swap3A_245 = arith.index_cast %squeeze3A_234 : i32 to index
      %swap3A_246 = arith.index_cast %mul3A_100 : i32 to index
      %swap3A_247 = tpu.vector_load %arg6[%swap3A_245, %swap3A_246] {strides = array<i32>} : memref<100x512xf32, #tpu.memory_space<vmem>>, vector<1x16xf32>,
      %swap3A_248 = vector.shape_cast %swap3A_247 : vector<1x16xf32> to vector<16xf32>
      %swap3A_249 = vector.shape_cast %select_n3A_240 : vector<16xf32> to vector<1x16xf32>
      tpu.vector_store %arg6[%swap3A_245, %swap3A_246], %swap3A_249 {strides = array<i32>} : memref<100x512xf32, #tpu.memory_space<vmem>>, vector<1x16xf32>,
      %slice3A_250 = vector.extract_strided_slice %get3A_103 {offsets = [6], sizes = [1], strides = [1]} : vector<16xi32> to vector<1xi32>
      %squeeze3A_251 = vector.extract %slice3A_250[0] : i32 from vector<1xi32>
      %get3A_252 = arith.index_cast %squeeze3A_251 : i32 to index
      %get3A_253 = arith.index_cast %mul3A_100 : i32 to index
      %get3A_254 = tpu.vector_load %arg6[%get3A_252, %get3A_253] {strides = array<i32>} : memref<100x512xf32, #tpu.memory_space<vmem>>, vector<1x16xf32>,
      %get3A_255 = vector.shape_cast %get3A_254 : vector<1x16xf32> to vector<16xf32>
      %sub3A_256 = arith.subf %get3A_255, %select_n3A_150 : vector<16xf32>
      %select_n3A_257 = arith.select %eq3A_26, %sub3A_256, %get3A_255 : vector<16xi1>, vector<16xf32>
      %jit3A_258 = arith.constant 0.000000e+00 : f32
      %broadcast_in_dim3A_259 = vector.broadcast %jit3A_258 : f32 to vector<16xf32>
      %select_n3A_260 = arith.select %eq3A_26, %select_n3A_257, %broadcast_in_dim3A_259 : vector<16xi1>, vector<16xf32>
      %add3A_261 = arith.addf %add3A_244, %select_n3A_260 : vector<16xf32>
      %swap3A_262 = arith.index_cast %squeeze3A_251 : i32 to index
      %swap3A_263 = arith.index_cast %mul3A_100 : i32 to index
      %swap3A_264 = tpu.vector_load %arg6[%swap3A_262, %swap3A_263] {strides = array<i32>} : memref<100x512xf32, #tpu.memory_space<vmem>>, vector<1x16xf32>,
      %swap3A_265 = vector.shape_cast %swap3A_264 : vector<1x16xf32> to vector<16xf32>
      %swap3A_266 = vector.shape_cast %select_n3A_257 : vector<16xf32> to vector<1x16xf32>
      tpu.vector_store %arg6[%swap3A_262, %swap3A_263], %swap3A_266 {strides = array<i32>} : memref<100x512xf32, #tpu.memory_space<vmem>>, vector<1x16xf32>,
      %slice3A_267 = vector.extract_strided_slice %get3A_103 {offsets = [7], sizes = [1], strides = [1]} : vector<16xi32> to vector<1xi32>
      %squeeze3A_268 = vector.extract %slice3A_267[0] : i32 from vector<1xi32>
      %get3A_269 = arith.index_cast %squeeze3A_268 : i32 to index
      %get3A_270 = arith.index_cast %mul3A_100 : i32 to index
      %get3A_271 = tpu.vector_load %arg6[%get3A_269, %get3A_270] {strides = array<i32>} : memref<100x512xf32, #tpu.memory_space<vmem>>, vector<1x16xf32>,
      %get3A_272 = vector.shape_cast %get3A_271 : vector<1x16xf32> to vector<16xf32>
      %sub3A_273 = arith.subf %get3A_272, %select_n3A_150 : vector<16xf32>
      %select_n3A_274 = arith.select %eq3A_29, %sub3A_273, %get3A_272 : vector<16xi1>, vector<16xf32>
      %jit3A_275 = arith.constant 0.000000e+00 : f32
      %broadcast_in_dim3A_276 = vector.broadcast %jit3A_275 : f32 to vector<16xf32>
      %select_n3A_277 = arith.select %eq3A_29, %select_n3A_274, %broadcast_in_dim3A_276 : vector<16xi1>, vector<16xf32>
      %add3A_278 = arith.addf %add3A_261, %select_n3A_277 : vector<16xf32>
      %swap3A_279 = arith.index_cast %squeeze3A_268 : i32 to index
      %swap3A_280 = arith.index_cast %mul3A_100 : i32 to index
      %swap3A_281 = tpu.vector_load %arg6[%swap3A_279, %swap3A_280] {strides = array<i32>} : memref<100x512xf32, #tpu.memory_space<vmem>>, vector<1x16xf32>,
      %swap3A_282 = vector.shape_cast %swap3A_281 : vector<1x16xf32> to vector<16xf32>
      %swap3A_283 = vector.shape_cast %select_n3A_274 : vector<16xf32> to vector<1x16xf32>
      tpu.vector_store %arg6[%swap3A_279, %swap3A_280], %swap3A_283 {strides = array<i32>} : memref<100x512xf32, #tpu.memory_space<vmem>>, vector<1x16xf32>,
      %slice3A_284 = vector.extract_strided_slice %get3A_103 {offsets = [8], sizes = [1], strides = [1]} : vector<16xi32> to vector<1xi32>
      %squeeze3A_285 = vector.extract %slice3A_284[0] : i32 from vector<1xi32>
      %get3A_286 = arith.index_cast %squeeze3A_285 : i32 to index
      %get3A_287 = arith.index_cast %mul3A_100 : i32 to index
      %get3A_288 = tpu.vector_load %arg6[%get3A_286, %get3A_287] {strides = array<i32>} : memref<100x512xf32, #tpu.memory_space<vmem>>, vector<1x16xf32>,
      %get3A_289 = vector.shape_cast %get3A_288 : vector<1x16xf32> to vector<16xf32>
      %sub3A_290 = arith.subf %get3A_289, %select_n3A_150 : vector<16xf32>
      %select_n3A_291 = arith.select %eq3A_32, %sub3A_290, %get3A_289 : vector<16xi1>, vector<16xf32>
      %jit3A_292 = arith.constant 0.000000e+00 : f32
      %broadcast_in_dim3A_293 = vector.broadcast %jit3A_292 : f32 to vector<16xf32>
      %select_n3A_294 = arith.select %eq3A_32, %select_n3A_291, %broadcast_in_dim3A_293 : vector<16xi1>, vector<16xf32>
      %add3A_295 = arith.addf %add3A_278, %select_n3A_294 : vector<16xf32>
      %swap3A_296 = arith.index_cast %squeeze3A_285 : i32 to index
      %swap3A_297 = arith.index_cast %mul3A_100 : i32 to index
      %swap3A_298 = tpu.vector_load %arg6[%swap3A_296, %swap3A_297] {strides = array<i32>} : memref<100x512xf32, #tpu.memory_space<vmem>>, vector<1x16xf32>,
      %swap3A_299 = vector.shape_cast %swap3A_298 : vector<1x16xf32> to vector<16xf32>
      %swap3A_300 = vector.shape_cast %select_n3A_291 : vector<16xf32> to vector<1x16xf32>
      tpu.vector_store %arg6[%swap3A_296, %swap3A_297], %swap3A_300 {strides = array<i32>} : memref<100x512xf32, #tpu.memory_space<vmem>>, vector<1x16xf32>,
      %slice3A_301 = vector.extract_strided_slice %get3A_103 {offsets = [9], sizes = [1], strides = [1]} : vector<16xi32> to vector<1xi32>
      %squeeze3A_302 = vector.extract %slice3A_301[0] : i32 from vector<1xi32>
      %get3A_303 = arith.index_cast %squeeze3A_302 : i32 to index
      %get3A_304 = arith.index_cast %mul3A_100 : i32 to index
      %get3A_305 = tpu.vector_load %arg6[%get3A_303, %get3A_304] {strides = array<i32>} : memref<100x512xf32, #tpu.memory_space<vmem>>, vector<1x16xf32>,
      %get3A_306 = vector.shape_cast %get3A_305 : vector<1x16xf32> to vector<16xf32>
      %sub3A_307 = arith.subf %get3A_306, %select_n3A_150 : vector<16xf32>
      %select_n3A_308 = arith.select %eq3A_35, %sub3A_307, %get3A_306 : vector<16xi1>, vector<16xf32>
      %jit3A_309 = arith.constant 0.000000e+00 : f32
      %broadcast_in_dim3A_310 = vector.broadcast %jit3A_309 : f32 to vector<16xf32>
      %select_n3A_311 = arith.select %eq3A_35, %select_n3A_308, %broadcast_in_dim3A_310 : vector<16xi1>, vector<16xf32>
      %add3A_312 = arith.addf %add3A_295, %select_n3A_311 : vector<16xf32>
      %swap3A_313 = arith.index_cast %squeeze3A_302 : i32 to index
      %swap3A_314 = arith.index_cast %mul3A_100 : i32 to index
      %swap3A_315 = tpu.vector_load %arg6[%swap3A_313, %swap3A_314] {strides = array<i32>} : memref<100x512xf32, #tpu.memory_space<vmem>>, vector<1x16xf32>,
      %swap3A_316 = vector.shape_cast %swap3A_315 : vector<1x16xf32> to vector<16xf32>
      %swap3A_317 = vector.shape_cast %select_n3A_308 : vector<16xf32> to vector<1x16xf32>
      tpu.vector_store %arg6[%swap3A_313, %swap3A_314], %swap3A_317 {strides = array<i32>} : memref<100x512xf32, #tpu.memory_space<vmem>>, vector<1x16xf32>,
      %slice3A_318 = vector.extract_strided_slice %get3A_103 {offsets = [10], sizes = [1], strides = [1]} : vector<16xi32> to vector<1xi32>
      %squeeze3A_319 = vector.extract %slice3A_318[0] : i32 from vector<1xi32>
      %get3A_320 = arith.index_cast %squeeze3A_319 : i32 to index
      %get3A_321 = arith.index_cast %mul3A_100 : i32 to index
      %get3A_322 = tpu.vector_load %arg6[%get3A_320, %get3A_321] {strides = array<i32>} : memref<100x512xf32, #tpu.memory_space<vmem>>, vector<1x16xf32>,
      %get3A_323 = vector.shape_cast %get3A_322 : vector<1x16xf32> to vector<16xf32>
      %sub3A_324 = arith.subf %get3A_323, %select_n3A_150 : vector<16xf32>
      %select_n3A_325 = arith.select %eq3A_38, %sub3A_324, %get3A_323 : vector<16xi1>, vector<16xf32>
      %jit3A_326 = arith.constant 0.000000e+00 : f32
      %broadcast_in_dim3A_327 = vector.broadcast %jit3A_326 : f32 to vector<16xf32>
      %select_n3A_328 = arith.select %eq3A_38, %select_n3A_325, %broadcast_in_dim3A_327 : vector<16xi1>, vector<16xf32>
      %add3A_329 = arith.addf %add3A_312, %select_n3A_328 : vector<16xf32>
      %swap3A_330 = arith.index_cast %squeeze3A_319 : i32 to index
      %swap3A_331 = arith.index_cast %mul3A_100 : i32 to index
      %swap3A_332 = tpu.vector_load %arg6[%swap3A_330, %swap3A_331] {strides = array<i32>} : memref<100x512xf32, #tpu.memory_space<vmem>>, vector<1x16xf32>,
      %swap3A_333 = vector.shape_cast %swap3A_332 : vector<1x16xf32> to vector<16xf32>
      %swap3A_334 = vector.shape_cast %select_n3A_325 : vector<16xf32> to vector<1x16xf32>
      tpu.vector_store %arg6[%swap3A_330, %swap3A_331], %swap3A_334 {strides = array<i32>} : memref<100x512xf32, #tpu.memory_space<vmem>>, vector<1x16xf32>,
      %slice3A_335 = vector.extract_strided_slice %get3A_103 {offsets = [11], sizes = [1], strides = [1]} : vector<16xi32> to vector<1xi32>
      %squeeze3A_336 = vector.extract %slice3A_335[0] : i32 from vector<1xi32>
      %get3A_337 = arith.index_cast %squeeze3A_336 : i32 to index
      %get3A_338 = arith.index_cast %mul3A_100 : i32 to index
      %get3A_339 = tpu.vector_load %arg6[%get3A_337, %get3A_338] {strides = array<i32>} : memref<100x512xf32, #tpu.memory_space<vmem>>, vector<1x16xf32>,
      %get3A_340 = vector.shape_cast %get3A_339 : vector<1x16xf32> to vector<16xf32>
      %sub3A_341 = arith.subf %get3A_340, %select_n3A_150 : vector<16xf32>
      %select_n3A_342 = arith.select %eq3A_41, %sub3A_341, %get3A_340 : vector<16xi1>, vector<16xf32>
      %jit3A_343 = arith.constant 0.000000e+00 : f32
      %broadcast_in_dim3A_344 = vector.broadcast %jit3A_343 : f32 to vector<16xf32>
      %select_n3A_345 = arith.select %eq3A_41, %select_n3A_342, %broadcast_in_dim3A_344 : vector<16xi1>, vector<16xf32>
      %add3A_346 = arith.addf %add3A_329, %select_n3A_345 : vector<16xf32>
      %swap3A_347 = arith.index_cast %squeeze3A_336 : i32 to index
      %swap3A_348 = arith.index_cast %mul3A_100 : i32 to index
      %swap3A_349 = tpu.vector_load %arg6[%swap3A_347, %swap3A_348] {strides = array<i32>} : memref<100x512xf32, #tpu.memory_space<vmem>>, vector<1x16xf32>,
      %swap3A_350 = vector.shape_cast %swap3A_349 : vector<1x16xf32> to vector<16xf32>
      %swap3A_351 = vector.shape_cast %select_n3A_342 : vector<16xf32> to vector<1x16xf32>
      tpu.vector_store %arg6[%swap3A_347, %swap3A_348], %swap3A_351 {strides = array<i32>} : memref<100x512xf32, #tpu.memory_space<vmem>>, vector<1x16xf32>,
      %slice3A_352 = vector.extract_strided_slice %get3A_103 {offsets = [12], sizes = [1], strides = [1]} : vector<16xi32> to vector<1xi32>
      %squeeze3A_353 = vector.extract %slice3A_352[0] : i32 from vector<1xi32>
      %get3A_354 = arith.index_cast %squeeze3A_353 : i32 to index
      %get3A_355 = arith.index_cast %mul3A_100 : i32 to index
      %get3A_356 = tpu.vector_load %arg6[%get3A_354, %get3A_355] {strides = array<i32>} : memref<100x512xf32, #tpu.memory_space<vmem>>, vector<1x16xf32>,
      %get3A_357 = vector.shape_cast %get3A_356 : vector<1x16xf32> to vector<16xf32>
      %sub3A_358 = arith.subf %get3A_357, %select_n3A_150 : vector<16xf32>
      %select_n3A_359 = arith.select %eq3A_44, %sub3A_358, %get3A_357 : vector<16xi1>, vector<16xf32>
      %jit3A_360 = arith.constant 0.000000e+00 : f32
      %broadcast_in_dim3A_361 = vector.broadcast %jit3A_360 : f32 to vector<16xf32>
      %select_n3A_362 = arith.select %eq3A_44, %select_n3A_359, %broadcast_in_dim3A_361 : vector<16xi1>, vector<16xf32>
      %add3A_363 = arith.addf %add3A_346, %select_n3A_362 : vector<16xf32>
      %swap3A_364 = arith.index_cast %squeeze3A_353 : i32 to index
      %swap3A_365 = arith.index_cast %mul3A_100 : i32 to index
      %swap3A_366 = tpu.vector_load %arg6[%swap3A_364, %swap3A_365] {strides = array<i32>} : memref<100x512xf32, #tpu.memory_space<vmem>>, vector<1x16xf32>,
      %swap3A_367 = vector.shape_cast %swap3A_366 : vector<1x16xf32> to vector<16xf32>
      %swap3A_368 = vector.shape_cast %select_n3A_359 : vector<16xf32> to vector<1x16xf32>
      tpu.vector_store %arg6[%swap3A_364, %swap3A_365], %swap3A_368 {strides = array<i32>} : memref<100x512xf32, #tpu.memory_space<vmem>>, vector<1x16xf32>,
      %slice3A_369 = vector.extract_strided_slice %get3A_103 {offsets = [13], sizes = [1], strides = [1]} : vector<16xi32> to vector<1xi32>
      %squeeze3A_370 = vector.extract %slice3A_369[0] : i32 from vector<1xi32>
      %get3A_371 = arith.index_cast %squeeze3A_370 : i32 to index
      %get3A_372 = arith.index_cast %mul3A_100 : i32 to index
      %get3A_373 = tpu.vector_load %arg6[%get3A_371, %get3A_372] {strides = array<i32>} : memref<100x512xf32, #tpu.memory_space<vmem>>, vector<1x16xf32>,
      %get3A_374 = vector.shape_cast %get3A_373 : vector<1x16xf32> to vector<16xf32>
      %sub3A_375 = arith.subf %get3A_374, %select_n3A_150 : vector<16xf32>
      %select_n3A_376 = arith.select %eq3A_47, %sub3A_375, %get3A_374 : vector<16xi1>, vector<16xf32>
      %jit3A_377 = arith.constant 0.000000e+00 : f32
      %broadcast_in_dim3A_378 = vector.broadcast %jit3A_377 : f32 to vector<16xf32>
      %select_n3A_379 = arith.select %eq3A_47, %select_n3A_376, %broadcast_in_dim3A_378 : vector<16xi1>, vector<16xf32>
      %add3A_380 = arith.addf %add3A_363, %select_n3A_379 : vector<16xf32>
      %swap3A_381 = arith.index_cast %squeeze3A_370 : i32 to index
      %swap3A_382 = arith.index_cast %mul3A_100 : i32 to index
      %swap3A_383 = tpu.vector_load %arg6[%swap3A_381, %swap3A_382] {strides = array<i32>} : memref<100x512xf32, #tpu.memory_space<vmem>>, vector<1x16xf32>,
      %swap3A_384 = vector.shape_cast %swap3A_383 : vector<1x16xf32> to vector<16xf32>
      %swap3A_385 = vector.shape_cast %select_n3A_376 : vector<16xf32> to vector<1x16xf32>
      tpu.vector_store %arg6[%swap3A_381, %swap3A_382], %swap3A_385 {strides = array<i32>} : memref<100x512xf32, #tpu.memory_space<vmem>>, vector<1x16xf32>,
      %slice3A_386 = vector.extract_strided_slice %get3A_103 {offsets = [14], sizes = [1], strides = [1]} : vector<16xi32> to vector<1xi32>
      %squeeze3A_387 = vector.extract %slice3A_386[0] : i32 from vector<1xi32>
      %get3A_388 = arith.index_cast %squeeze3A_387 : i32 to index
      %get3A_389 = arith.index_cast %mul3A_100 : i32 to index
      %get3A_390 = tpu.vector_load %arg6[%get3A_388, %get3A_389] {strides = array<i32>} : memref<100x512xf32, #tpu.memory_space<vmem>>, vector<1x16xf32>,
      %get3A_391 = vector.shape_cast %get3A_390 : vector<1x16xf32> to vector<16xf32>
      %sub3A_392 = arith.subf %get3A_391, %select_n3A_150 : vector<16xf32>
      %select_n3A_393 = arith.select %eq3A_50, %sub3A_392, %get3A_391 : vector<16xi1>, vector<16xf32>
      %jit3A_394 = arith.constant 0.000000e+00 : f32
      %broadcast_in_dim3A_395 = vector.broadcast %jit3A_394 : f32 to vector<16xf32>
      %select_n3A_396 = arith.select %eq3A_50, %select_n3A_393, %broadcast_in_dim3A_395 : vector<16xi1>, vector<16xf32>
      %add3A_397 = arith.addf %add3A_380, %select_n3A_396 : vector<16xf32>
      %swap3A_398 = arith.index_cast %squeeze3A_387 : i32 to index
      %swap3A_399 = arith.index_cast %mul3A_100 : i32 to index
      %swap3A_400 = tpu.vector_load %arg6[%swap3A_398, %swap3A_399] {strides = array<i32>} : memref<100x512xf32, #tpu.memory_space<vmem>>, vector<1x16xf32>,
      %swap3A_401 = vector.shape_cast %swap3A_400 : vector<1x16xf32> to vector<16xf32>
      %swap3A_402 = vector.shape_cast %select_n3A_393 : vector<16xf32> to vector<1x16xf32>
      tpu.vector_store %arg6[%swap3A_398, %swap3A_399], %swap3A_402 {strides = array<i32>} : memref<100x512xf32, #tpu.memory_space<vmem>>, vector<1x16xf32>,
      %slice3A_403 = vector.extract_strided_slice %get3A_103 {offsets = [15], sizes = [1], strides = [1]} : vector<16xi32> to vector<1xi32>
      %squeeze3A_404 = vector.extract %slice3A_403[0] : i32 from vector<1xi32>
      %get3A_405 = arith.index_cast %squeeze3A_404 : i32 to index
      %get3A_406 = arith.index_cast %mul3A_100 : i32 to index
      %get3A_407 = tpu.vector_load %arg6[%get3A_405, %get3A_406] {strides = array<i32>} : memref<100x512xf32, #tpu.memory_space<vmem>>, vector<1x16xf32>,
      %get3A_408 = vector.shape_cast %get3A_407 : vector<1x16xf32> to vector<16xf32>
      %sub3A_409 = arith.subf %get3A_408, %select_n3A_150 : vector<16xf32>
      %select_n3A_410 = arith.select %eq3A_53, %sub3A_409, %get3A_408 : vector<16xi1>, vector<16xf32>
      %jit3A_411 = arith.constant 0.000000e+00 : f32
      %broadcast_in_dim3A_412 = vector.broadcast %jit3A_411 : f32 to vector<16xf32>
      %select_n3A_413 = arith.select %eq3A_53, %select_n3A_410, %broadcast_in_dim3A_412 : vector<16xi1>, vector<16xf32>
      %add3A_414 = arith.addf %add3A_397, %select_n3A_413 : vector<16xf32>
      %swap3A_415 = arith.index_cast %squeeze3A_404 : i32 to index
      %swap3A_416 = arith.index_cast %mul3A_100 : i32 to index
      %swap3A_417 = tpu.vector_load %arg6[%swap3A_415, %swap3A_416] {strides = array<i32>} : memref<100x512xf32, #tpu.memory_space<vmem>>, vector<1x16xf32>,
      %swap3A_418 = vector.shape_cast %swap3A_417 : vector<1x16xf32> to vector<16xf32>
      %swap3A_419 = vector.shape_cast %select_n3A_410 : vector<16xf32> to vector<1x16xf32>
      tpu.vector_store %arg6[%swap3A_415, %swap3A_416], %swap3A_419 {strides = array<i32>} : memref<100x512xf32, #tpu.memory_space<vmem>>, vector<1x16xf32>,
      scf.yield %add3A_414 : vector<16xf32>
    }
    %scan3A_81 = arith.constant 32 : i32
    %scan3A_82 = arith.constant 0 : i32
    %scan3A_83 = arith.constant 32 : i32
    %scan3A_84 = arith.addi %scan3A_82, %scan3A_83 : i32
    %scan3A_85 = arith.constant 1 : i32
    %scan3A_86 = scf.for %scan3A_97 = %scan3A_82 to %scan3A_84 step %scan3A_85 iter_args(%scan3A_98 = %broadcast_in_dim3A_6) -> (vector<16xf32>)  : i32 {
      %mul3A_99 = arith.constant 16 : i32
      %mul3A_100 = arith.muli %scan3A_97, %mul3A_99 : i32
      %get3A_101 = arith.constant 0 : i32
      %get3A_102 = arith.index_cast %get3A_101 : i32 to index
      %get3A_103 = arith.index_cast %mul3A_100 : i32 to index
      %get3A_104 = tpu.vector_load %arg6[%get3A_102, %get3A_103] {strides = array<i32>} : memref<100x512xf32, #tpu.memory_space<vmem>>, vector<1x16xf32>,
      %get3A_105 = vector.shape_cast %get3A_104 : vector<1x16xf32> to vector<16xf32>
      %get3A_106 = arith.constant 1 : i32
      %get3A_107 = arith.index_cast %get3A_106 : i32 to index
      %get3A_108 = arith.index_cast %mul3A_100 : i32 to index
      %get3A_109 = tpu.vector_load %arg6[%get3A_107, %get3A_108] {strides = array<i32>} : memref<100x512xf32, #tpu.memory_space<vmem>>, vector<1x16xf32>,
      %get3A_110 = vector.shape_cast %get3A_109 : vector<1x16xf32> to vector<16xf32>
      %get3A_111 = arith.constant 2 : i32
      %get3A_112 = arith.index_cast %get3A_111 : i32 to index
      %get3A_113 = arith.index_cast %mul3A_100 : i32 to index
      %get3A_114 = tpu.vector_load %arg6[%get3A_112, %get3A_113] {strides = array<i32>} : memref<100x512xf32, #tpu.memory_space<vmem>>, vector<1x16xf32>,
      %get3A_115 = vector.shape_cast %get3A_114 : vector<1x16xf32> to vector<16xf32>
      %get3A_116 = arith.constant 3 : i32
      %get3A_117 = arith.index_cast %get3A_116 : i32 to index
      %get3A_118 = arith.index_cast %mul3A_100 : i32 to index
      %get3A_119 = tpu.vector_load %arg6[%get3A_117, %get3A_118] {strides = array<i32>} : memref<100x512xf32, #tpu.memory_space<vmem>>, vector<1x16xf32>,
      %get3A_120 = vector.shape_cast %get3A_119 : vector<1x16xf32> to vector<16xf32>
      %get3A_121 = arith.constant 4 : i32
      %get3A_122 = arith.index_cast %get3A_121 : i32 to index
      %get3A_123 = arith.index_cast %mul3A_100 : i32 to index
      %get3A_124 = tpu.vector_load %arg6[%get3A_122, %get3A_123] {strides = array<i32>} : memref<100x512xf32, #tpu.memory_space<vmem>>, vector<1x16xf32>,
      %get3A_125 = vector.shape_cast %get3A_124 : vector<1x16xf32> to vector<16xf32>
      %get3A_126 = arith.constant 5 : i32
      %get3A_127 = arith.index_cast %get3A_126 : i32 to index
      %get3A_128 = arith.index_cast %mul3A_100 : i32 to index
      %get3A_129 = tpu.vector_load %arg6[%get3A_127, %get3A_128] {strides = array<i32>} : memref<100x512xf32, #tpu.memory_space<vmem>>, vector<1x16xf32>,
      %get3A_130 = vector.shape_cast %get3A_129 : vector<1x16xf32> to vector<16xf32>
      %get3A_131 = arith.constant 6 : i32
      %get3A_132 = arith.index_cast %get3A_131 : i32 to index
      %get3A_133 = arith.index_cast %mul3A_100 : i32 to index
      %get3A_134 = tpu.vector_load %arg6[%get3A_132, %get3A_133] {strides = array<i32>} : memref<100x512xf32, #tpu.memory_space<vmem>>, vector<1x16xf32>,
      %get3A_135 = vector.shape_cast %get3A_134 : vector<1x16xf32> to vector<16xf32>
      %get3A_136 = arith.constant 7 : i32
      %get3A_137 = arith.index_cast %get3A_136 : i32 to index
      %get3A_138 = arith.index_cast %mul3A_100 : i32 to index
      %get3A_139 = tpu.vector_load %arg6[%get3A_137, %get3A_138] {strides = array<i32>} : memref<100x512xf32, #tpu.memory_space<vmem>>, vector<1x16xf32>,
      %get3A_140 = vector.shape_cast %get3A_139 : vector<1x16xf32> to vector<16xf32>
      %get3A_141 = arith.constant 8 : i32
      %get3A_142 = arith.index_cast %get3A_141 : i32 to index
      %get3A_143 = arith.index_cast %mul3A_100 : i32 to index
      %get3A_144 = tpu.vector_load %arg6[%get3A_142, %get3A_143] {strides = array<i32>} : memref<100x512xf32, #tpu.memory_space<vmem>>, vector<1x16xf32>,
      %get3A_145 = vector.shape_cast %get3A_144 : vector<1x16xf32> to vector<16xf32>
      %max3A = arith.maximumf %get3A_105, %get3A_145 : vector<16xf32>
      %get3A_146 = arith.constant 9 : i32
      %get3A_147 = arith.index_cast %get3A_146 : i32 to index
      %get3A_148 = arith.index_cast %mul3A_100 : i32 to index
      %get3A_149 = tpu.vector_load %arg6[%get3A_147, %get3A_148] {strides = array<i32>} : memref<100x512xf32, #tpu.memory_space<vmem>>, vector<1x16xf32>,
      %get3A_150 = vector.shape_cast %get3A_149 : vector<1x16xf32> to vector<16xf32>
      %max3A_151 = arith.maximumf %get3A_110, %get3A_150 : vector<16xf32>
      %get3A_152 = arith.constant 10 : i32
      %get3A_153 = arith.index_cast %get3A_152 : i32 to index
      %get3A_154 = arith.index_cast %mul3A_100 : i32 to index
      %get3A_155 = tpu.vector_load %arg6[%get3A_153, %get3A_154] {strides = array<i32>} : memref<100x512xf32, #tpu.memory_space<vmem>>, vector<1x16xf32>,
      %get3A_156 = vector.shape_cast %get3A_155 : vector<1x16xf32> to vector<16xf32>
      %max3A_157 = arith.maximumf %get3A_115, %get3A_156 : vector<16xf32>
      %get3A_158 = arith.constant 11 : i32
      %get3A_159 = arith.index_cast %get3A_158 : i32 to index
      %get3A_160 = arith.index_cast %mul3A_100 : i32 to index
      %get3A_161 = tpu.vector_load %arg6[%get3A_159, %get3A_160] {strides = array<i32>} : memref<100x512xf32, #tpu.memory_space<vmem>>, vector<1x16xf32>,
      %get3A_162 = vector.shape_cast %get3A_161 : vector<1x16xf32> to vector<16xf32>
      %max3A_163 = arith.maximumf %get3A_120, %get3A_162 : vector<16xf32>
      %get3A_164 = arith.constant 12 : i32
      %get3A_165 = arith.index_cast %get3A_164 : i32 to index
      %get3A_166 = arith.index_cast %mul3A_100 : i32 to index
      %get3A_167 = tpu.vector_load %arg6[%get3A_165, %get3A_166] {strides = array<i32>} : memref<100x512xf32, #tpu.memory_space<vmem>>, vector<1x16xf32>,
      %get3A_168 = vector.shape_cast %get3A_167 : vector<1x16xf32> to vector<16xf32>
      %max3A_169 = arith.maximumf %get3A_125, %get3A_168 : vector<16xf32>
      %get3A_170 = arith.constant 13 : i32
      %get3A_171 = arith.index_cast %get3A_170 : i32 to index
      %get3A_172 = arith.index_cast %mul3A_100 : i32 to index
      %get3A_173 = tpu.vector_load %arg6[%get3A_171, %get3A_172] {strides = array<i32>} : memref<100x512xf32, #tpu.memory_space<vmem>>, vector<1x16xf32>,
      %get3A_174 = vector.shape_cast %get3A_173 : vector<1x16xf32> to vector<16xf32>
      %max3A_175 = arith.maximumf %get3A_130, %get3A_174 : vector<16xf32>
      %get3A_176 = arith.constant 14 : i32
      %get3A_177 = arith.index_cast %get3A_176 : i32 to index
      %get3A_178 = arith.index_cast %mul3A_100 : i32 to index
      %get3A_179 = tpu.vector_load %arg6[%get3A_177, %get3A_178] {strides = array<i32>} : memref<100x512xf32, #tpu.memory_space<vmem>>, vector<1x16xf32>,
      %get3A_180 = vector.shape_cast %get3A_179 : vector<1x16xf32> to vector<16xf32>
      %max3A_181 = arith.maximumf %get3A_135, %get3A_180 : vector<16xf32>
      %get3A_182 = arith.constant 15 : i32
      %get3A_183 = arith.index_cast %get3A_182 : i32 to index
      %get3A_184 = arith.index_cast %mul3A_100 : i32 to index
      %get3A_185 = tpu.vector_load %arg6[%get3A_183, %get3A_184] {strides = array<i32>} : memref<100x512xf32, #tpu.memory_space<vmem>>, vector<1x16xf32>,
      %get3A_186 = vector.shape_cast %get3A_185 : vector<1x16xf32> to vector<16xf32>
      %max3A_187 = arith.maximumf %get3A_140, %get3A_186 : vector<16xf32>
      %get3A_188 = arith.constant 16 : i32
      %get3A_189 = arith.index_cast %get3A_188 : i32 to index
      %get3A_190 = arith.index_cast %mul3A_100 : i32 to index
      %get3A_191 = tpu.vector_load %arg6[%get3A_189, %get3A_190] {strides = array<i32>} : memref<100x512xf32, #tpu.memory_space<vmem>>, vector<1x16xf32>,
      %get3A_192 = vector.shape_cast %get3A_191 : vector<1x16xf32> to vector<16xf32>
      %max3A_193 = arith.maximumf %max3A, %get3A_192 : vector<16xf32>
      %get3A_194 = arith.constant 17 : i32
      %get3A_195 = arith.index_cast %get3A_194 : i32 to index
      %get3A_196 = arith.index_cast %mul3A_100 : i32 to index
      %get3A_197 = tpu.vector_load %arg6[%get3A_195, %get3A_196] {strides = array<i32>} : memref<100x512xf32, #tpu.memory_space<vmem>>, vector<1x16xf32>,
      %get3A_198 = vector.shape_cast %get3A_197 : vector<1x16xf32> to vector<16xf32>
      %max3A_199 = arith.maximumf %max3A_151, %get3A_198 : vector<16xf32>
      %get3A_200 = arith.constant 18 : i32
      %get3A_201 = arith.index_cast %get3A_200 : i32 to index
      %get3A_202 = arith.index_cast %mul3A_100 : i32 to index
      %get3A_203 = tpu.vector_load %arg6[%get3A_201, %get3A_202] {strides = array<i32>} : memref<100x512xf32, #tpu.memory_space<vmem>>, vector<1x16xf32>,
      %get3A_204 = vector.shape_cast %get3A_203 : vector<1x16xf32> to vector<16xf32>
      %max3A_205 = arith.maximumf %max3A_157, %get3A_204 : vector<16xf32>
      %get3A_206 = arith.constant 19 : i32
      %get3A_207 = arith.index_cast %get3A_206 : i32 to index
      %get3A_208 = arith.index_cast %mul3A_100 : i32 to index
      %get3A_209 = tpu.vector_load %arg6[%get3A_207, %get3A_208] {strides = array<i32>} : memref<100x512xf32, #tpu.memory_space<vmem>>, vector<1x16xf32>,
      %get3A_210 = vector.shape_cast %get3A_209 : vector<1x16xf32> to vector<16xf32>
      %max3A_211 = arith.maximumf %max3A_163, %get3A_210 : vector<16xf32>
      %get3A_212 = arith.constant 20 : i32
      %get3A_213 = arith.index_cast %get3A_212 : i32 to index
      %get3A_214 = arith.index_cast %mul3A_100 : i32 to index
      %get3A_215 = tpu.vector_load %arg6[%get3A_213, %get3A_214] {strides = array<i32>} : memref<100x512xf32, #tpu.memory_space<vmem>>, vector<1x16xf32>,
      %get3A_216 = vector.shape_cast %get3A_215 : vector<1x16xf32> to vector<16xf32>
      %max3A_217 = arith.maximumf %max3A_169, %get3A_216 : vector<16xf32>
      %get3A_218 = arith.constant 21 : i32
      %get3A_219 = arith.index_cast %get3A_218 : i32 to index
      %get3A_220 = arith.index_cast %mul3A_100 : i32 to index
      %get3A_221 = tpu.vector_load %arg6[%get3A_219, %get3A_220] {strides = array<i32>} : memref<100x512xf32, #tpu.memory_space<vmem>>, vector<1x16xf32>,
      %get3A_222 = vector.shape_cast %get3A_221 : vector<1x16xf32> to vector<16xf32>
      %max3A_223 = arith.maximumf %max3A_175, %get3A_222 : vector<16xf32>
      %get3A_224 = arith.constant 22 : i32
      %get3A_225 = arith.index_cast %get3A_224 : i32 to index
      %get3A_226 = arith.index_cast %mul3A_100 : i32 to index
      %get3A_227 = tpu.vector_load %arg6[%get3A_225, %get3A_226] {strides = array<i32>} : memref<100x512xf32, #tpu.memory_space<vmem>>, vector<1x16xf32>,
      %get3A_228 = vector.shape_cast %get3A_227 : vector<1x16xf32> to vector<16xf32>
      %max3A_229 = arith.maximumf %max3A_181, %get3A_228 : vector<16xf32>
      %get3A_230 = arith.constant 23 : i32
      %get3A_231 = arith.index_cast %get3A_230 : i32 to index
      %get3A_232 = arith.index_cast %mul3A_100 : i32 to index
      %get3A_233 = tpu.vector_load %arg6[%get3A_231, %get3A_232] {strides = array<i32>} : memref<100x512xf32, #tpu.memory_space<vmem>>, vector<1x16xf32>,
      %get3A_234 = vector.shape_cast %get3A_233 : vector<1x16xf32> to vector<16xf32>
      %max3A_235 = arith.maximumf %max3A_187, %get3A_234 : vector<16xf32>
      %get3A_236 = arith.constant 24 : i32
      %get3A_237 = arith.index_cast %get3A_236 : i32 to index
      %get3A_238 = arith.index_cast %mul3A_100 : i32 to index
      %get3A_239 = tpu.vector_load %arg6[%get3A_237, %get3A_238] {strides = array<i32>} : memref<100x512xf32, #tpu.memory_space<vmem>>, vector<1x16xf32>,
      %get3A_240 = vector.shape_cast %get3A_239 : vector<1x16xf32> to vector<16xf32>
      %max3A_241 = arith.maximumf %max3A_193, %get3A_240 : vector<16xf32>
      %get3A_242 = arith.constant 25 : i32
      %get3A_243 = arith.index_cast %get3A_242 : i32 to index
      %get3A_244 = arith.index_cast %mul3A_100 : i32 to index
      %get3A_245 = tpu.vector_load %arg6[%get3A_243, %get3A_244] {strides = array<i32>} : memref<100x512xf32, #tpu.memory_space<vmem>>, vector<1x16xf32>,
      %get3A_246 = vector.shape_cast %get3A_245 : vector<1x16xf32> to vector<16xf32>
      %max3A_247 = arith.maximumf %max3A_199, %get3A_246 : vector<16xf32>
      %get3A_248 = arith.constant 26 : i32
      %get3A_249 = arith.index_cast %get3A_248 : i32 to index
      %get3A_250 = arith.index_cast %mul3A_100 : i32 to index
      %get3A_251 = tpu.vector_load %arg6[%get3A_249, %get3A_250] {strides = array<i32>} : memref<100x512xf32, #tpu.memory_space<vmem>>, vector<1x16xf32>,
      %get3A_252 = vector.shape_cast %get3A_251 : vector<1x16xf32> to vector<16xf32>
      %max3A_253 = arith.maximumf %max3A_205, %get3A_252 : vector<16xf32>
      %get3A_254 = arith.constant 27 : i32
      %get3A_255 = arith.index_cast %get3A_254 : i32 to index
      %get3A_256 = arith.index_cast %mul3A_100 : i32 to index
      %get3A_257 = tpu.vector_load %arg6[%get3A_255, %get3A_256] {strides = array<i32>} : memref<100x512xf32, #tpu.memory_space<vmem>>, vector<1x16xf32>,
      %get3A_258 = vector.shape_cast %get3A_257 : vector<1x16xf32> to vector<16xf32>
      %max3A_259 = arith.maximumf %max3A_211, %get3A_258 : vector<16xf32>
      %get3A_260 = arith.constant 28 : i32
      %get3A_261 = arith.index_cast %get3A_260 : i32 to index
      %get3A_262 = arith.index_cast %mul3A_100 : i32 to index
      %get3A_263 = tpu.vector_load %arg6[%get3A_261, %get3A_262] {strides = array<i32>} : memref<100x512xf32, #tpu.memory_space<vmem>>, vector<1x16xf32>,
      %get3A_264 = vector.shape_cast %get3A_263 : vector<1x16xf32> to vector<16xf32>
      %max3A_265 = arith.maximumf %max3A_217, %get3A_264 : vector<16xf32>
      %get3A_266 = arith.constant 29 : i32
      %get3A_267 = arith.index_cast %get3A_266 : i32 to index
      %get3A_268 = arith.index_cast %mul3A_100 : i32 to index
      %get3A_269 = tpu.vector_load %arg6[%get3A_267, %get3A_268] {strides = array<i32>} : memref<100x512xf32, #tpu.memory_space<vmem>>, vector<1x16xf32>,
      %get3A_270 = vector.shape_cast %get3A_269 : vector<1x16xf32> to vector<16xf32>
      %max3A_271 = arith.maximumf %max3A_223, %get3A_270 : vector<16xf32>
      %get3A_272 = arith.constant 30 : i32
      %get3A_273 = arith.index_cast %get3A_272 : i32 to index
      %get3A_274 = arith.index_cast %mul3A_100 : i32 to index
      %get3A_275 = tpu.vector_load %arg6[%get3A_273, %get3A_274] {strides = array<i32>} : memref<100x512xf32, #tpu.memory_space<vmem>>, vector<1x16xf32>,
      %get3A_276 = vector.shape_cast %get3A_275 : vector<1x16xf32> to vector<16xf32>
      %max3A_277 = arith.maximumf %max3A_229, %get3A_276 : vector<16xf32>
      %get3A_278 = arith.constant 31 : i32
      %get3A_279 = arith.index_cast %get3A_278 : i32 to index
      %get3A_280 = arith.index_cast %mul3A_100 : i32 to index
      %get3A_281 = tpu.vector_load %arg6[%get3A_279, %get3A_280] {strides = array<i32>} : memref<100x512xf32, #tpu.memory_space<vmem>>, vector<1x16xf32>,
      %get3A_282 = vector.shape_cast %get3A_281 : vector<1x16xf32> to vector<16xf32>
      %max3A_283 = arith.maximumf %max3A_235, %get3A_282 : vector<16xf32>
      %get3A_284 = arith.constant 32 : i32
      %get3A_285 = arith.index_cast %get3A_284 : i32 to index
      %get3A_286 = arith.index_cast %mul3A_100 : i32 to index
      %get3A_287 = tpu.vector_load %arg6[%get3A_285, %get3A_286] {strides = array<i32>} : memref<100x512xf32, #tpu.memory_space<vmem>>, vector<1x16xf32>,
      %get3A_288 = vector.shape_cast %get3A_287 : vector<1x16xf32> to vector<16xf32>
      %max3A_289 = arith.maximumf %max3A_241, %get3A_288 : vector<16xf32>
      %get3A_290 = arith.constant 33 : i32
      %get3A_291 = arith.index_cast %get3A_290 : i32 to index
      %get3A_292 = arith.index_cast %mul3A_100 : i32 to index
      %get3A_293 = tpu.vector_load %arg6[%get3A_291, %get3A_292] {strides = array<i32>} : memref<100x512xf32, #tpu.memory_space<vmem>>, vector<1x16xf32>,
      %get3A_294 = vector.shape_cast %get3A_293 : vector<1x16xf32> to vector<16xf32>
      %max3A_295 = arith.maximumf %max3A_247, %get3A_294 : vector<16xf32>
      %get3A_296 = arith.constant 34 : i32
      %get3A_297 = arith.index_cast %get3A_296 : i32 to index
      %get3A_298 = arith.index_cast %mul3A_100 : i32 to index
      %get3A_299 = tpu.vector_load %arg6[%get3A_297, %get3A_298] {strides = array<i32>} : memref<100x512xf32, #tpu.memory_space<vmem>>, vector<1x16xf32>,
      %get3A_300 = vector.shape_cast %get3A_299 : vector<1x16xf32> to vector<16xf32>
      %max3A_301 = arith.maximumf %max3A_253, %get3A_300 : vector<16xf32>
      %get3A_302 = arith.constant 35 : i32
      %get3A_303 = arith.index_cast %get3A_302 : i32 to index
      %get3A_304 = arith.index_cast %mul3A_100 : i32 to index
      %get3A_305 = tpu.vector_load %arg6[%get3A_303, %get3A_304] {strides = array<i32>} : memref<100x512xf32, #tpu.memory_space<vmem>>, vector<1x16xf32>,
      %get3A_306 = vector.shape_cast %get3A_305 : vector<1x16xf32> to vector<16xf32>
      %max3A_307 = arith.maximumf %max3A_259, %get3A_306 : vector<16xf32>
      %get3A_308 = arith.constant 36 : i32
      %get3A_309 = arith.index_cast %get3A_308 : i32 to index
      %get3A_310 = arith.index_cast %mul3A_100 : i32 to index
      %get3A_311 = tpu.vector_load %arg6[%get3A_309, %get3A_310] {strides = array<i32>} : memref<100x512xf32, #tpu.memory_space<vmem>>, vector<1x16xf32>,
      %get3A_312 = vector.shape_cast %get3A_311 : vector<1x16xf32> to vector<16xf32>
      %max3A_313 = arith.maximumf %max3A_265, %get3A_312 : vector<16xf32>
      %get3A_314 = arith.constant 37 : i32
      %get3A_315 = arith.index_cast %get3A_314 : i32 to index
      %get3A_316 = arith.index_cast %mul3A_100 : i32 to index
      %get3A_317 = tpu.vector_load %arg6[%get3A_315, %get3A_316] {strides = array<i32>} : memref<100x512xf32, #tpu.memory_space<vmem>>, vector<1x16xf32>,
      %get3A_318 = vector.shape_cast %get3A_317 : vector<1x16xf32> to vector<16xf32>
      %max3A_319 = arith.maximumf %max3A_271, %get3A_318 : vector<16xf32>
      %get3A_320 = arith.constant 38 : i32
      %get3A_321 = arith.index_cast %get3A_320 : i32 to index
      %get3A_322 = arith.index_cast %mul3A_100 : i32 to index
      %get3A_323 = tpu.vector_load %arg6[%get3A_321, %get3A_322] {strides = array<i32>} : memref<100x512xf32, #tpu.memory_space<vmem>>, vector<1x16xf32>,
      %get3A_324 = vector.shape_cast %get3A_323 : vector<1x16xf32> to vector<16xf32>
      %max3A_325 = arith.maximumf %max3A_277, %get3A_324 : vector<16xf32>
      %get3A_326 = arith.constant 39 : i32
      %get3A_327 = arith.index_cast %get3A_326 : i32 to index
      %get3A_328 = arith.index_cast %mul3A_100 : i32 to index
      %get3A_329 = tpu.vector_load %arg6[%get3A_327, %get3A_328] {strides = array<i32>} : memref<100x512xf32, #tpu.memory_space<vmem>>, vector<1x16xf32>,
      %get3A_330 = vector.shape_cast %get3A_329 : vector<1x16xf32> to vector<16xf32>
      %max3A_331 = arith.maximumf %max3A_283, %get3A_330 : vector<16xf32>
      %get3A_332 = arith.constant 40 : i32
      %get3A_333 = arith.index_cast %get3A_332 : i32 to index
      %get3A_334 = arith.index_cast %mul3A_100 : i32 to index
      %get3A_335 = tpu.vector_load %arg6[%get3A_333, %get3A_334] {strides = array<i32>} : memref<100x512xf32, #tpu.memory_space<vmem>>, vector<1x16xf32>,
      %get3A_336 = vector.shape_cast %get3A_335 : vector<1x16xf32> to vector<16xf32>
      %max3A_337 = arith.maximumf %max3A_289, %get3A_336 : vector<16xf32>
      %get3A_338 = arith.constant 41 : i32
      %get3A_339 = arith.index_cast %get3A_338 : i32 to index
      %get3A_340 = arith.index_cast %mul3A_100 : i32 to index
      %get3A_341 = tpu.vector_load %arg6[%get3A_339, %get3A_340] {strides = array<i32>} : memref<100x512xf32, #tpu.memory_space<vmem>>, vector<1x16xf32>,
      %get3A_342 = vector.shape_cast %get3A_341 : vector<1x16xf32> to vector<16xf32>
      %max3A_343 = arith.maximumf %max3A_295, %get3A_342 : vector<16xf32>
      %get3A_344 = arith.constant 42 : i32
      %get3A_345 = arith.index_cast %get3A_344 : i32 to index
      %get3A_346 = arith.index_cast %mul3A_100 : i32 to index
      %get3A_347 = tpu.vector_load %arg6[%get3A_345, %get3A_346] {strides = array<i32>} : memref<100x512xf32, #tpu.memory_space<vmem>>, vector<1x16xf32>,
      %get3A_348 = vector.shape_cast %get3A_347 : vector<1x16xf32> to vector<16xf32>
      %max3A_349 = arith.maximumf %max3A_301, %get3A_348 : vector<16xf32>
      %get3A_350 = arith.constant 43 : i32
      %get3A_351 = arith.index_cast %get3A_350 : i32 to index
      %get3A_352 = arith.index_cast %mul3A_100 : i32 to index
      %get3A_353 = tpu.vector_load %arg6[%get3A_351, %get3A_352] {strides = array<i32>} : memref<100x512xf32, #tpu.memory_space<vmem>>, vector<1x16xf32>,
      %get3A_354 = vector.shape_cast %get3A_353 : vector<1x16xf32> to vector<16xf32>
      %max3A_355 = arith.maximumf %max3A_307, %get3A_354 : vector<16xf32>
      %get3A_356 = arith.constant 44 : i32
      %get3A_357 = arith.index_cast %get3A_356 : i32 to index
      %get3A_358 = arith.index_cast %mul3A_100 : i32 to index
      %get3A_359 = tpu.vector_load %arg6[%get3A_357, %get3A_358] {strides = array<i32>} : memref<100x512xf32, #tpu.memory_space<vmem>>, vector<1x16xf32>,
      %get3A_360 = vector.shape_cast %get3A_359 : vector<1x16xf32> to vector<16xf32>
      %max3A_361 = arith.maximumf %max3A_313, %get3A_360 : vector<16xf32>
      %get3A_362 = arith.constant 45 : i32
      %get3A_363 = arith.index_cast %get3A_362 : i32 to index
      %get3A_364 = arith.index_cast %mul3A_100 : i32 to index
      %get3A_365 = tpu.vector_load %arg6[%get3A_363, %get3A_364] {strides = array<i32>} : memref<100x512xf32, #tpu.memory_space<vmem>>, vector<1x16xf32>,
      %get3A_366 = vector.shape_cast %get3A_365 : vector<1x16xf32> to vector<16xf32>
      %max3A_367 = arith.maximumf %max3A_319, %get3A_366 : vector<16xf32>
      %get3A_368 = arith.constant 46 : i32
      %get3A_369 = arith.index_cast %get3A_368 : i32 to index
      %get3A_370 = arith.index_cast %mul3A_100 : i32 to index
      %get3A_371 = tpu.vector_load %arg6[%get3A_369, %get3A_370] {strides = array<i32>} : memref<100x512xf32, #tpu.memory_space<vmem>>, vector<1x16xf32>,
      %get3A_372 = vector.shape_cast %get3A_371 : vector<1x16xf32> to vector<16xf32>
      %max3A_373 = arith.maximumf %max3A_325, %get3A_372 : vector<16xf32>
      %get3A_374 = arith.constant 47 : i32
      %get3A_375 = arith.index_cast %get3A_374 : i32 to index
      %get3A_376 = arith.index_cast %mul3A_100 : i32 to index
      %get3A_377 = tpu.vector_load %arg6[%get3A_375, %get3A_376] {strides = array<i32>} : memref<100x512xf32, #tpu.memory_space<vmem>>, vector<1x16xf32>,
      %get3A_378 = vector.shape_cast %get3A_377 : vector<1x16xf32> to vector<16xf32>
      %max3A_379 = arith.maximumf %max3A_331, %get3A_378 : vector<16xf32>
      %get3A_380 = arith.constant 48 : i32
      %get3A_381 = arith.index_cast %get3A_380 : i32 to index
      %get3A_382 = arith.index_cast %mul3A_100 : i32 to index
      %get3A_383 = tpu.vector_load %arg6[%get3A_381, %get3A_382] {strides = array<i32>} : memref<100x512xf32, #tpu.memory_space<vmem>>, vector<1x16xf32>,
      %get3A_384 = vector.shape_cast %get3A_383 : vector<1x16xf32> to vector<16xf32>
      %max3A_385 = arith.maximumf %max3A_337, %get3A_384 : vector<16xf32>
      %get3A_386 = arith.constant 49 : i32
      %get3A_387 = arith.index_cast %get3A_386 : i32 to index
      %get3A_388 = arith.index_cast %mul3A_100 : i32 to index
      %get3A_389 = tpu.vector_load %arg6[%get3A_387, %get3A_388] {strides = array<i32>} : memref<100x512xf32, #tpu.memory_space<vmem>>, vector<1x16xf32>,
      %get3A_390 = vector.shape_cast %get3A_389 : vector<1x16xf32> to vector<16xf32>
      %max3A_391 = arith.maximumf %max3A_343, %get3A_390 : vector<16xf32>
      %get3A_392 = arith.constant 50 : i32
      %get3A_393 = arith.index_cast %get3A_392 : i32 to index
      %get3A_394 = arith.index_cast %mul3A_100 : i32 to index
      %get3A_395 = tpu.vector_load %arg6[%get3A_393, %get3A_394] {strides = array<i32>} : memref<100x512xf32, #tpu.memory_space<vmem>>, vector<1x16xf32>,
      %get3A_396 = vector.shape_cast %get3A_395 : vector<1x16xf32> to vector<16xf32>
      %max3A_397 = arith.maximumf %max3A_349, %get3A_396 : vector<16xf32>
      %get3A_398 = arith.constant 51 : i32
      %get3A_399 = arith.index_cast %get3A_398 : i32 to index
      %get3A_400 = arith.index_cast %mul3A_100 : i32 to index
      %get3A_401 = tpu.vector_load %arg6[%get3A_399, %get3A_400] {strides = array<i32>} : memref<100x512xf32, #tpu.memory_space<vmem>>, vector<1x16xf32>,
      %get3A_402 = vector.shape_cast %get3A_401 : vector<1x16xf32> to vector<16xf32>
      %max3A_403 = arith.maximumf %max3A_355, %get3A_402 : vector<16xf32>
      %get3A_404 = arith.constant 52 : i32
      %get3A_405 = arith.index_cast %get3A_404 : i32 to index
      %get3A_406 = arith.index_cast %mul3A_100 : i32 to index
      %get3A_407 = tpu.vector_load %arg6[%get3A_405, %get3A_406] {strides = array<i32>} : memref<100x512xf32, #tpu.memory_space<vmem>>, vector<1x16xf32>,
      %get3A_408 = vector.shape_cast %get3A_407 : vector<1x16xf32> to vector<16xf32>
      %max3A_409 = arith.maximumf %max3A_361, %get3A_408 : vector<16xf32>
      %get3A_410 = arith.constant 53 : i32
      %get3A_411 = arith.index_cast %get3A_410 : i32 to index
      %get3A_412 = arith.index_cast %mul3A_100 : i32 to index
      %get3A_413 = tpu.vector_load %arg6[%get3A_411, %get3A_412] {strides = array<i32>} : memref<100x512xf32, #tpu.memory_space<vmem>>, vector<1x16xf32>,
      %get3A_414 = vector.shape_cast %get3A_413 : vector<1x16xf32> to vector<16xf32>
      %max3A_415 = arith.maximumf %max3A_367, %get3A_414 : vector<16xf32>
      %get3A_416 = arith.constant 54 : i32
      %get3A_417 = arith.index_cast %get3A_416 : i32 to index
      %get3A_418 = arith.index_cast %mul3A_100 : i32 to index
      %get3A_419 = tpu.vector_load %arg6[%get3A_417, %get3A_418] {strides = array<i32>} : memref<100x512xf32, #tpu.memory_space<vmem>>, vector<1x16xf32>,
      %get3A_420 = vector.shape_cast %get3A_419 : vector<1x16xf32> to vector<16xf32>
      %max3A_421 = arith.maximumf %max3A_373, %get3A_420 : vector<16xf32>
      %get3A_422 = arith.constant 55 : i32
      %get3A_423 = arith.index_cast %get3A_422 : i32 to index
      %get3A_424 = arith.index_cast %mul3A_100 : i32 to index
      %get3A_425 = tpu.vector_load %arg6[%get3A_423, %get3A_424] {strides = array<i32>} : memref<100x512xf32, #tpu.memory_space<vmem>>, vector<1x16xf32>,
      %get3A_426 = vector.shape_cast %get3A_425 : vector<1x16xf32> to vector<16xf32>
      %max3A_427 = arith.maximumf %max3A_379, %get3A_426 : vector<16xf32>
      %get3A_428 = arith.constant 56 : i32
      %get3A_429 = arith.index_cast %get3A_428 : i32 to index
      %get3A_430 = arith.index_cast %mul3A_100 : i32 to index
      %get3A_431 = tpu.vector_load %arg6[%get3A_429, %get3A_430] {strides = array<i32>} : memref<100x512xf32, #tpu.memory_space<vmem>>, vector<1x16xf32>,
      %get3A_432 = vector.shape_cast %get3A_431 : vector<1x16xf32> to vector<16xf32>
      %max3A_433 = arith.maximumf %max3A_385, %get3A_432 : vector<16xf32>
      %get3A_434 = arith.constant 57 : i32
      %get3A_435 = arith.index_cast %get3A_434 : i32 to index
      %get3A_436 = arith.index_cast %mul3A_100 : i32 to index
      %get3A_437 = tpu.vector_load %arg6[%get3A_435, %get3A_436] {strides = array<i32>} : memref<100x512xf32, #tpu.memory_space<vmem>>, vector<1x16xf32>,
      %get3A_438 = vector.shape_cast %get3A_437 : vector<1x16xf32> to vector<16xf32>
      %max3A_439 = arith.maximumf %max3A_391, %get3A_438 : vector<16xf32>
      %get3A_440 = arith.constant 58 : i32
      %get3A_441 = arith.index_cast %get3A_440 : i32 to index
      %get3A_442 = arith.index_cast %mul3A_100 : i32 to index
      %get3A_443 = tpu.vector_load %arg6[%get3A_441, %get3A_442] {strides = array<i32>} : memref<100x512xf32, #tpu.memory_space<vmem>>, vector<1x16xf32>,
      %get3A_444 = vector.shape_cast %get3A_443 : vector<1x16xf32> to vector<16xf32>
      %max3A_445 = arith.maximumf %max3A_397, %get3A_444 : vector<16xf32>
      %get3A_446 = arith.constant 59 : i32
      %get3A_447 = arith.index_cast %get3A_446 : i32 to index
      %get3A_448 = arith.index_cast %mul3A_100 : i32 to index
      %get3A_449 = tpu.vector_load %arg6[%get3A_447, %get3A_448] {strides = array<i32>} : memref<100x512xf32, #tpu.memory_space<vmem>>, vector<1x16xf32>,
      %get3A_450 = vector.shape_cast %get3A_449 : vector<1x16xf32> to vector<16xf32>
      %max3A_451 = arith.maximumf %max3A_403, %get3A_450 : vector<16xf32>
      %get3A_452 = arith.constant 60 : i32
      %get3A_453 = arith.index_cast %get3A_452 : i32 to index
      %get3A_454 = arith.index_cast %mul3A_100 : i32 to index
      %get3A_455 = tpu.vector_load %arg6[%get3A_453, %get3A_454] {strides = array<i32>} : memref<100x512xf32, #tpu.memory_space<vmem>>, vector<1x16xf32>,
      %get3A_456 = vector.shape_cast %get3A_455 : vector<1x16xf32> to vector<16xf32>
      %max3A_457 = arith.maximumf %max3A_409, %get3A_456 : vector<16xf32>
      %get3A_458 = arith.constant 61 : i32
      %get3A_459 = arith.index_cast %get3A_458 : i32 to index
      %get3A_460 = arith.index_cast %mul3A_100 : i32 to index
      %get3A_461 = tpu.vector_load %arg6[%get3A_459, %get3A_460] {strides = array<i32>} : memref<100x512xf32, #tpu.memory_space<vmem>>, vector<1x16xf32>,
      %get3A_462 = vector.shape_cast %get3A_461 : vector<1x16xf32> to vector<16xf32>
      %max3A_463 = arith.maximumf %max3A_415, %get3A_462 : vector<16xf32>
      %get3A_464 = arith.constant 62 : i32
      %get3A_465 = arith.index_cast %get3A_464 : i32 to index
      %get3A_466 = arith.index_cast %mul3A_100 : i32 to index
      %get3A_467 = tpu.vector_load %arg6[%get3A_465, %get3A_466] {strides = array<i32>} : memref<100x512xf32, #tpu.memory_space<vmem>>, vector<1x16xf32>,
      %get3A_468 = vector.shape_cast %get3A_467 : vector<1x16xf32> to vector<16xf32>
      %max3A_469 = arith.maximumf %max3A_421, %get3A_468 : vector<16xf32>
      %get3A_470 = arith.constant 63 : i32
      %get3A_471 = arith.index_cast %get3A_470 : i32 to index
      %get3A_472 = arith.index_cast %mul3A_100 : i32 to index
      %get3A_473 = tpu.vector_load %arg6[%get3A_471, %get3A_472] {strides = array<i32>} : memref<100x512xf32, #tpu.memory_space<vmem>>, vector<1x16xf32>,
      %get3A_474 = vector.shape_cast %get3A_473 : vector<1x16xf32> to vector<16xf32>
      %max3A_475 = arith.maximumf %max3A_427, %get3A_474 : vector<16xf32>
      %get3A_476 = arith.constant 64 : i32
      %get3A_477 = arith.index_cast %get3A_476 : i32 to index
      %get3A_478 = arith.index_cast %mul3A_100 : i32 to index
      %get3A_479 = tpu.vector_load %arg6[%get3A_477, %get3A_478] {strides = array<i32>} : memref<100x512xf32, #tpu.memory_space<vmem>>, vector<1x16xf32>,
      %get3A_480 = vector.shape_cast %get3A_479 : vector<1x16xf32> to vector<16xf32>
      %max3A_481 = arith.maximumf %max3A_433, %get3A_480 : vector<16xf32>
      %get3A_482 = arith.constant 65 : i32
      %get3A_483 = arith.index_cast %get3A_482 : i32 to index
      %get3A_484 = arith.index_cast %mul3A_100 : i32 to index
      %get3A_485 = tpu.vector_load %arg6[%get3A_483, %get3A_484] {strides = array<i32>} : memref<100x512xf32, #tpu.memory_space<vmem>>, vector<1x16xf32>,
      %get3A_486 = vector.shape_cast %get3A_485 : vector<1x16xf32> to vector<16xf32>
      %max3A_487 = arith.maximumf %max3A_439, %get3A_486 : vector<16xf32>
      %get3A_488 = arith.constant 66 : i32
      %get3A_489 = arith.index_cast %get3A_488 : i32 to index
      %get3A_490 = arith.index_cast %mul3A_100 : i32 to index
      %get3A_491 = tpu.vector_load %arg6[%get3A_489, %get3A_490] {strides = array<i32>} : memref<100x512xf32, #tpu.memory_space<vmem>>, vector<1x16xf32>,
      %get3A_492 = vector.shape_cast %get3A_491 : vector<1x16xf32> to vector<16xf32>
      %max3A_493 = arith.maximumf %max3A_445, %get3A_492 : vector<16xf32>
      %get3A_494 = arith.constant 67 : i32
      %get3A_495 = arith.index_cast %get3A_494 : i32 to index
      %get3A_496 = arith.index_cast %mul3A_100 : i32 to index
      %get3A_497 = tpu.vector_load %arg6[%get3A_495, %get3A_496] {strides = array<i32>} : memref<100x512xf32, #tpu.memory_space<vmem>>, vector<1x16xf32>,
      %get3A_498 = vector.shape_cast %get3A_497 : vector<1x16xf32> to vector<16xf32>
      %max3A_499 = arith.maximumf %max3A_451, %get3A_498 : vector<16xf32>
      %get3A_500 = arith.constant 68 : i32
      %get3A_501 = arith.index_cast %get3A_500 : i32 to index
      %get3A_502 = arith.index_cast %mul3A_100 : i32 to index
      %get3A_503 = tpu.vector_load %arg6[%get3A_501, %get3A_502] {strides = array<i32>} : memref<100x512xf32, #tpu.memory_space<vmem>>, vector<1x16xf32>,
      %get3A_504 = vector.shape_cast %get3A_503 : vector<1x16xf32> to vector<16xf32>
      %max3A_505 = arith.maximumf %max3A_457, %get3A_504 : vector<16xf32>
      %get3A_506 = arith.constant 69 : i32
      %get3A_507 = arith.index_cast %get3A_506 : i32 to index
      %get3A_508 = arith.index_cast %mul3A_100 : i32 to index
      %get3A_509 = tpu.vector_load %arg6[%get3A_507, %get3A_508] {strides = array<i32>} : memref<100x512xf32, #tpu.memory_space<vmem>>, vector<1x16xf32>,
      %get3A_510 = vector.shape_cast %get3A_509 : vector<1x16xf32> to vector<16xf32>
      %max3A_511 = arith.maximumf %max3A_463, %get3A_510 : vector<16xf32>
      %get3A_512 = arith.constant 70 : i32
      %get3A_513 = arith.index_cast %get3A_512 : i32 to index
      %get3A_514 = arith.index_cast %mul3A_100 : i32 to index
      %get3A_515 = tpu.vector_load %arg6[%get3A_513, %get3A_514] {strides = array<i32>} : memref<100x512xf32, #tpu.memory_space<vmem>>, vector<1x16xf32>,
      %get3A_516 = vector.shape_cast %get3A_515 : vector<1x16xf32> to vector<16xf32>
      %max3A_517 = arith.maximumf %max3A_469, %get3A_516 : vector<16xf32>
      %get3A_518 = arith.constant 71 : i32
      %get3A_519 = arith.index_cast %get3A_518 : i32 to index
      %get3A_520 = arith.index_cast %mul3A_100 : i32 to index
      %get3A_521 = tpu.vector_load %arg6[%get3A_519, %get3A_520] {strides = array<i32>} : memref<100x512xf32, #tpu.memory_space<vmem>>, vector<1x16xf32>,
      %get3A_522 = vector.shape_cast %get3A_521 : vector<1x16xf32> to vector<16xf32>
      %max3A_523 = arith.maximumf %max3A_475, %get3A_522 : vector<16xf32>
      %get3A_524 = arith.constant 72 : i32
      %get3A_525 = arith.index_cast %get3A_524 : i32 to index
      %get3A_526 = arith.index_cast %mul3A_100 : i32 to index
      %get3A_527 = tpu.vector_load %arg6[%get3A_525, %get3A_526] {strides = array<i32>} : memref<100x512xf32, #tpu.memory_space<vmem>>, vector<1x16xf32>,
      %get3A_528 = vector.shape_cast %get3A_527 : vector<1x16xf32> to vector<16xf32>
      %max3A_529 = arith.maximumf %max3A_481, %get3A_528 : vector<16xf32>
      %get3A_530 = arith.constant 73 : i32
      %get3A_531 = arith.index_cast %get3A_530 : i32 to index
      %get3A_532 = arith.index_cast %mul3A_100 : i32 to index
      %get3A_533 = tpu.vector_load %arg6[%get3A_531, %get3A_532] {strides = array<i32>} : memref<100x512xf32, #tpu.memory_space<vmem>>, vector<1x16xf32>,
      %get3A_534 = vector.shape_cast %get3A_533 : vector<1x16xf32> to vector<16xf32>
      %max3A_535 = arith.maximumf %max3A_487, %get3A_534 : vector<16xf32>
      %get3A_536 = arith.constant 74 : i32
      %get3A_537 = arith.index_cast %get3A_536 : i32 to index
      %get3A_538 = arith.index_cast %mul3A_100 : i32 to index
      %get3A_539 = tpu.vector_load %arg6[%get3A_537, %get3A_538] {strides = array<i32>} : memref<100x512xf32, #tpu.memory_space<vmem>>, vector<1x16xf32>,
      %get3A_540 = vector.shape_cast %get3A_539 : vector<1x16xf32> to vector<16xf32>
      %max3A_541 = arith.maximumf %max3A_493, %get3A_540 : vector<16xf32>
      %get3A_542 = arith.constant 75 : i32
      %get3A_543 = arith.index_cast %get3A_542 : i32 to index
      %get3A_544 = arith.index_cast %mul3A_100 : i32 to index
      %get3A_545 = tpu.vector_load %arg6[%get3A_543, %get3A_544] {strides = array<i32>} : memref<100x512xf32, #tpu.memory_space<vmem>>, vector<1x16xf32>,
      %get3A_546 = vector.shape_cast %get3A_545 : vector<1x16xf32> to vector<16xf32>
      %max3A_547 = arith.maximumf %max3A_499, %get3A_546 : vector<16xf32>
      %get3A_548 = arith.constant 76 : i32
      %get3A_549 = arith.index_cast %get3A_548 : i32 to index
      %get3A_550 = arith.index_cast %mul3A_100 : i32 to index
      %get3A_551 = tpu.vector_load %arg6[%get3A_549, %get3A_550] {strides = array<i32>} : memref<100x512xf32, #tpu.memory_space<vmem>>, vector<1x16xf32>,
      %get3A_552 = vector.shape_cast %get3A_551 : vector<1x16xf32> to vector<16xf32>
      %max3A_553 = arith.maximumf %max3A_505, %get3A_552 : vector<16xf32>
      %get3A_554 = arith.constant 77 : i32
      %get3A_555 = arith.index_cast %get3A_554 : i32 to index
      %get3A_556 = arith.index_cast %mul3A_100 : i32 to index
      %get3A_557 = tpu.vector_load %arg6[%get3A_555, %get3A_556] {strides = array<i32>} : memref<100x512xf32, #tpu.memory_space<vmem>>, vector<1x16xf32>,
      %get3A_558 = vector.shape_cast %get3A_557 : vector<1x16xf32> to vector<16xf32>
      %max3A_559 = arith.maximumf %max3A_511, %get3A_558 : vector<16xf32>
      %get3A_560 = arith.constant 78 : i32
      %get3A_561 = arith.index_cast %get3A_560 : i32 to index
      %get3A_562 = arith.index_cast %mul3A_100 : i32 to index
      %get3A_563 = tpu.vector_load %arg6[%get3A_561, %get3A_562] {strides = array<i32>} : memref<100x512xf32, #tpu.memory_space<vmem>>, vector<1x16xf32>,
      %get3A_564 = vector.shape_cast %get3A_563 : vector<1x16xf32> to vector<16xf32>
      %max3A_565 = arith.maximumf %max3A_517, %get3A_564 : vector<16xf32>
      %get3A_566 = arith.constant 79 : i32
      %get3A_567 = arith.index_cast %get3A_566 : i32 to index
      %get3A_568 = arith.index_cast %mul3A_100 : i32 to index
      %get3A_569 = tpu.vector_load %arg6[%get3A_567, %get3A_568] {strides = array<i32>} : memref<100x512xf32, #tpu.memory_space<vmem>>, vector<1x16xf32>,
      %get3A_570 = vector.shape_cast %get3A_569 : vector<1x16xf32> to vector<16xf32>
      %max3A_571 = arith.maximumf %max3A_523, %get3A_570 : vector<16xf32>
      %get3A_572 = arith.constant 80 : i32
      %get3A_573 = arith.index_cast %get3A_572 : i32 to index
      %get3A_574 = arith.index_cast %mul3A_100 : i32 to index
      %get3A_575 = tpu.vector_load %arg6[%get3A_573, %get3A_574] {strides = array<i32>} : memref<100x512xf32, #tpu.memory_space<vmem>>, vector<1x16xf32>,
      %get3A_576 = vector.shape_cast %get3A_575 : vector<1x16xf32> to vector<16xf32>
      %max3A_577 = arith.maximumf %max3A_529, %get3A_576 : vector<16xf32>
      %get3A_578 = arith.constant 81 : i32
      %get3A_579 = arith.index_cast %get3A_578 : i32 to index
      %get3A_580 = arith.index_cast %mul3A_100 : i32 to index
      %get3A_581 = tpu.vector_load %arg6[%get3A_579, %get3A_580] {strides = array<i32>} : memref<100x512xf32, #tpu.memory_space<vmem>>, vector<1x16xf32>,
      %get3A_582 = vector.shape_cast %get3A_581 : vector<1x16xf32> to vector<16xf32>
      %max3A_583 = arith.maximumf %max3A_535, %get3A_582 : vector<16xf32>
      %get3A_584 = arith.constant 82 : i32
      %get3A_585 = arith.index_cast %get3A_584 : i32 to index
      %get3A_586 = arith.index_cast %mul3A_100 : i32 to index
      %get3A_587 = tpu.vector_load %arg6[%get3A_585, %get3A_586] {strides = array<i32>} : memref<100x512xf32, #tpu.memory_space<vmem>>, vector<1x16xf32>,
      %get3A_588 = vector.shape_cast %get3A_587 : vector<1x16xf32> to vector<16xf32>
      %max3A_589 = arith.maximumf %max3A_541, %get3A_588 : vector<16xf32>
      %get3A_590 = arith.constant 83 : i32
      %get3A_591 = arith.index_cast %get3A_590 : i32 to index
      %get3A_592 = arith.index_cast %mul3A_100 : i32 to index
      %get3A_593 = tpu.vector_load %arg6[%get3A_591, %get3A_592] {strides = array<i32>} : memref<100x512xf32, #tpu.memory_space<vmem>>, vector<1x16xf32>,
      %get3A_594 = vector.shape_cast %get3A_593 : vector<1x16xf32> to vector<16xf32>
      %max3A_595 = arith.maximumf %max3A_547, %get3A_594 : vector<16xf32>
      %get3A_596 = arith.constant 84 : i32
      %get3A_597 = arith.index_cast %get3A_596 : i32 to index
      %get3A_598 = arith.index_cast %mul3A_100 : i32 to index
      %get3A_599 = tpu.vector_load %arg6[%get3A_597, %get3A_598] {strides = array<i32>} : memref<100x512xf32, #tpu.memory_space<vmem>>, vector<1x16xf32>,
      %get3A_600 = vector.shape_cast %get3A_599 : vector<1x16xf32> to vector<16xf32>
      %max3A_601 = arith.maximumf %max3A_553, %get3A_600 : vector<16xf32>
      %get3A_602 = arith.constant 85 : i32
      %get3A_603 = arith.index_cast %get3A_602 : i32 to index
      %get3A_604 = arith.index_cast %mul3A_100 : i32 to index
      %get3A_605 = tpu.vector_load %arg6[%get3A_603, %get3A_604] {strides = array<i32>} : memref<100x512xf32, #tpu.memory_space<vmem>>, vector<1x16xf32>,
      %get3A_606 = vector.shape_cast %get3A_605 : vector<1x16xf32> to vector<16xf32>
      %max3A_607 = arith.maximumf %max3A_559, %get3A_606 : vector<16xf32>
      %get3A_608 = arith.constant 86 : i32
      %get3A_609 = arith.index_cast %get3A_608 : i32 to index
      %get3A_610 = arith.index_cast %mul3A_100 : i32 to index
      %get3A_611 = tpu.vector_load %arg6[%get3A_609, %get3A_610] {strides = array<i32>} : memref<100x512xf32, #tpu.memory_space<vmem>>, vector<1x16xf32>,
      %get3A_612 = vector.shape_cast %get3A_611 : vector<1x16xf32> to vector<16xf32>
      %max3A_613 = arith.maximumf %max3A_565, %get3A_612 : vector<16xf32>
      %get3A_614 = arith.constant 87 : i32
      %get3A_615 = arith.index_cast %get3A_614 : i32 to index
      %get3A_616 = arith.index_cast %mul3A_100 : i32 to index
      %get3A_617 = tpu.vector_load %arg6[%get3A_615, %get3A_616] {strides = array<i32>} : memref<100x512xf32, #tpu.memory_space<vmem>>, vector<1x16xf32>,
      %get3A_618 = vector.shape_cast %get3A_617 : vector<1x16xf32> to vector<16xf32>
      %max3A_619 = arith.maximumf %max3A_571, %get3A_618 : vector<16xf32>
      %get3A_620 = arith.constant 88 : i32
      %get3A_621 = arith.index_cast %get3A_620 : i32 to index
      %get3A_622 = arith.index_cast %mul3A_100 : i32 to index
      %get3A_623 = tpu.vector_load %arg6[%get3A_621, %get3A_622] {strides = array<i32>} : memref<100x512xf32, #tpu.memory_space<vmem>>, vector<1x16xf32>,
      %get3A_624 = vector.shape_cast %get3A_623 : vector<1x16xf32> to vector<16xf32>
      %max3A_625 = arith.maximumf %max3A_577, %get3A_624 : vector<16xf32>
      %get3A_626 = arith.constant 89 : i32
      %get3A_627 = arith.index_cast %get3A_626 : i32 to index
      %get3A_628 = arith.index_cast %mul3A_100 : i32 to index
      %get3A_629 = tpu.vector_load %arg6[%get3A_627, %get3A_628] {strides = array<i32>} : memref<100x512xf32, #tpu.memory_space<vmem>>, vector<1x16xf32>,
      %get3A_630 = vector.shape_cast %get3A_629 : vector<1x16xf32> to vector<16xf32>
      %max3A_631 = arith.maximumf %max3A_583, %get3A_630 : vector<16xf32>
      %get3A_632 = arith.constant 90 : i32
      %get3A_633 = arith.index_cast %get3A_632 : i32 to index
      %get3A_634 = arith.index_cast %mul3A_100 : i32 to index
      %get3A_635 = tpu.vector_load %arg6[%get3A_633, %get3A_634] {strides = array<i32>} : memref<100x512xf32, #tpu.memory_space<vmem>>, vector<1x16xf32>,
      %get3A_636 = vector.shape_cast %get3A_635 : vector<1x16xf32> to vector<16xf32>
      %max3A_637 = arith.maximumf %max3A_589, %get3A_636 : vector<16xf32>
      %get3A_638 = arith.constant 91 : i32
      %get3A_639 = arith.index_cast %get3A_638 : i32 to index
      %get3A_640 = arith.index_cast %mul3A_100 : i32 to index
      %get3A_641 = tpu.vector_load %arg6[%get3A_639, %get3A_640] {strides = array<i32>} : memref<100x512xf32, #tpu.memory_space<vmem>>, vector<1x16xf32>,
      %get3A_642 = vector.shape_cast %get3A_641 : vector<1x16xf32> to vector<16xf32>
      %max3A_643 = arith.maximumf %max3A_595, %get3A_642 : vector<16xf32>
      %get3A_644 = arith.constant 92 : i32
      %get3A_645 = arith.index_cast %get3A_644 : i32 to index
      %get3A_646 = arith.index_cast %mul3A_100 : i32 to index
      %get3A_647 = tpu.vector_load %arg6[%get3A_645, %get3A_646] {strides = array<i32>} : memref<100x512xf32, #tpu.memory_space<vmem>>, vector<1x16xf32>,
      %get3A_648 = vector.shape_cast %get3A_647 : vector<1x16xf32> to vector<16xf32>
      %max3A_649 = arith.maximumf %max3A_601, %get3A_648 : vector<16xf32>
      %get3A_650 = arith.constant 93 : i32
      %get3A_651 = arith.index_cast %get3A_650 : i32 to index
      %get3A_652 = arith.index_cast %mul3A_100 : i32 to index
      %get3A_653 = tpu.vector_load %arg6[%get3A_651, %get3A_652] {strides = array<i32>} : memref<100x512xf32, #tpu.memory_space<vmem>>, vector<1x16xf32>,
      %get3A_654 = vector.shape_cast %get3A_653 : vector<1x16xf32> to vector<16xf32>
      %max3A_655 = arith.maximumf %max3A_607, %get3A_654 : vector<16xf32>
      %get3A_656 = arith.constant 94 : i32
      %get3A_657 = arith.index_cast %get3A_656 : i32 to index
      %get3A_658 = arith.index_cast %mul3A_100 : i32 to index
      %get3A_659 = tpu.vector_load %arg6[%get3A_657, %get3A_658] {strides = array<i32>} : memref<100x512xf32, #tpu.memory_space<vmem>>, vector<1x16xf32>,
      %get3A_660 = vector.shape_cast %get3A_659 : vector<1x16xf32> to vector<16xf32>
      %max3A_661 = arith.maximumf %max3A_613, %get3A_660 : vector<16xf32>
      %get3A_662 = arith.constant 95 : i32
      %get3A_663 = arith.index_cast %get3A_662 : i32 to index
      %get3A_664 = arith.index_cast %mul3A_100 : i32 to index
      %get3A_665 = tpu.vector_load %arg6[%get3A_663, %get3A_664] {strides = array<i32>} : memref<100x512xf32, #tpu.memory_space<vmem>>, vector<1x16xf32>,
      %get3A_666 = vector.shape_cast %get3A_665 : vector<1x16xf32> to vector<16xf32>
      %max3A_667 = arith.maximumf %max3A_619, %get3A_666 : vector<16xf32>
      %get3A_668 = arith.constant 96 : i32
      %get3A_669 = arith.index_cast %get3A_668 : i32 to index
      %get3A_670 = arith.index_cast %mul3A_100 : i32 to index
      %get3A_671 = tpu.vector_load %arg6[%get3A_669, %get3A_670] {strides = array<i32>} : memref<100x512xf32, #tpu.memory_space<vmem>>, vector<1x16xf32>,
      %get3A_672 = vector.shape_cast %get3A_671 : vector<1x16xf32> to vector<16xf32>
      %max3A_673 = arith.maximumf %max3A_625, %get3A_672 : vector<16xf32>
      %get3A_674 = arith.constant 97 : i32
      %get3A_675 = arith.index_cast %get3A_674 : i32 to index
      %get3A_676 = arith.index_cast %mul3A_100 : i32 to index
      %get3A_677 = tpu.vector_load %arg6[%get3A_675, %get3A_676] {strides = array<i32>} : memref<100x512xf32, #tpu.memory_space<vmem>>, vector<1x16xf32>,
      %get3A_678 = vector.shape_cast %get3A_677 : vector<1x16xf32> to vector<16xf32>
      %max3A_679 = arith.maximumf %max3A_631, %get3A_678 : vector<16xf32>
      %get3A_680 = arith.constant 98 : i32
      %get3A_681 = arith.index_cast %get3A_680 : i32 to index
      %get3A_682 = arith.index_cast %mul3A_100 : i32 to index
      %get3A_683 = tpu.vector_load %arg6[%get3A_681, %get3A_682] {strides = array<i32>} : memref<100x512xf32, #tpu.memory_space<vmem>>, vector<1x16xf32>,
      %get3A_684 = vector.shape_cast %get3A_683 : vector<1x16xf32> to vector<16xf32>
      %max3A_685 = arith.maximumf %max3A_637, %get3A_684 : vector<16xf32>
      %get3A_686 = arith.constant 99 : i32
      %get3A_687 = arith.index_cast %get3A_686 : i32 to index
      %get3A_688 = arith.index_cast %mul3A_100 : i32 to index
      %get3A_689 = tpu.vector_load %arg6[%get3A_687, %get3A_688] {strides = array<i32>} : memref<100x512xf32, #tpu.memory_space<vmem>>, vector<1x16xf32>,
      %get3A_690 = vector.shape_cast %get3A_689 : vector<1x16xf32> to vector<16xf32>
      %max3A_691 = arith.maximumf %max3A_643, %get3A_690 : vector<16xf32>
      %max3A_692 = arith.maximumf %max3A_673, %max3A_679 : vector<16xf32>
      %max3A_693 = arith.maximumf %max3A_692, %max3A_685 : vector<16xf32>
      %max3A_694 = arith.maximumf %max3A_693, %max3A_691 : vector<16xf32>
      %max3A_695 = arith.maximumf %max3A_694, %max3A_649 : vector<16xf32>
      %max3A_696 = arith.maximumf %max3A_695, %max3A_655 : vector<16xf32>
      %max3A_697 = arith.maximumf %max3A_696, %max3A_661 : vector<16xf32>
      %max3A_698 = arith.maximumf %max3A_697, %max3A_667 : vector<16xf32>
      %mul3A_699 = arith.constant 3.000000e+01 : f32
      %mul3A_700 = vector.broadcast %mul3A_699 : f32 to vector<16xf32>
      %mul3A_701 = arith.mulf %mul3A_700, %max3A_698 : vector<16xf32>
      %get3A_702 = arith.constant 0 : i32
      %get3A_703 = arith.index_cast %get3A_702 : i32 to index
      %get3A_704 = arith.index_cast %mul3A_100 : i32 to index
      %get3A_705 = tpu.vector_load %arg6[%get3A_703, %get3A_704] {strides = array<i32>} : memref<100x512xf32, #tpu.memory_space<vmem>>, vector<1x16xf32>,
      %get3A_706 = vector.shape_cast %get3A_705 : vector<1x16xf32> to vector<16xf32>
      %mul3A_707 = arith.constant 3.000000e+01 : f32
      %mul3A_708 = vector.broadcast %mul3A_707 : f32 to vector<16xf32>
      %mul3A_709 = arith.mulf %mul3A_708, %get3A_706 : vector<16xf32>
      %sub3A_710 = arith.subf %mul3A_709, %mul3A_701 : vector<16xf32>
      %exp3A = math.exp %sub3A_710 : vector<16xf32>
      %add3A_711 = arith.addf %broadcast_in_dim3A_6, %exp3A : vector<16xf32>
      %get3A_712 = arith.constant 1 : i32
      %get3A_713 = arith.index_cast %get3A_712 : i32 to index
      %get3A_714 = arith.index_cast %mul3A_100 : i32 to index
      %get3A_715 = tpu.vector_load %arg6[%get3A_713, %get3A_714] {strides = array<i32>} : memref<100x512xf32, #tpu.memory_space<vmem>>, vector<1x16xf32>,
      %get3A_716 = vector.shape_cast %get3A_715 : vector<1x16xf32> to vector<16xf32>
      %mul3A_717 = arith.constant 3.000000e+01 : f32
      %mul3A_718 = vector.broadcast %mul3A_717 : f32 to vector<16xf32>
      %mul3A_719 = arith.mulf %mul3A_718, %get3A_716 : vector<16xf32>
      %sub3A_720 = arith.subf %mul3A_719, %mul3A_701 : vector<16xf32>
      %exp3A_721 = math.exp %sub3A_720 : vector<16xf32>
      %add3A_722 = arith.addf %broadcast_in_dim3A_6, %exp3A_721 : vector<16xf32>
      %get3A_723 = arith.constant 2 : i32
      %get3A_724 = arith.index_cast %get3A_723 : i32 to index
      %get3A_725 = arith.index_cast %mul3A_100 : i32 to index
      %get3A_726 = tpu.vector_load %arg6[%get3A_724, %get3A_725] {strides = array<i32>} : memref<100x512xf32, #tpu.memory_space<vmem>>, vector<1x16xf32>,
      %get3A_727 = vector.shape_cast %get3A_726 : vector<1x16xf32> to vector<16xf32>
      %mul3A_728 = arith.constant 3.000000e+01 : f32
      %mul3A_729 = vector.broadcast %mul3A_728 : f32 to vector<16xf32>
      %mul3A_730 = arith.mulf %mul3A_729, %get3A_727 : vector<16xf32>
      %sub3A_731 = arith.subf %mul3A_730, %mul3A_701 : vector<16xf32>
      %exp3A_732 = math.exp %sub3A_731 : vector<16xf32>
      %add3A_733 = arith.addf %broadcast_in_dim3A_6, %exp3A_732 : vector<16xf32>
      %get3A_734 = arith.constant 3 : i32
      %get3A_735 = arith.index_cast %get3A_734 : i32 to index
      %get3A_736 = arith.index_cast %mul3A_100 : i32 to index
      %get3A_737 = tpu.vector_load %arg6[%get3A_735, %get3A_736] {strides = array<i32>} : memref<100x512xf32, #tpu.memory_space<vmem>>, vector<1x16xf32>,
      %get3A_738 = vector.shape_cast %get3A_737 : vector<1x16xf32> to vector<16xf32>
      %mul3A_739 = arith.constant 3.000000e+01 : f32
      %mul3A_740 = vector.broadcast %mul3A_739 : f32 to vector<16xf32>
      %mul3A_741 = arith.mulf %mul3A_740, %get3A_738 : vector<16xf32>
      %sub3A_742 = arith.subf %mul3A_741, %mul3A_701 : vector<16xf32>
      %exp3A_743 = math.exp %sub3A_742 : vector<16xf32>
      %add3A_744 = arith.addf %broadcast_in_dim3A_6, %exp3A_743 : vector<16xf32>
      %get3A_745 = arith.constant 4 : i32
      %get3A_746 = arith.index_cast %get3A_745 : i32 to index
      %get3A_747 = arith.index_cast %mul3A_100 : i32 to index
      %get3A_748 = tpu.vector_load %arg6[%get3A_746, %get3A_747] {strides = array<i32>} : memref<100x512xf32, #tpu.memory_space<vmem>>, vector<1x16xf32>,
      %get3A_749 = vector.shape_cast %get3A_748 : vector<1x16xf32> to vector<16xf32>
      %mul3A_750 = arith.constant 3.000000e+01 : f32
      %mul3A_751 = vector.broadcast %mul3A_750 : f32 to vector<16xf32>
      %mul3A_752 = arith.mulf %mul3A_751, %get3A_749 : vector<16xf32>
      %sub3A_753 = arith.subf %mul3A_752, %mul3A_701 : vector<16xf32>
      %exp3A_754 = math.exp %sub3A_753 : vector<16xf32>
      %add3A_755 = arith.addf %broadcast_in_dim3A_6, %exp3A_754 : vector<16xf32>
      %get3A_756 = arith.constant 5 : i32
      %get3A_757 = arith.index_cast %get3A_756 : i32 to index
      %get3A_758 = arith.index_cast %mul3A_100 : i32 to index
      %get3A_759 = tpu.vector_load %arg6[%get3A_757, %get3A_758] {strides = array<i32>} : memref<100x512xf32, #tpu.memory_space<vmem>>, vector<1x16xf32>,
      %get3A_760 = vector.shape_cast %get3A_759 : vector<1x16xf32> to vector<16xf32>
      %mul3A_761 = arith.constant 3.000000e+01 : f32
      %mul3A_762 = vector.broadcast %mul3A_761 : f32 to vector<16xf32>
      %mul3A_763 = arith.mulf %mul3A_762, %get3A_760 : vector<16xf32>
      %sub3A_764 = arith.subf %mul3A_763, %mul3A_701 : vector<16xf32>
      %exp3A_765 = math.exp %sub3A_764 : vector<16xf32>
      %add3A_766 = arith.addf %broadcast_in_dim3A_6, %exp3A_765 : vector<16xf32>
      %get3A_767 = arith.constant 6 : i32
      %get3A_768 = arith.index_cast %get3A_767 : i32 to index
      %get3A_769 = arith.index_cast %mul3A_100 : i32 to index
      %get3A_770 = tpu.vector_load %arg6[%get3A_768, %get3A_769] {strides = array<i32>} : memref<100x512xf32, #tpu.memory_space<vmem>>, vector<1x16xf32>,
      %get3A_771 = vector.shape_cast %get3A_770 : vector<1x16xf32> to vector<16xf32>
      %mul3A_772 = arith.constant 3.000000e+01 : f32
      %mul3A_773 = vector.broadcast %mul3A_772 : f32 to vector<16xf32>
      %mul3A_774 = arith.mulf %mul3A_773, %get3A_771 : vector<16xf32>
      %sub3A_775 = arith.subf %mul3A_774, %mul3A_701 : vector<16xf32>
      %exp3A_776 = math.exp %sub3A_775 : vector<16xf32>
      %add3A_777 = arith.addf %broadcast_in_dim3A_6, %exp3A_776 : vector<16xf32>
      %get3A_778 = arith.constant 7 : i32
      %get3A_779 = arith.index_cast %get3A_778 : i32 to index
      %get3A_780 = arith.index_cast %mul3A_100 : i32 to index
      %get3A_781 = tpu.vector_load %arg6[%get3A_779, %get3A_780] {strides = array<i32>} : memref<100x512xf32, #tpu.memory_space<vmem>>, vector<1x16xf32>,
      %get3A_782 = vector.shape_cast %get3A_781 : vector<1x16xf32> to vector<16xf32>
      %mul3A_783 = arith.constant 3.000000e+01 : f32
      %mul3A_784 = vector.broadcast %mul3A_783 : f32 to vector<16xf32>
      %mul3A_785 = arith.mulf %mul3A_784, %get3A_782 : vector<16xf32>
      %sub3A_786 = arith.subf %mul3A_785, %mul3A_701 : vector<16xf32>
      %exp3A_787 = math.exp %sub3A_786 : vector<16xf32>
      %add3A_788 = arith.addf %broadcast_in_dim3A_6, %exp3A_787 : vector<16xf32>
      %get3A_789 = arith.constant 8 : i32
      %get3A_790 = arith.index_cast %get3A_789 : i32 to index
      %get3A_791 = arith.index_cast %mul3A_100 : i32 to index
      %get3A_792 = tpu.vector_load %arg6[%get3A_790, %get3A_791] {strides = array<i32>} : memref<100x512xf32, #tpu.memory_space<vmem>>, vector<1x16xf32>,
      %get3A_793 = vector.shape_cast %get3A_792 : vector<1x16xf32> to vector<16xf32>
      %mul3A_794 = arith.constant 3.000000e+01 : f32
      %mul3A_795 = vector.broadcast %mul3A_794 : f32 to vector<16xf32>
      %mul3A_796 = arith.mulf %mul3A_795, %get3A_793 : vector<16xf32>
      %sub3A_797 = arith.subf %mul3A_796, %mul3A_701 : vector<16xf32>
      %exp3A_798 = math.exp %sub3A_797 : vector<16xf32>
      %add3A_799 = arith.addf %add3A_711, %exp3A_798 : vector<16xf32>
      %get3A_800 = arith.constant 9 : i32
      %get3A_801 = arith.index_cast %get3A_800 : i32 to index
      %get3A_802 = arith.index_cast %mul3A_100 : i32 to index
      %get3A_803 = tpu.vector_load %arg6[%get3A_801, %get3A_802] {strides = array<i32>} : memref<100x512xf32, #tpu.memory_space<vmem>>, vector<1x16xf32>,
      %get3A_804 = vector.shape_cast %get3A_803 : vector<1x16xf32> to vector<16xf32>
      %mul3A_805 = arith.constant 3.000000e+01 : f32
      %mul3A_806 = vector.broadcast %mul3A_805 : f32 to vector<16xf32>
      %mul3A_807 = arith.mulf %mul3A_806, %get3A_804 : vector<16xf32>
      %sub3A_808 = arith.subf %mul3A_807, %mul3A_701 : vector<16xf32>
      %exp3A_809 = math.exp %sub3A_808 : vector<16xf32>
      %add3A_810 = arith.addf %add3A_722, %exp3A_809 : vector<16xf32>
      %get3A_811 = arith.constant 10 : i32
      %get3A_812 = arith.index_cast %get3A_811 : i32 to index
      %get3A_813 = arith.index_cast %mul3A_100 : i32 to index
      %get3A_814 = tpu.vector_load %arg6[%get3A_812, %get3A_813] {strides = array<i32>} : memref<100x512xf32, #tpu.memory_space<vmem>>, vector<1x16xf32>,
      %get3A_815 = vector.shape_cast %get3A_814 : vector<1x16xf32> to vector<16xf32>
      %mul3A_816 = arith.constant 3.000000e+01 : f32
      %mul3A_817 = vector.broadcast %mul3A_816 : f32 to vector<16xf32>
      %mul3A_818 = arith.mulf %mul3A_817, %get3A_815 : vector<16xf32>
      %sub3A_819 = arith.subf %mul3A_818, %mul3A_701 : vector<16xf32>
      %exp3A_820 = math.exp %sub3A_819 : vector<16xf32>
      %add3A_821 = arith.addf %add3A_733, %exp3A_820 : vector<16xf32>
      %get3A_822 = arith.constant 11 : i32
      %get3A_823 = arith.index_cast %get3A_822 : i32 to index
      %get3A_824 = arith.index_cast %mul3A_100 : i32 to index
      %get3A_825 = tpu.vector_load %arg6[%get3A_823, %get3A_824] {strides = array<i32>} : memref<100x512xf32, #tpu.memory_space<vmem>>, vector<1x16xf32>,
      %get3A_826 = vector.shape_cast %get3A_825 : vector<1x16xf32> to vector<16xf32>
      %mul3A_827 = arith.constant 3.000000e+01 : f32
      %mul3A_828 = vector.broadcast %mul3A_827 : f32 to vector<16xf32>
      %mul3A_829 = arith.mulf %mul3A_828, %get3A_826 : vector<16xf32>
      %sub3A_830 = arith.subf %mul3A_829, %mul3A_701 : vector<16xf32>
      %exp3A_831 = math.exp %sub3A_830 : vector<16xf32>
      %add3A_832 = arith.addf %add3A_744, %exp3A_831 : vector<16xf32>
      %get3A_833 = arith.constant 12 : i32
      %get3A_834 = arith.index_cast %get3A_833 : i32 to index
      %get3A_835 = arith.index_cast %mul3A_100 : i32 to index
      %get3A_836 = tpu.vector_load %arg6[%get3A_834, %get3A_835] {strides = array<i32>} : memref<100x512xf32, #tpu.memory_space<vmem>>, vector<1x16xf32>,
      %get3A_837 = vector.shape_cast %get3A_836 : vector<1x16xf32> to vector<16xf32>
      %mul3A_838 = arith.constant 3.000000e+01 : f32
      %mul3A_839 = vector.broadcast %mul3A_838 : f32 to vector<16xf32>
      %mul3A_840 = arith.mulf %mul3A_839, %get3A_837 : vector<16xf32>
      %sub3A_841 = arith.subf %mul3A_840, %mul3A_701 : vector<16xf32>
      %exp3A_842 = math.exp %sub3A_841 : vector<16xf32>
      %add3A_843 = arith.addf %add3A_755, %exp3A_842 : vector<16xf32>
      %get3A_844 = arith.constant 13 : i32
      %get3A_845 = arith.index_cast %get3A_844 : i32 to index
      %get3A_846 = arith.index_cast %mul3A_100 : i32 to index
      %get3A_847 = tpu.vector_load %arg6[%get3A_845, %get3A_846] {strides = array<i32>} : memref<100x512xf32, #tpu.memory_space<vmem>>, vector<1x16xf32>,
      %get3A_848 = vector.shape_cast %get3A_847 : vector<1x16xf32> to vector<16xf32>
      %mul3A_849 = arith.constant 3.000000e+01 : f32
      %mul3A_850 = vector.broadcast %mul3A_849 : f32 to vector<16xf32>
      %mul3A_851 = arith.mulf %mul3A_850, %get3A_848 : vector<16xf32>
      %sub3A_852 = arith.subf %mul3A_851, %mul3A_701 : vector<16xf32>
      %exp3A_853 = math.exp %sub3A_852 : vector<16xf32>
      %add3A_854 = arith.addf %add3A_766, %exp3A_853 : vector<16xf32>
      %get3A_855 = arith.constant 14 : i32
      %get3A_856 = arith.index_cast %get3A_855 : i32 to index
      %get3A_857 = arith.index_cast %mul3A_100 : i32 to index
      %get3A_858 = tpu.vector_load %arg6[%get3A_856, %get3A_857] {strides = array<i32>} : memref<100x512xf32, #tpu.memory_space<vmem>>, vector<1x16xf32>,
      %get3A_859 = vector.shape_cast %get3A_858 : vector<1x16xf32> to vector<16xf32>
      %mul3A_860 = arith.constant 3.000000e+01 : f32
      %mul3A_861 = vector.broadcast %mul3A_860 : f32 to vector<16xf32>
      %mul3A_862 = arith.mulf %mul3A_861, %get3A_859 : vector<16xf32>
      %sub3A_863 = arith.subf %mul3A_862, %mul3A_701 : vector<16xf32>
      %exp3A_864 = math.exp %sub3A_863 : vector<16xf32>
      %add3A_865 = arith.addf %add3A_777, %exp3A_864 : vector<16xf32>
      %get3A_866 = arith.constant 15 : i32
      %get3A_867 = arith.index_cast %get3A_866 : i32 to index
      %get3A_868 = arith.index_cast %mul3A_100 : i32 to index
      %get3A_869 = tpu.vector_load %arg6[%get3A_867, %get3A_868] {strides = array<i32>} : memref<100x512xf32, #tpu.memory_space<vmem>>, vector<1x16xf32>,
      %get3A_870 = vector.shape_cast %get3A_869 : vector<1x16xf32> to vector<16xf32>
      %mul3A_871 = arith.constant 3.000000e+01 : f32
      %mul3A_872 = vector.broadcast %mul3A_871 : f32 to vector<16xf32>
      %mul3A_873 = arith.mulf %mul3A_872, %get3A_870 : vector<16xf32>
      %sub3A_874 = arith.subf %mul3A_873, %mul3A_701 : vector<16xf32>
      %exp3A_875 = math.exp %sub3A_874 : vector<16xf32>
      %add3A_876 = arith.addf %add3A_788, %exp3A_875 : vector<16xf32>
      %get3A_877 = arith.constant 16 : i32
      %get3A_878 = arith.index_cast %get3A_877 : i32 to index
      %get3A_879 = arith.index_cast %mul3A_100 : i32 to index
      %get3A_880 = tpu.vector_load %arg6[%get3A_878, %get3A_879] {strides = array<i32>} : memref<100x512xf32, #tpu.memory_space<vmem>>, vector<1x16xf32>,
      %get3A_881 = vector.shape_cast %get3A_880 : vector<1x16xf32> to vector<16xf32>
      %mul3A_882 = arith.constant 3.000000e+01 : f32
      %mul3A_883 = vector.broadcast %mul3A_882 : f32 to vector<16xf32>
      %mul3A_884 = arith.mulf %mul3A_883, %get3A_881 : vector<16xf32>
      %sub3A_885 = arith.subf %mul3A_884, %mul3A_701 : vector<16xf32>
      %exp3A_886 = math.exp %sub3A_885 : vector<16xf32>
      %add3A_887 = arith.addf %add3A_799, %exp3A_886 : vector<16xf32>
      %get3A_888 = arith.constant 17 : i32
      %get3A_889 = arith.index_cast %get3A_888 : i32 to index
      %get3A_890 = arith.index_cast %mul3A_100 : i32 to index
      %get3A_891 = tpu.vector_load %arg6[%get3A_889, %get3A_890] {strides = array<i32>} : memref<100x512xf32, #tpu.memory_space<vmem>>, vector<1x16xf32>,
      %get3A_892 = vector.shape_cast %get3A_891 : vector<1x16xf32> to vector<16xf32>
      %mul3A_893 = arith.constant 3.000000e+01 : f32
      %mul3A_894 = vector.broadcast %mul3A_893 : f32 to vector<16xf32>
      %mul3A_895 = arith.mulf %mul3A_894, %get3A_892 : vector<16xf32>
      %sub3A_896 = arith.subf %mul3A_895, %mul3A_701 : vector<16xf32>
      %exp3A_897 = math.exp %sub3A_896 : vector<16xf32>
      %add3A_898 = arith.addf %add3A_810, %exp3A_897 : vector<16xf32>
      %get3A_899 = arith.constant 18 : i32
      %get3A_900 = arith.index_cast %get3A_899 : i32 to index
      %get3A_901 = arith.index_cast %mul3A_100 : i32 to index
      %get3A_902 = tpu.vector_load %arg6[%get3A_900, %get3A_901] {strides = array<i32>} : memref<100x512xf32, #tpu.memory_space<vmem>>, vector<1x16xf32>,
      %get3A_903 = vector.shape_cast %get3A_902 : vector<1x16xf32> to vector<16xf32>
      %mul3A_904 = arith.constant 3.000000e+01 : f32
      %mul3A_905 = vector.broadcast %mul3A_904 : f32 to vector<16xf32>
      %mul3A_906 = arith.mulf %mul3A_905, %get3A_903 : vector<16xf32>
      %sub3A_907 = arith.subf %mul3A_906, %mul3A_701 : vector<16xf32>
      %exp3A_908 = math.exp %sub3A_907 : vector<16xf32>
      %add3A_909 = arith.addf %add3A_821, %exp3A_908 : vector<16xf32>
      %get3A_910 = arith.constant 19 : i32
      %get3A_911 = arith.index_cast %get3A_910 : i32 to index
      %get3A_912 = arith.index_cast %mul3A_100 : i32 to index
      %get3A_913 = tpu.vector_load %arg6[%get3A_911, %get3A_912] {strides = array<i32>} : memref<100x512xf32, #tpu.memory_space<vmem>>, vector<1x16xf32>,
      %get3A_914 = vector.shape_cast %get3A_913 : vector<1x16xf32> to vector<16xf32>
      %mul3A_915 = arith.constant 3.000000e+01 : f32
      %mul3A_916 = vector.broadcast %mul3A_915 : f32 to vector<16xf32>
      %mul3A_917 = arith.mulf %mul3A_916, %get3A_914 : vector<16xf32>
      %sub3A_918 = arith.subf %mul3A_917, %mul3A_701 : vector<16xf32>
      %exp3A_919 = math.exp %sub3A_918 : vector<16xf32>
      %add3A_920 = arith.addf %add3A_832, %exp3A_919 : vector<16xf32>
      %get3A_921 = arith.constant 20 : i32
      %get3A_922 = arith.index_cast %get3A_921 : i32 to index
      %get3A_923 = arith.index_cast %mul3A_100 : i32 to index
      %get3A_924 = tpu.vector_load %arg6[%get3A_922, %get3A_923] {strides = array<i32>} : memref<100x512xf32, #tpu.memory_space<vmem>>, vector<1x16xf32>,
      %get3A_925 = vector.shape_cast %get3A_924 : vector<1x16xf32> to vector<16xf32>
      %mul3A_926 = arith.constant 3.000000e+01 : f32
      %mul3A_927 = vector.broadcast %mul3A_926 : f32 to vector<16xf32>
      %mul3A_928 = arith.mulf %mul3A_927, %get3A_925 : vector<16xf32>
      %sub3A_929 = arith.subf %mul3A_928, %mul3A_701 : vector<16xf32>
      %exp3A_930 = math.exp %sub3A_929 : vector<16xf32>
      %add3A_931 = arith.addf %add3A_843, %exp3A_930 : vector<16xf32>
      %get3A_932 = arith.constant 21 : i32
      %get3A_933 = arith.index_cast %get3A_932 : i32 to index
      %get3A_934 = arith.index_cast %mul3A_100 : i32 to index
      %get3A_935 = tpu.vector_load %arg6[%get3A_933, %get3A_934] {strides = array<i32>} : memref<100x512xf32, #tpu.memory_space<vmem>>, vector<1x16xf32>,
      %get3A_936 = vector.shape_cast %get3A_935 : vector<1x16xf32> to vector<16xf32>
      %mul3A_937 = arith.constant 3.000000e+01 : f32
      %mul3A_938 = vector.broadcast %mul3A_937 : f32 to vector<16xf32>
      %mul3A_939 = arith.mulf %mul3A_938, %get3A_936 : vector<16xf32>
      %sub3A_940 = arith.subf %mul3A_939, %mul3A_701 : vector<16xf32>
      %exp3A_941 = math.exp %sub3A_940 : vector<16xf32>
      %add3A_942 = arith.addf %add3A_854, %exp3A_941 : vector<16xf32>
      %get3A_943 = arith.constant 22 : i32
      %get3A_944 = arith.index_cast %get3A_943 : i32 to index
      %get3A_945 = arith.index_cast %mul3A_100 : i32 to index
      %get3A_946 = tpu.vector_load %arg6[%get3A_944, %get3A_945] {strides = array<i32>} : memref<100x512xf32, #tpu.memory_space<vmem>>, vector<1x16xf32>,
      %get3A_947 = vector.shape_cast %get3A_946 : vector<1x16xf32> to vector<16xf32>
      %mul3A_948 = arith.constant 3.000000e+01 : f32
      %mul3A_949 = vector.broadcast %mul3A_948 : f32 to vector<16xf32>
      %mul3A_950 = arith.mulf %mul3A_949, %get3A_947 : vector<16xf32>
      %sub3A_951 = arith.subf %mul3A_950, %mul3A_701 : vector<16xf32>
      %exp3A_952 = math.exp %sub3A_951 : vector<16xf32>
      %add3A_953 = arith.addf %add3A_865, %exp3A_952 : vector<16xf32>
      %get3A_954 = arith.constant 23 : i32
      %get3A_955 = arith.index_cast %get3A_954 : i32 to index
      %get3A_956 = arith.index_cast %mul3A_100 : i32 to index
      %get3A_957 = tpu.vector_load %arg6[%get3A_955, %get3A_956] {strides = array<i32>} : memref<100x512xf32, #tpu.memory_space<vmem>>, vector<1x16xf32>,
      %get3A_958 = vector.shape_cast %get3A_957 : vector<1x16xf32> to vector<16xf32>
      %mul3A_959 = arith.constant 3.000000e+01 : f32
      %mul3A_960 = vector.broadcast %mul3A_959 : f32 to vector<16xf32>
      %mul3A_961 = arith.mulf %mul3A_960, %get3A_958 : vector<16xf32>
      %sub3A_962 = arith.subf %mul3A_961, %mul3A_701 : vector<16xf32>
      %exp3A_963 = math.exp %sub3A_962 : vector<16xf32>
      %add3A_964 = arith.addf %add3A_876, %exp3A_963 : vector<16xf32>
      %get3A_965 = arith.constant 24 : i32
      %get3A_966 = arith.index_cast %get3A_965 : i32 to index
      %get3A_967 = arith.index_cast %mul3A_100 : i32 to index
      %get3A_968 = tpu.vector_load %arg6[%get3A_966, %get3A_967] {strides = array<i32>} : memref<100x512xf32, #tpu.memory_space<vmem>>, vector<1x16xf32>,
      %get3A_969 = vector.shape_cast %get3A_968 : vector<1x16xf32> to vector<16xf32>
      %mul3A_970 = arith.constant 3.000000e+01 : f32
      %mul3A_971 = vector.broadcast %mul3A_970 : f32 to vector<16xf32>
      %mul3A_972 = arith.mulf %mul3A_971, %get3A_969 : vector<16xf32>
      %sub3A_973 = arith.subf %mul3A_972, %mul3A_701 : vector<16xf32>
      %exp3A_974 = math.exp %sub3A_973 : vector<16xf32>
      %add3A_975 = arith.addf %add3A_887, %exp3A_974 : vector<16xf32>
      %get3A_976 = arith.constant 25 : i32
      %get3A_977 = arith.index_cast %get3A_976 : i32 to index
      %get3A_978 = arith.index_cast %mul3A_100 : i32 to index
      %get3A_979 = tpu.vector_load %arg6[%get3A_977, %get3A_978] {strides = array<i32>} : memref<100x512xf32, #tpu.memory_space<vmem>>, vector<1x16xf32>,
      %get3A_980 = vector.shape_cast %get3A_979 : vector<1x16xf32> to vector<16xf32>
      %mul3A_981 = arith.constant 3.000000e+01 : f32
      %mul3A_982 = vector.broadcast %mul3A_981 : f32 to vector<16xf32>
      %mul3A_983 = arith.mulf %mul3A_982, %get3A_980 : vector<16xf32>
      %sub3A_984 = arith.subf %mul3A_983, %mul3A_701 : vector<16xf32>
      %exp3A_985 = math.exp %sub3A_984 : vector<16xf32>
      %add3A_986 = arith.addf %add3A_898, %exp3A_985 : vector<16xf32>
      %get3A_987 = arith.constant 26 : i32
      %get3A_988 = arith.index_cast %get3A_987 : i32 to index
      %get3A_989 = arith.index_cast %mul3A_100 : i32 to index
      %get3A_990 = tpu.vector_load %arg6[%get3A_988, %get3A_989] {strides = array<i32>} : memref<100x512xf32, #tpu.memory_space<vmem>>, vector<1x16xf32>,
      %get3A_991 = vector.shape_cast %get3A_990 : vector<1x16xf32> to vector<16xf32>
      %mul3A_992 = arith.constant 3.000000e+01 : f32
      %mul3A_993 = vector.broadcast %mul3A_992 : f32 to vector<16xf32>
      %mul3A_994 = arith.mulf %mul3A_993, %get3A_991 : vector<16xf32>
      %sub3A_995 = arith.subf %mul3A_994, %mul3A_701 : vector<16xf32>
      %exp3A_996 = math.exp %sub3A_995 : vector<16xf32>
      %add3A_997 = arith.addf %add3A_909, %exp3A_996 : vector<16xf32>
      %get3A_998 = arith.constant 27 : i32
      %get3A_999 = arith.index_cast %get3A_998 : i32 to index
      %get3A_1000 = arith.index_cast %mul3A_100 : i32 to index
      %get3A_1001 = tpu.vector_load %arg6[%get3A_999, %get3A_1000] {strides = array<i32>} : memref<100x512xf32, #tpu.memory_space<vmem>>, vector<1x16xf32>,
      %get3A_1002 = vector.shape_cast %get3A_1001 : vector<1x16xf32> to vector<16xf32>
      %mul3A_1003 = arith.constant 3.000000e+01 : f32
      %mul3A_1004 = vector.broadcast %mul3A_1003 : f32 to vector<16xf32>
      %mul3A_1005 = arith.mulf %mul3A_1004, %get3A_1002 : vector<16xf32>
      %sub3A_1006 = arith.subf %mul3A_1005, %mul3A_701 : vector<16xf32>
      %exp3A_1007 = math.exp %sub3A_1006 : vector<16xf32>
      %add3A_1008 = arith.addf %add3A_920, %exp3A_1007 : vector<16xf32>
      %get3A_1009 = arith.constant 28 : i32
      %get3A_1010 = arith.index_cast %get3A_1009 : i32 to index
      %get3A_1011 = arith.index_cast %mul3A_100 : i32 to index
      %get3A_1012 = tpu.vector_load %arg6[%get3A_1010, %get3A_1011] {strides = array<i32>} : memref<100x512xf32, #tpu.memory_space<vmem>>, vector<1x16xf32>,
      %get3A_1013 = vector.shape_cast %get3A_1012 : vector<1x16xf32> to vector<16xf32>
      %mul3A_1014 = arith.constant 3.000000e+01 : f32
      %mul3A_1015 = vector.broadcast %mul3A_1014 : f32 to vector<16xf32>
      %mul3A_1016 = arith.mulf %mul3A_1015, %get3A_1013 : vector<16xf32>
      %sub3A_1017 = arith.subf %mul3A_1016, %mul3A_701 : vector<16xf32>
      %exp3A_1018 = math.exp %sub3A_1017 : vector<16xf32>
      %add3A_1019 = arith.addf %add3A_931, %exp3A_1018 : vector<16xf32>
      %get3A_1020 = arith.constant 29 : i32
      %get3A_1021 = arith.index_cast %get3A_1020 : i32 to index
      %get3A_1022 = arith.index_cast %mul3A_100 : i32 to index
      %get3A_1023 = tpu.vector_load %arg6[%get3A_1021, %get3A_1022] {strides = array<i32>} : memref<100x512xf32, #tpu.memory_space<vmem>>, vector<1x16xf32>,
      %get3A_1024 = vector.shape_cast %get3A_1023 : vector<1x16xf32> to vector<16xf32>
      %mul3A_1025 = arith.constant 3.000000e+01 : f32
      %mul3A_1026 = vector.broadcast %mul3A_1025 : f32 to vector<16xf32>
      %mul3A_1027 = arith.mulf %mul3A_1026, %get3A_1024 : vector<16xf32>
      %sub3A_1028 = arith.subf %mul3A_1027, %mul3A_701 : vector<16xf32>
      %exp3A_1029 = math.exp %sub3A_1028 : vector<16xf32>
      %add3A_1030 = arith.addf %add3A_942, %exp3A_1029 : vector<16xf32>
      %get3A_1031 = arith.constant 30 : i32
      %get3A_1032 = arith.index_cast %get3A_1031 : i32 to index
      %get3A_1033 = arith.index_cast %mul3A_100 : i32 to index
      %get3A_1034 = tpu.vector_load %arg6[%get3A_1032, %get3A_1033] {strides = array<i32>} : memref<100x512xf32, #tpu.memory_space<vmem>>, vector<1x16xf32>,
      %get3A_1035 = vector.shape_cast %get3A_1034 : vector<1x16xf32> to vector<16xf32>
      %mul3A_1036 = arith.constant 3.000000e+01 : f32
      %mul3A_1037 = vector.broadcast %mul3A_1036 : f32 to vector<16xf32>
      %mul3A_1038 = arith.mulf %mul3A_1037, %get3A_1035 : vector<16xf32>
      %sub3A_1039 = arith.subf %mul3A_1038, %mul3A_701 : vector<16xf32>
      %exp3A_1040 = math.exp %sub3A_1039 : vector<16xf32>
      %add3A_1041 = arith.addf %add3A_953, %exp3A_1040 : vector<16xf32>
      %get3A_1042 = arith.constant 31 : i32
      %get3A_1043 = arith.index_cast %get3A_1042 : i32 to index
      %get3A_1044 = arith.index_cast %mul3A_100 : i32 to index
      %get3A_1045 = tpu.vector_load %arg6[%get3A_1043, %get3A_1044] {strides = array<i32>} : memref<100x512xf32, #tpu.memory_space<vmem>>, vector<1x16xf32>,
      %get3A_1046 = vector.shape_cast %get3A_1045 : vector<1x16xf32> to vector<16xf32>
      %mul3A_1047 = arith.constant 3.000000e+01 : f32
      %mul3A_1048 = vector.broadcast %mul3A_1047 : f32 to vector<16xf32>
      %mul3A_1049 = arith.mulf %mul3A_1048, %get3A_1046 : vector<16xf32>
      %sub3A_1050 = arith.subf %mul3A_1049, %mul3A_701 : vector<16xf32>
      %exp3A_1051 = math.exp %sub3A_1050 : vector<16xf32>
      %add3A_1052 = arith.addf %add3A_964, %exp3A_1051 : vector<16xf32>
      %get3A_1053 = arith.constant 32 : i32
      %get3A_1054 = arith.index_cast %get3A_1053 : i32 to index
      %get3A_1055 = arith.index_cast %mul3A_100 : i32 to index
      %get3A_1056 = tpu.vector_load %arg6[%get3A_1054, %get3A_1055] {strides = array<i32>} : memref<100x512xf32, #tpu.memory_space<vmem>>, vector<1x16xf32>,
      %get3A_1057 = vector.shape_cast %get3A_1056 : vector<1x16xf32> to vector<16xf32>
      %mul3A_1058 = arith.constant 3.000000e+01 : f32
      %mul3A_1059 = vector.broadcast %mul3A_1058 : f32 to vector<16xf32>
      %mul3A_1060 = arith.mulf %mul3A_1059, %get3A_1057 : vector<16xf32>
      %sub3A_1061 = arith.subf %mul3A_1060, %mul3A_701 : vector<16xf32>
      %exp3A_1062 = math.exp %sub3A_1061 : vector<16xf32>
      %add3A_1063 = arith.addf %add3A_975, %exp3A_1062 : vector<16xf32>
      %get3A_1064 = arith.constant 33 : i32
      %get3A_1065 = arith.index_cast %get3A_1064 : i32 to index
      %get3A_1066 = arith.index_cast %mul3A_100 : i32 to index
      %get3A_1067 = tpu.vector_load %arg6[%get3A_1065, %get3A_1066] {strides = array<i32>} : memref<100x512xf32, #tpu.memory_space<vmem>>, vector<1x16xf32>,
      %get3A_1068 = vector.shape_cast %get3A_1067 : vector<1x16xf32> to vector<16xf32>
      %mul3A_1069 = arith.constant 3.000000e+01 : f32
      %mul3A_1070 = vector.broadcast %mul3A_1069 : f32 to vector<16xf32>
      %mul3A_1071 = arith.mulf %mul3A_1070, %get3A_1068 : vector<16xf32>
      %sub3A_1072 = arith.subf %mul3A_1071, %mul3A_701 : vector<16xf32>
      %exp3A_1073 = math.exp %sub3A_1072 : vector<16xf32>
      %add3A_1074 = arith.addf %add3A_986, %exp3A_1073 : vector<16xf32>
      %get3A_1075 = arith.constant 34 : i32
      %get3A_1076 = arith.index_cast %get3A_1075 : i32 to index
      %get3A_1077 = arith.index_cast %mul3A_100 : i32 to index
      %get3A_1078 = tpu.vector_load %arg6[%get3A_1076, %get3A_1077] {strides = array<i32>} : memref<100x512xf32, #tpu.memory_space<vmem>>, vector<1x16xf32>,
      %get3A_1079 = vector.shape_cast %get3A_1078 : vector<1x16xf32> to vector<16xf32>
      %mul3A_1080 = arith.constant 3.000000e+01 : f32
      %mul3A_1081 = vector.broadcast %mul3A_1080 : f32 to vector<16xf32>
      %mul3A_1082 = arith.mulf %mul3A_1081, %get3A_1079 : vector<16xf32>
      %sub3A_1083 = arith.subf %mul3A_1082, %mul3A_701 : vector<16xf32>
      %exp3A_1084 = math.exp %sub3A_1083 : vector<16xf32>
      %add3A_1085 = arith.addf %add3A_997, %exp3A_1084 : vector<16xf32>
      %get3A_1086 = arith.constant 35 : i32
      %get3A_1087 = arith.index_cast %get3A_1086 : i32 to index
      %get3A_1088 = arith.index_cast %mul3A_100 : i32 to index
      %get3A_1089 = tpu.vector_load %arg6[%get3A_1087, %get3A_1088] {strides = array<i32>} : memref<100x512xf32, #tpu.memory_space<vmem>>, vector<1x16xf32>,
      %get3A_1090 = vector.shape_cast %get3A_1089 : vector<1x16xf32> to vector<16xf32>
      %mul3A_1091 = arith.constant 3.000000e+01 : f32
      %mul3A_1092 = vector.broadcast %mul3A_1091 : f32 to vector<16xf32>
      %mul3A_1093 = arith.mulf %mul3A_1092, %get3A_1090 : vector<16xf32>
      %sub3A_1094 = arith.subf %mul3A_1093, %mul3A_701 : vector<16xf32>
      %exp3A_1095 = math.exp %sub3A_1094 : vector<16xf32>
      %add3A_1096 = arith.addf %add3A_1008, %exp3A_1095 : vector<16xf32>
      %get3A_1097 = arith.constant 36 : i32
      %get3A_1098 = arith.index_cast %get3A_1097 : i32 to index
      %get3A_1099 = arith.index_cast %mul3A_100 : i32 to index
      %get3A_1100 = tpu.vector_load %arg6[%get3A_1098, %get3A_1099] {strides = array<i32>} : memref<100x512xf32, #tpu.memory_space<vmem>>, vector<1x16xf32>,
      %get3A_1101 = vector.shape_cast %get3A_1100 : vector<1x16xf32> to vector<16xf32>
      %mul3A_1102 = arith.constant 3.000000e+01 : f32
      %mul3A_1103 = vector.broadcast %mul3A_1102 : f32 to vector<16xf32>
      %mul3A_1104 = arith.mulf %mul3A_1103, %get3A_1101 : vector<16xf32>
      %sub3A_1105 = arith.subf %mul3A_1104, %mul3A_701 : vector<16xf32>
      %exp3A_1106 = math.exp %sub3A_1105 : vector<16xf32>
      %add3A_1107 = arith.addf %add3A_1019, %exp3A_1106 : vector<16xf32>
      %get3A_1108 = arith.constant 37 : i32
      %get3A_1109 = arith.index_cast %get3A_1108 : i32 to index
      %get3A_1110 = arith.index_cast %mul3A_100 : i32 to index
      %get3A_1111 = tpu.vector_load %arg6[%get3A_1109, %get3A_1110] {strides = array<i32>} : memref<100x512xf32, #tpu.memory_space<vmem>>, vector<1x16xf32>,
      %get3A_1112 = vector.shape_cast %get3A_1111 : vector<1x16xf32> to vector<16xf32>
      %mul3A_1113 = arith.constant 3.000000e+01 : f32
      %mul3A_1114 = vector.broadcast %mul3A_1113 : f32 to vector<16xf32>
      %mul3A_1115 = arith.mulf %mul3A_1114, %get3A_1112 : vector<16xf32>
      %sub3A_1116 = arith.subf %mul3A_1115, %mul3A_701 : vector<16xf32>
      %exp3A_1117 = math.exp %sub3A_1116 : vector<16xf32>
      %add3A_1118 = arith.addf %add3A_1030, %exp3A_1117 : vector<16xf32>
      %get3A_1119 = arith.constant 38 : i32
      %get3A_1120 = arith.index_cast %get3A_1119 : i32 to index
      %get3A_1121 = arith.index_cast %mul3A_100 : i32 to index
      %get3A_1122 = tpu.vector_load %arg6[%get3A_1120, %get3A_1121] {strides = array<i32>} : memref<100x512xf32, #tpu.memory_space<vmem>>, vector<1x16xf32>,
      %get3A_1123 = vector.shape_cast %get3A_1122 : vector<1x16xf32> to vector<16xf32>
      %mul3A_1124 = arith.constant 3.000000e+01 : f32
      %mul3A_1125 = vector.broadcast %mul3A_1124 : f32 to vector<16xf32>
      %mul3A_1126 = arith.mulf %mul3A_1125, %get3A_1123 : vector<16xf32>
      %sub3A_1127 = arith.subf %mul3A_1126, %mul3A_701 : vector<16xf32>
      %exp3A_1128 = math.exp %sub3A_1127 : vector<16xf32>
      %add3A_1129 = arith.addf %add3A_1041, %exp3A_1128 : vector<16xf32>
      %get3A_1130 = arith.constant 39 : i32
      %get3A_1131 = arith.index_cast %get3A_1130 : i32 to index
      %get3A_1132 = arith.index_cast %mul3A_100 : i32 to index
      %get3A_1133 = tpu.vector_load %arg6[%get3A_1131, %get3A_1132] {strides = array<i32>} : memref<100x512xf32, #tpu.memory_space<vmem>>, vector<1x16xf32>,
      %get3A_1134 = vector.shape_cast %get3A_1133 : vector<1x16xf32> to vector<16xf32>
      %mul3A_1135 = arith.constant 3.000000e+01 : f32
      %mul3A_1136 = vector.broadcast %mul3A_1135 : f32 to vector<16xf32>
      %mul3A_1137 = arith.mulf %mul3A_1136, %get3A_1134 : vector<16xf32>
      %sub3A_1138 = arith.subf %mul3A_1137, %mul3A_701 : vector<16xf32>
      %exp3A_1139 = math.exp %sub3A_1138 : vector<16xf32>
      %add3A_1140 = arith.addf %add3A_1052, %exp3A_1139 : vector<16xf32>
      %get3A_1141 = arith.constant 40 : i32
      %get3A_1142 = arith.index_cast %get3A_1141 : i32 to index
      %get3A_1143 = arith.index_cast %mul3A_100 : i32 to index
      %get3A_1144 = tpu.vector_load %arg6[%get3A_1142, %get3A_1143] {strides = array<i32>} : memref<100x512xf32, #tpu.memory_space<vmem>>, vector<1x16xf32>,
      %get3A_1145 = vector.shape_cast %get3A_1144 : vector<1x16xf32> to vector<16xf32>
      %mul3A_1146 = arith.constant 3.000000e+01 : f32
      %mul3A_1147 = vector.broadcast %mul3A_1146 : f32 to vector<16xf32>
      %mul3A_1148 = arith.mulf %mul3A_1147, %get3A_1145 : vector<16xf32>
      %sub3A_1149 = arith.subf %mul3A_1148, %mul3A_701 : vector<16xf32>
      %exp3A_1150 = math.exp %sub3A_1149 : vector<16xf32>
      %add3A_1151 = arith.addf %add3A_1063, %exp3A_1150 : vector<16xf32>
      %get3A_1152 = arith.constant 41 : i32
      %get3A_1153 = arith.index_cast %get3A_1152 : i32 to index
      %get3A_1154 = arith.index_cast %mul3A_100 : i32 to index
      %get3A_1155 = tpu.vector_load %arg6[%get3A_1153, %get3A_1154] {strides = array<i32>} : memref<100x512xf32, #tpu.memory_space<vmem>>, vector<1x16xf32>,
      %get3A_1156 = vector.shape_cast %get3A_1155 : vector<1x16xf32> to vector<16xf32>
      %mul3A_1157 = arith.constant 3.000000e+01 : f32
      %mul3A_1158 = vector.broadcast %mul3A_1157 : f32 to vector<16xf32>
      %mul3A_1159 = arith.mulf %mul3A_1158, %get3A_1156 : vector<16xf32>
      %sub3A_1160 = arith.subf %mul3A_1159, %mul3A_701 : vector<16xf32>
      %exp3A_1161 = math.exp %sub3A_1160 : vector<16xf32>
      %add3A_1162 = arith.addf %add3A_1074, %exp3A_1161 : vector<16xf32>
      %get3A_1163 = arith.constant 42 : i32
      %get3A_1164 = arith.index_cast %get3A_1163 : i32 to index
      %get3A_1165 = arith.index_cast %mul3A_100 : i32 to index
      %get3A_1166 = tpu.vector_load %arg6[%get3A_1164, %get3A_1165] {strides = array<i32>} : memref<100x512xf32, #tpu.memory_space<vmem>>, vector<1x16xf32>,
      %get3A_1167 = vector.shape_cast %get3A_1166 : vector<1x16xf32> to vector<16xf32>
      %mul3A_1168 = arith.constant 3.000000e+01 : f32
      %mul3A_1169 = vector.broadcast %mul3A_1168 : f32 to vector<16xf32>
      %mul3A_1170 = arith.mulf %mul3A_1169, %get3A_1167 : vector<16xf32>
      %sub3A_1171 = arith.subf %mul3A_1170, %mul3A_701 : vector<16xf32>
      %exp3A_1172 = math.exp %sub3A_1171 : vector<16xf32>
      %add3A_1173 = arith.addf %add3A_1085, %exp3A_1172 : vector<16xf32>
      %get3A_1174 = arith.constant 43 : i32
      %get3A_1175 = arith.index_cast %get3A_1174 : i32 to index
      %get3A_1176 = arith.index_cast %mul3A_100 : i32 to index
      %get3A_1177 = tpu.vector_load %arg6[%get3A_1175, %get3A_1176] {strides = array<i32>} : memref<100x512xf32, #tpu.memory_space<vmem>>, vector<1x16xf32>,
      %get3A_1178 = vector.shape_cast %get3A_1177 : vector<1x16xf32> to vector<16xf32>
      %mul3A_1179 = arith.constant 3.000000e+01 : f32
      %mul3A_1180 = vector.broadcast %mul3A_1179 : f32 to vector<16xf32>
      %mul3A_1181 = arith.mulf %mul3A_1180, %get3A_1178 : vector<16xf32>
      %sub3A_1182 = arith.subf %mul3A_1181, %mul3A_701 : vector<16xf32>
      %exp3A_1183 = math.exp %sub3A_1182 : vector<16xf32>
      %add3A_1184 = arith.addf %add3A_1096, %exp3A_1183 : vector<16xf32>
      %get3A_1185 = arith.constant 44 : i32
      %get3A_1186 = arith.index_cast %get3A_1185 : i32 to index
      %get3A_1187 = arith.index_cast %mul3A_100 : i32 to index
      %get3A_1188 = tpu.vector_load %arg6[%get3A_1186, %get3A_1187] {strides = array<i32>} : memref<100x512xf32, #tpu.memory_space<vmem>>, vector<1x16xf32>,
      %get3A_1189 = vector.shape_cast %get3A_1188 : vector<1x16xf32> to vector<16xf32>
      %mul3A_1190 = arith.constant 3.000000e+01 : f32
      %mul3A_1191 = vector.broadcast %mul3A_1190 : f32 to vector<16xf32>
      %mul3A_1192 = arith.mulf %mul3A_1191, %get3A_1189 : vector<16xf32>
      %sub3A_1193 = arith.subf %mul3A_1192, %mul3A_701 : vector<16xf32>
      %exp3A_1194 = math.exp %sub3A_1193 : vector<16xf32>
      %add3A_1195 = arith.addf %add3A_1107, %exp3A_1194 : vector<16xf32>
      %get3A_1196 = arith.constant 45 : i32
      %get3A_1197 = arith.index_cast %get3A_1196 : i32 to index
      %get3A_1198 = arith.index_cast %mul3A_100 : i32 to index
      %get3A_1199 = tpu.vector_load %arg6[%get3A_1197, %get3A_1198] {strides = array<i32>} : memref<100x512xf32, #tpu.memory_space<vmem>>, vector<1x16xf32>,
      %get3A_1200 = vector.shape_cast %get3A_1199 : vector<1x16xf32> to vector<16xf32>
      %mul3A_1201 = arith.constant 3.000000e+01 : f32
      %mul3A_1202 = vector.broadcast %mul3A_1201 : f32 to vector<16xf32>
      %mul3A_1203 = arith.mulf %mul3A_1202, %get3A_1200 : vector<16xf32>
      %sub3A_1204 = arith.subf %mul3A_1203, %mul3A_701 : vector<16xf32>
      %exp3A_1205 = math.exp %sub3A_1204 : vector<16xf32>
      %add3A_1206 = arith.addf %add3A_1118, %exp3A_1205 : vector<16xf32>
      %get3A_1207 = arith.constant 46 : i32
      %get3A_1208 = arith.index_cast %get3A_1207 : i32 to index
      %get3A_1209 = arith.index_cast %mul3A_100 : i32 to index
      %get3A_1210 = tpu.vector_load %arg6[%get3A_1208, %get3A_1209] {strides = array<i32>} : memref<100x512xf32, #tpu.memory_space<vmem>>, vector<1x16xf32>,
      %get3A_1211 = vector.shape_cast %get3A_1210 : vector<1x16xf32> to vector<16xf32>
      %mul3A_1212 = arith.constant 3.000000e+01 : f32
      %mul3A_1213 = vector.broadcast %mul3A_1212 : f32 to vector<16xf32>
      %mul3A_1214 = arith.mulf %mul3A_1213, %get3A_1211 : vector<16xf32>
      %sub3A_1215 = arith.subf %mul3A_1214, %mul3A_701 : vector<16xf32>
      %exp3A_1216 = math.exp %sub3A_1215 : vector<16xf32>
      %add3A_1217 = arith.addf %add3A_1129, %exp3A_1216 : vector<16xf32>
      %get3A_1218 = arith.constant 47 : i32
      %get3A_1219 = arith.index_cast %get3A_1218 : i32 to index
      %get3A_1220 = arith.index_cast %mul3A_100 : i32 to index
      %get3A_1221 = tpu.vector_load %arg6[%get3A_1219, %get3A_1220] {strides = array<i32>} : memref<100x512xf32, #tpu.memory_space<vmem>>, vector<1x16xf32>,
      %get3A_1222 = vector.shape_cast %get3A_1221 : vector<1x16xf32> to vector<16xf32>
      %mul3A_1223 = arith.constant 3.000000e+01 : f32
      %mul3A_1224 = vector.broadcast %mul3A_1223 : f32 to vector<16xf32>
      %mul3A_1225 = arith.mulf %mul3A_1224, %get3A_1222 : vector<16xf32>
      %sub3A_1226 = arith.subf %mul3A_1225, %mul3A_701 : vector<16xf32>
      %exp3A_1227 = math.exp %sub3A_1226 : vector<16xf32>
      %add3A_1228 = arith.addf %add3A_1140, %exp3A_1227 : vector<16xf32>
      %get3A_1229 = arith.constant 48 : i32
      %get3A_1230 = arith.index_cast %get3A_1229 : i32 to index
      %get3A_1231 = arith.index_cast %mul3A_100 : i32 to index
      %get3A_1232 = tpu.vector_load %arg6[%get3A_1230, %get3A_1231] {strides = array<i32>} : memref<100x512xf32, #tpu.memory_space<vmem>>, vector<1x16xf32>,
      %get3A_1233 = vector.shape_cast %get3A_1232 : vector<1x16xf32> to vector<16xf32>
      %mul3A_1234 = arith.constant 3.000000e+01 : f32
      %mul3A_1235 = vector.broadcast %mul3A_1234 : f32 to vector<16xf32>
      %mul3A_1236 = arith.mulf %mul3A_1235, %get3A_1233 : vector<16xf32>
      %sub3A_1237 = arith.subf %mul3A_1236, %mul3A_701 : vector<16xf32>
      %exp3A_1238 = math.exp %sub3A_1237 : vector<16xf32>
      %add3A_1239 = arith.addf %add3A_1151, %exp3A_1238 : vector<16xf32>
      %get3A_1240 = arith.constant 49 : i32
      %get3A_1241 = arith.index_cast %get3A_1240 : i32 to index
      %get3A_1242 = arith.index_cast %mul3A_100 : i32 to index
      %get3A_1243 = tpu.vector_load %arg6[%get3A_1241, %get3A_1242] {strides = array<i32>} : memref<100x512xf32, #tpu.memory_space<vmem>>, vector<1x16xf32>,
      %get3A_1244 = vector.shape_cast %get3A_1243 : vector<1x16xf32> to vector<16xf32>
      %mul3A_1245 = arith.constant 3.000000e+01 : f32
      %mul3A_1246 = vector.broadcast %mul3A_1245 : f32 to vector<16xf32>
      %mul3A_1247 = arith.mulf %mul3A_1246, %get3A_1244 : vector<16xf32>
      %sub3A_1248 = arith.subf %mul3A_1247, %mul3A_701 : vector<16xf32>
      %exp3A_1249 = math.exp %sub3A_1248 : vector<16xf32>
      %add3A_1250 = arith.addf %add3A_1162, %exp3A_1249 : vector<16xf32>
      %get3A_1251 = arith.constant 50 : i32
      %get3A_1252 = arith.index_cast %get3A_1251 : i32 to index
      %get3A_1253 = arith.index_cast %mul3A_100 : i32 to index
      %get3A_1254 = tpu.vector_load %arg6[%get3A_1252, %get3A_1253] {strides = array<i32>} : memref<100x512xf32, #tpu.memory_space<vmem>>, vector<1x16xf32>,
      %get3A_1255 = vector.shape_cast %get3A_1254 : vector<1x16xf32> to vector<16xf32>
      %mul3A_1256 = arith.constant 3.000000e+01 : f32
      %mul3A_1257 = vector.broadcast %mul3A_1256 : f32 to vector<16xf32>
      %mul3A_1258 = arith.mulf %mul3A_1257, %get3A_1255 : vector<16xf32>
      %sub3A_1259 = arith.subf %mul3A_1258, %mul3A_701 : vector<16xf32>
      %exp3A_1260 = math.exp %sub3A_1259 : vector<16xf32>
      %add3A_1261 = arith.addf %add3A_1173, %exp3A_1260 : vector<16xf32>
      %get3A_1262 = arith.constant 51 : i32
      %get3A_1263 = arith.index_cast %get3A_1262 : i32 to index
      %get3A_1264 = arith.index_cast %mul3A_100 : i32 to index
      %get3A_1265 = tpu.vector_load %arg6[%get3A_1263, %get3A_1264] {strides = array<i32>} : memref<100x512xf32, #tpu.memory_space<vmem>>, vector<1x16xf32>,
      %get3A_1266 = vector.shape_cast %get3A_1265 : vector<1x16xf32> to vector<16xf32>
      %mul3A_1267 = arith.constant 3.000000e+01 : f32
      %mul3A_1268 = vector.broadcast %mul3A_1267 : f32 to vector<16xf32>
      %mul3A_1269 = arith.mulf %mul3A_1268, %get3A_1266 : vector<16xf32>
      %sub3A_1270 = arith.subf %mul3A_1269, %mul3A_701 : vector<16xf32>
      %exp3A_1271 = math.exp %sub3A_1270 : vector<16xf32>
      %add3A_1272 = arith.addf %add3A_1184, %exp3A_1271 : vector<16xf32>
      %get3A_1273 = arith.constant 52 : i32
      %get3A_1274 = arith.index_cast %get3A_1273 : i32 to index
      %get3A_1275 = arith.index_cast %mul3A_100 : i32 to index
      %get3A_1276 = tpu.vector_load %arg6[%get3A_1274, %get3A_1275] {strides = array<i32>} : memref<100x512xf32, #tpu.memory_space<vmem>>, vector<1x16xf32>,
      %get3A_1277 = vector.shape_cast %get3A_1276 : vector<1x16xf32> to vector<16xf32>
      %mul3A_1278 = arith.constant 3.000000e+01 : f32
      %mul3A_1279 = vector.broadcast %mul3A_1278 : f32 to vector<16xf32>
      %mul3A_1280 = arith.mulf %mul3A_1279, %get3A_1277 : vector<16xf32>
      %sub3A_1281 = arith.subf %mul3A_1280, %mul3A_701 : vector<16xf32>
      %exp3A_1282 = math.exp %sub3A_1281 : vector<16xf32>
      %add3A_1283 = arith.addf %add3A_1195, %exp3A_1282 : vector<16xf32>
      %get3A_1284 = arith.constant 53 : i32
      %get3A_1285 = arith.index_cast %get3A_1284 : i32 to index
      %get3A_1286 = arith.index_cast %mul3A_100 : i32 to index
      %get3A_1287 = tpu.vector_load %arg6[%get3A_1285, %get3A_1286] {strides = array<i32>} : memref<100x512xf32, #tpu.memory_space<vmem>>, vector<1x16xf32>,
      %get3A_1288 = vector.shape_cast %get3A_1287 : vector<1x16xf32> to vector<16xf32>
      %mul3A_1289 = arith.constant 3.000000e+01 : f32
      %mul3A_1290 = vector.broadcast %mul3A_1289 : f32 to vector<16xf32>
      %mul3A_1291 = arith.mulf %mul3A_1290, %get3A_1288 : vector<16xf32>
      %sub3A_1292 = arith.subf %mul3A_1291, %mul3A_701 : vector<16xf32>
      %exp3A_1293 = math.exp %sub3A_1292 : vector<16xf32>
      %add3A_1294 = arith.addf %add3A_1206, %exp3A_1293 : vector<16xf32>
      %get3A_1295 = arith.constant 54 : i32
      %get3A_1296 = arith.index_cast %get3A_1295 : i32 to index
      %get3A_1297 = arith.index_cast %mul3A_100 : i32 to index
      %get3A_1298 = tpu.vector_load %arg6[%get3A_1296, %get3A_1297] {strides = array<i32>} : memref<100x512xf32, #tpu.memory_space<vmem>>, vector<1x16xf32>,
      %get3A_1299 = vector.shape_cast %get3A_1298 : vector<1x16xf32> to vector<16xf32>
      %mul3A_1300 = arith.constant 3.000000e+01 : f32
      %mul3A_1301 = vector.broadcast %mul3A_1300 : f32 to vector<16xf32>
      %mul3A_1302 = arith.mulf %mul3A_1301, %get3A_1299 : vector<16xf32>
      %sub3A_1303 = arith.subf %mul3A_1302, %mul3A_701 : vector<16xf32>
      %exp3A_1304 = math.exp %sub3A_1303 : vector<16xf32>
      %add3A_1305 = arith.addf %add3A_1217, %exp3A_1304 : vector<16xf32>
      %get3A_1306 = arith.constant 55 : i32
      %get3A_1307 = arith.index_cast %get3A_1306 : i32 to index
      %get3A_1308 = arith.index_cast %mul3A_100 : i32 to index
      %get3A_1309 = tpu.vector_load %arg6[%get3A_1307, %get3A_1308] {strides = array<i32>} : memref<100x512xf32, #tpu.memory_space<vmem>>, vector<1x16xf32>,
      %get3A_1310 = vector.shape_cast %get3A_1309 : vector<1x16xf32> to vector<16xf32>
      %mul3A_1311 = arith.constant 3.000000e+01 : f32
      %mul3A_1312 = vector.broadcast %mul3A_1311 : f32 to vector<16xf32>
      %mul3A_1313 = arith.mulf %mul3A_1312, %get3A_1310 : vector<16xf32>
      %sub3A_1314 = arith.subf %mul3A_1313, %mul3A_701 : vector<16xf32>
      %exp3A_1315 = math.exp %sub3A_1314 : vector<16xf32>
      %add3A_1316 = arith.addf %add3A_1228, %exp3A_1315 : vector<16xf32>
      %get3A_1317 = arith.constant 56 : i32
      %get3A_1318 = arith.index_cast %get3A_1317 : i32 to index
      %get3A_1319 = arith.index_cast %mul3A_100 : i32 to index
      %get3A_1320 = tpu.vector_load %arg6[%get3A_1318, %get3A_1319] {strides = array<i32>} : memref<100x512xf32, #tpu.memory_space<vmem>>, vector<1x16xf32>,
      %get3A_1321 = vector.shape_cast %get3A_1320 : vector<1x16xf32> to vector<16xf32>
      %mul3A_1322 = arith.constant 3.000000e+01 : f32
      %mul3A_1323 = vector.broadcast %mul3A_1322 : f32 to vector<16xf32>
      %mul3A_1324 = arith.mulf %mul3A_1323, %get3A_1321 : vector<16xf32>
      %sub3A_1325 = arith.subf %mul3A_1324, %mul3A_701 : vector<16xf32>
      %exp3A_1326 = math.exp %sub3A_1325 : vector<16xf32>
      %add3A_1327 = arith.addf %add3A_1239, %exp3A_1326 : vector<16xf32>
      %get3A_1328 = arith.constant 57 : i32
      %get3A_1329 = arith.index_cast %get3A_1328 : i32 to index
      %get3A_1330 = arith.index_cast %mul3A_100 : i32 to index
      %get3A_1331 = tpu.vector_load %arg6[%get3A_1329, %get3A_1330] {strides = array<i32>} : memref<100x512xf32, #tpu.memory_space<vmem>>, vector<1x16xf32>,
      %get3A_1332 = vector.shape_cast %get3A_1331 : vector<1x16xf32> to vector<16xf32>
      %mul3A_1333 = arith.constant 3.000000e+01 : f32
      %mul3A_1334 = vector.broadcast %mul3A_1333 : f32 to vector<16xf32>
      %mul3A_1335 = arith.mulf %mul3A_1334, %get3A_1332 : vector<16xf32>
      %sub3A_1336 = arith.subf %mul3A_1335, %mul3A_701 : vector<16xf32>
      %exp3A_1337 = math.exp %sub3A_1336 : vector<16xf32>
      %add3A_1338 = arith.addf %add3A_1250, %exp3A_1337 : vector<16xf32>
      %get3A_1339 = arith.constant 58 : i32
      %get3A_1340 = arith.index_cast %get3A_1339 : i32 to index
      %get3A_1341 = arith.index_cast %mul3A_100 : i32 to index
      %get3A_1342 = tpu.vector_load %arg6[%get3A_1340, %get3A_1341] {strides = array<i32>} : memref<100x512xf32, #tpu.memory_space<vmem>>, vector<1x16xf32>,
      %get3A_1343 = vector.shape_cast %get3A_1342 : vector<1x16xf32> to vector<16xf32>
      %mul3A_1344 = arith.constant 3.000000e+01 : f32
      %mul3A_1345 = vector.broadcast %mul3A_1344 : f32 to vector<16xf32>
      %mul3A_1346 = arith.mulf %mul3A_1345, %get3A_1343 : vector<16xf32>
      %sub3A_1347 = arith.subf %mul3A_1346, %mul3A_701 : vector<16xf32>
      %exp3A_1348 = math.exp %sub3A_1347 : vector<16xf32>
      %add3A_1349 = arith.addf %add3A_1261, %exp3A_1348 : vector<16xf32>
      %get3A_1350 = arith.constant 59 : i32
      %get3A_1351 = arith.index_cast %get3A_1350 : i32 to index
      %get3A_1352 = arith.index_cast %mul3A_100 : i32 to index
      %get3A_1353 = tpu.vector_load %arg6[%get3A_1351, %get3A_1352] {strides = array<i32>} : memref<100x512xf32, #tpu.memory_space<vmem>>, vector<1x16xf32>,
      %get3A_1354 = vector.shape_cast %get3A_1353 : vector<1x16xf32> to vector<16xf32>
      %mul3A_1355 = arith.constant 3.000000e+01 : f32
      %mul3A_1356 = vector.broadcast %mul3A_1355 : f32 to vector<16xf32>
      %mul3A_1357 = arith.mulf %mul3A_1356, %get3A_1354 : vector<16xf32>
      %sub3A_1358 = arith.subf %mul3A_1357, %mul3A_701 : vector<16xf32>
      %exp3A_1359 = math.exp %sub3A_1358 : vector<16xf32>
      %add3A_1360 = arith.addf %add3A_1272, %exp3A_1359 : vector<16xf32>
      %get3A_1361 = arith.constant 60 : i32
      %get3A_1362 = arith.index_cast %get3A_1361 : i32 to index
      %get3A_1363 = arith.index_cast %mul3A_100 : i32 to index
      %get3A_1364 = tpu.vector_load %arg6[%get3A_1362, %get3A_1363] {strides = array<i32>} : memref<100x512xf32, #tpu.memory_space<vmem>>, vector<1x16xf32>,
      %get3A_1365 = vector.shape_cast %get3A_1364 : vector<1x16xf32> to vector<16xf32>
      %mul3A_1366 = arith.constant 3.000000e+01 : f32
      %mul3A_1367 = vector.broadcast %mul3A_1366 : f32 to vector<16xf32>
      %mul3A_1368 = arith.mulf %mul3A_1367, %get3A_1365 : vector<16xf32>
      %sub3A_1369 = arith.subf %mul3A_1368, %mul3A_701 : vector<16xf32>
      %exp3A_1370 = math.exp %sub3A_1369 : vector<16xf32>
      %add3A_1371 = arith.addf %add3A_1283, %exp3A_1370 : vector<16xf32>
      %get3A_1372 = arith.constant 61 : i32
      %get3A_1373 = arith.index_cast %get3A_1372 : i32 to index
      %get3A_1374 = arith.index_cast %mul3A_100 : i32 to index
      %get3A_1375 = tpu.vector_load %arg6[%get3A_1373, %get3A_1374] {strides = array<i32>} : memref<100x512xf32, #tpu.memory_space<vmem>>, vector<1x16xf32>,
      %get3A_1376 = vector.shape_cast %get3A_1375 : vector<1x16xf32> to vector<16xf32>
      %mul3A_1377 = arith.constant 3.000000e+01 : f32
      %mul3A_1378 = vector.broadcast %mul3A_1377 : f32 to vector<16xf32>
      %mul3A_1379 = arith.mulf %mul3A_1378, %get3A_1376 : vector<16xf32>
      %sub3A_1380 = arith.subf %mul3A_1379, %mul3A_701 : vector<16xf32>
      %exp3A_1381 = math.exp %sub3A_1380 : vector<16xf32>
      %add3A_1382 = arith.addf %add3A_1294, %exp3A_1381 : vector<16xf32>
      %get3A_1383 = arith.constant 62 : i32
      %get3A_1384 = arith.index_cast %get3A_1383 : i32 to index
      %get3A_1385 = arith.index_cast %mul3A_100 : i32 to index
      %get3A_1386 = tpu.vector_load %arg6[%get3A_1384, %get3A_1385] {strides = array<i32>} : memref<100x512xf32, #tpu.memory_space<vmem>>, vector<1x16xf32>,
      %get3A_1387 = vector.shape_cast %get3A_1386 : vector<1x16xf32> to vector<16xf32>
      %mul3A_1388 = arith.constant 3.000000e+01 : f32
      %mul3A_1389 = vector.broadcast %mul3A_1388 : f32 to vector<16xf32>
      %mul3A_1390 = arith.mulf %mul3A_1389, %get3A_1387 : vector<16xf32>
      %sub3A_1391 = arith.subf %mul3A_1390, %mul3A_701 : vector<16xf32>
      %exp3A_1392 = math.exp %sub3A_1391 : vector<16xf32>
      %add3A_1393 = arith.addf %add3A_1305, %exp3A_1392 : vector<16xf32>
      %get3A_1394 = arith.constant 63 : i32
      %get3A_1395 = arith.index_cast %get3A_1394 : i32 to index
      %get3A_1396 = arith.index_cast %mul3A_100 : i32 to index
      %get3A_1397 = tpu.vector_load %arg6[%get3A_1395, %get3A_1396] {strides = array<i32>} : memref<100x512xf32, #tpu.memory_space<vmem>>, vector<1x16xf32>,
      %get3A_1398 = vector.shape_cast %get3A_1397 : vector<1x16xf32> to vector<16xf32>
      %mul3A_1399 = arith.constant 3.000000e+01 : f32
      %mul3A_1400 = vector.broadcast %mul3A_1399 : f32 to vector<16xf32>
      %mul3A_1401 = arith.mulf %mul3A_1400, %get3A_1398 : vector<16xf32>
      %sub3A_1402 = arith.subf %mul3A_1401, %mul3A_701 : vector<16xf32>
      %exp3A_1403 = math.exp %sub3A_1402 : vector<16xf32>
      %add3A_1404 = arith.addf %add3A_1316, %exp3A_1403 : vector<16xf32>
      %get3A_1405 = arith.constant 64 : i32
      %get3A_1406 = arith.index_cast %get3A_1405 : i32 to index
      %get3A_1407 = arith.index_cast %mul3A_100 : i32 to index
      %get3A_1408 = tpu.vector_load %arg6[%get3A_1406, %get3A_1407] {strides = array<i32>} : memref<100x512xf32, #tpu.memory_space<vmem>>, vector<1x16xf32>,
      %get3A_1409 = vector.shape_cast %get3A_1408 : vector<1x16xf32> to vector<16xf32>
      %mul3A_1410 = arith.constant 3.000000e+01 : f32
      %mul3A_1411 = vector.broadcast %mul3A_1410 : f32 to vector<16xf32>
      %mul3A_1412 = arith.mulf %mul3A_1411, %get3A_1409 : vector<16xf32>
      %sub3A_1413 = arith.subf %mul3A_1412, %mul3A_701 : vector<16xf32>
      %exp3A_1414 = math.exp %sub3A_1413 : vector<16xf32>
      %add3A_1415 = arith.addf %add3A_1327, %exp3A_1414 : vector<16xf32>
      %get3A_1416 = arith.constant 65 : i32
      %get3A_1417 = arith.index_cast %get3A_1416 : i32 to index
      %get3A_1418 = arith.index_cast %mul3A_100 : i32 to index
      %get3A_1419 = tpu.vector_load %arg6[%get3A_1417, %get3A_1418] {strides = array<i32>} : memref<100x512xf32, #tpu.memory_space<vmem>>, vector<1x16xf32>,
      %get3A_1420 = vector.shape_cast %get3A_1419 : vector<1x16xf32> to vector<16xf32>
      %mul3A_1421 = arith.constant 3.000000e+01 : f32
      %mul3A_1422 = vector.broadcast %mul3A_1421 : f32 to vector<16xf32>
      %mul3A_1423 = arith.mulf %mul3A_1422, %get3A_1420 : vector<16xf32>
      %sub3A_1424 = arith.subf %mul3A_1423, %mul3A_701 : vector<16xf32>
      %exp3A_1425 = math.exp %sub3A_1424 : vector<16xf32>
      %add3A_1426 = arith.addf %add3A_1338, %exp3A_1425 : vector<16xf32>
      %get3A_1427 = arith.constant 66 : i32
      %get3A_1428 = arith.index_cast %get3A_1427 : i32 to index
      %get3A_1429 = arith.index_cast %mul3A_100 : i32 to index
      %get3A_1430 = tpu.vector_load %arg6[%get3A_1428, %get3A_1429] {strides = array<i32>} : memref<100x512xf32, #tpu.memory_space<vmem>>, vector<1x16xf32>,
      %get3A_1431 = vector.shape_cast %get3A_1430 : vector<1x16xf32> to vector<16xf32>
      %mul3A_1432 = arith.constant 3.000000e+01 : f32
      %mul3A_1433 = vector.broadcast %mul3A_1432 : f32 to vector<16xf32>
      %mul3A_1434 = arith.mulf %mul3A_1433, %get3A_1431 : vector<16xf32>
      %sub3A_1435 = arith.subf %mul3A_1434, %mul3A_701 : vector<16xf32>
      %exp3A_1436 = math.exp %sub3A_1435 : vector<16xf32>
      %add3A_1437 = arith.addf %add3A_1349, %exp3A_1436 : vector<16xf32>
      %get3A_1438 = arith.constant 67 : i32
      %get3A_1439 = arith.index_cast %get3A_1438 : i32 to index
      %get3A_1440 = arith.index_cast %mul3A_100 : i32 to index
      %get3A_1441 = tpu.vector_load %arg6[%get3A_1439, %get3A_1440] {strides = array<i32>} : memref<100x512xf32, #tpu.memory_space<vmem>>, vector<1x16xf32>,
      %get3A_1442 = vector.shape_cast %get3A_1441 : vector<1x16xf32> to vector<16xf32>
      %mul3A_1443 = arith.constant 3.000000e+01 : f32
      %mul3A_1444 = vector.broadcast %mul3A_1443 : f32 to vector<16xf32>
      %mul3A_1445 = arith.mulf %mul3A_1444, %get3A_1442 : vector<16xf32>
      %sub3A_1446 = arith.subf %mul3A_1445, %mul3A_701 : vector<16xf32>
      %exp3A_1447 = math.exp %sub3A_1446 : vector<16xf32>
      %add3A_1448 = arith.addf %add3A_1360, %exp3A_1447 : vector<16xf32>
      %get3A_1449 = arith.constant 68 : i32
      %get3A_1450 = arith.index_cast %get3A_1449 : i32 to index
      %get3A_1451 = arith.index_cast %mul3A_100 : i32 to index
      %get3A_1452 = tpu.vector_load %arg6[%get3A_1450, %get3A_1451] {strides = array<i32>} : memref<100x512xf32, #tpu.memory_space<vmem>>, vector<1x16xf32>,
      %get3A_1453 = vector.shape_cast %get3A_1452 : vector<1x16xf32> to vector<16xf32>
      %mul3A_1454 = arith.constant 3.000000e+01 : f32
      %mul3A_1455 = vector.broadcast %mul3A_1454 : f32 to vector<16xf32>
      %mul3A_1456 = arith.mulf %mul3A_1455, %get3A_1453 : vector<16xf32>
      %sub3A_1457 = arith.subf %mul3A_1456, %mul3A_701 : vector<16xf32>
      %exp3A_1458 = math.exp %sub3A_1457 : vector<16xf32>
      %add3A_1459 = arith.addf %add3A_1371, %exp3A_1458 : vector<16xf32>
      %get3A_1460 = arith.constant 69 : i32
      %get3A_1461 = arith.index_cast %get3A_1460 : i32 to index
      %get3A_1462 = arith.index_cast %mul3A_100 : i32 to index
      %get3A_1463 = tpu.vector_load %arg6[%get3A_1461, %get3A_1462] {strides = array<i32>} : memref<100x512xf32, #tpu.memory_space<vmem>>, vector<1x16xf32>,
      %get3A_1464 = vector.shape_cast %get3A_1463 : vector<1x16xf32> to vector<16xf32>
      %mul3A_1465 = arith.constant 3.000000e+01 : f32
      %mul3A_1466 = vector.broadcast %mul3A_1465 : f32 to vector<16xf32>
      %mul3A_1467 = arith.mulf %mul3A_1466, %get3A_1464 : vector<16xf32>
      %sub3A_1468 = arith.subf %mul3A_1467, %mul3A_701 : vector<16xf32>
      %exp3A_1469 = math.exp %sub3A_1468 : vector<16xf32>
      %add3A_1470 = arith.addf %add3A_1382, %exp3A_1469 : vector<16xf32>
      %get3A_1471 = arith.constant 70 : i32
      %get3A_1472 = arith.index_cast %get3A_1471 : i32 to index
      %get3A_1473 = arith.index_cast %mul3A_100 : i32 to index
      %get3A_1474 = tpu.vector_load %arg6[%get3A_1472, %get3A_1473] {strides = array<i32>} : memref<100x512xf32, #tpu.memory_space<vmem>>, vector<1x16xf32>,
      %get3A_1475 = vector.shape_cast %get3A_1474 : vector<1x16xf32> to vector<16xf32>
      %mul3A_1476 = arith.constant 3.000000e+01 : f32
      %mul3A_1477 = vector.broadcast %mul3A_1476 : f32 to vector<16xf32>
      %mul3A_1478 = arith.mulf %mul3A_1477, %get3A_1475 : vector<16xf32>
      %sub3A_1479 = arith.subf %mul3A_1478, %mul3A_701 : vector<16xf32>
      %exp3A_1480 = math.exp %sub3A_1479 : vector<16xf32>
      %add3A_1481 = arith.addf %add3A_1393, %exp3A_1480 : vector<16xf32>
      %get3A_1482 = arith.constant 71 : i32
      %get3A_1483 = arith.index_cast %get3A_1482 : i32 to index
      %get3A_1484 = arith.index_cast %mul3A_100 : i32 to index
      %get3A_1485 = tpu.vector_load %arg6[%get3A_1483, %get3A_1484] {strides = array<i32>} : memref<100x512xf32, #tpu.memory_space<vmem>>, vector<1x16xf32>,
      %get3A_1486 = vector.shape_cast %get3A_1485 : vector<1x16xf32> to vector<16xf32>
      %mul3A_1487 = arith.constant 3.000000e+01 : f32
      %mul3A_1488 = vector.broadcast %mul3A_1487 : f32 to vector<16xf32>
      %mul3A_1489 = arith.mulf %mul3A_1488, %get3A_1486 : vector<16xf32>
      %sub3A_1490 = arith.subf %mul3A_1489, %mul3A_701 : vector<16xf32>
      %exp3A_1491 = math.exp %sub3A_1490 : vector<16xf32>
      %add3A_1492 = arith.addf %add3A_1404, %exp3A_1491 : vector<16xf32>
      %get3A_1493 = arith.constant 72 : i32
      %get3A_1494 = arith.index_cast %get3A_1493 : i32 to index
      %get3A_1495 = arith.index_cast %mul3A_100 : i32 to index
      %get3A_1496 = tpu.vector_load %arg6[%get3A_1494, %get3A_1495] {strides = array<i32>} : memref<100x512xf32, #tpu.memory_space<vmem>>, vector<1x16xf32>,
      %get3A_1497 = vector.shape_cast %get3A_1496 : vector<1x16xf32> to vector<16xf32>
      %mul3A_1498 = arith.constant 3.000000e+01 : f32
      %mul3A_1499 = vector.broadcast %mul3A_1498 : f32 to vector<16xf32>
      %mul3A_1500 = arith.mulf %mul3A_1499, %get3A_1497 : vector<16xf32>
      %sub3A_1501 = arith.subf %mul3A_1500, %mul3A_701 : vector<16xf32>
      %exp3A_1502 = math.exp %sub3A_1501 : vector<16xf32>
      %add3A_1503 = arith.addf %add3A_1415, %exp3A_1502 : vector<16xf32>
      %get3A_1504 = arith.constant 73 : i32
      %get3A_1505 = arith.index_cast %get3A_1504 : i32 to index
      %get3A_1506 = arith.index_cast %mul3A_100 : i32 to index
      %get3A_1507 = tpu.vector_load %arg6[%get3A_1505, %get3A_1506] {strides = array<i32>} : memref<100x512xf32, #tpu.memory_space<vmem>>, vector<1x16xf32>,
      %get3A_1508 = vector.shape_cast %get3A_1507 : vector<1x16xf32> to vector<16xf32>
      %mul3A_1509 = arith.constant 3.000000e+01 : f32
      %mul3A_1510 = vector.broadcast %mul3A_1509 : f32 to vector<16xf32>
      %mul3A_1511 = arith.mulf %mul3A_1510, %get3A_1508 : vector<16xf32>
      %sub3A_1512 = arith.subf %mul3A_1511, %mul3A_701 : vector<16xf32>
      %exp3A_1513 = math.exp %sub3A_1512 : vector<16xf32>
      %add3A_1514 = arith.addf %add3A_1426, %exp3A_1513 : vector<16xf32>
      %get3A_1515 = arith.constant 74 : i32
      %get3A_1516 = arith.index_cast %get3A_1515 : i32 to index
      %get3A_1517 = arith.index_cast %mul3A_100 : i32 to index
      %get3A_1518 = tpu.vector_load %arg6[%get3A_1516, %get3A_1517] {strides = array<i32>} : memref<100x512xf32, #tpu.memory_space<vmem>>, vector<1x16xf32>,
      %get3A_1519 = vector.shape_cast %get3A_1518 : vector<1x16xf32> to vector<16xf32>
      %mul3A_1520 = arith.constant 3.000000e+01 : f32
      %mul3A_1521 = vector.broadcast %mul3A_1520 : f32 to vector<16xf32>
      %mul3A_1522 = arith.mulf %mul3A_1521, %get3A_1519 : vector<16xf32>
      %sub3A_1523 = arith.subf %mul3A_1522, %mul3A_701 : vector<16xf32>
      %exp3A_1524 = math.exp %sub3A_1523 : vector<16xf32>
      %add3A_1525 = arith.addf %add3A_1437, %exp3A_1524 : vector<16xf32>
      %get3A_1526 = arith.constant 75 : i32
      %get3A_1527 = arith.index_cast %get3A_1526 : i32 to index
      %get3A_1528 = arith.index_cast %mul3A_100 : i32 to index
      %get3A_1529 = tpu.vector_load %arg6[%get3A_1527, %get3A_1528] {strides = array<i32>} : memref<100x512xf32, #tpu.memory_space<vmem>>, vector<1x16xf32>,
      %get3A_1530 = vector.shape_cast %get3A_1529 : vector<1x16xf32> to vector<16xf32>
      %mul3A_1531 = arith.constant 3.000000e+01 : f32
      %mul3A_1532 = vector.broadcast %mul3A_1531 : f32 to vector<16xf32>
      %mul3A_1533 = arith.mulf %mul3A_1532, %get3A_1530 : vector<16xf32>
      %sub3A_1534 = arith.subf %mul3A_1533, %mul3A_701 : vector<16xf32>
      %exp3A_1535 = math.exp %sub3A_1534 : vector<16xf32>
      %add3A_1536 = arith.addf %add3A_1448, %exp3A_1535 : vector<16xf32>
      %get3A_1537 = arith.constant 76 : i32
      %get3A_1538 = arith.index_cast %get3A_1537 : i32 to index
      %get3A_1539 = arith.index_cast %mul3A_100 : i32 to index
      %get3A_1540 = tpu.vector_load %arg6[%get3A_1538, %get3A_1539] {strides = array<i32>} : memref<100x512xf32, #tpu.memory_space<vmem>>, vector<1x16xf32>,
      %get3A_1541 = vector.shape_cast %get3A_1540 : vector<1x16xf32> to vector<16xf32>
      %mul3A_1542 = arith.constant 3.000000e+01 : f32
      %mul3A_1543 = vector.broadcast %mul3A_1542 : f32 to vector<16xf32>
      %mul3A_1544 = arith.mulf %mul3A_1543, %get3A_1541 : vector<16xf32>
      %sub3A_1545 = arith.subf %mul3A_1544, %mul3A_701 : vector<16xf32>
      %exp3A_1546 = math.exp %sub3A_1545 : vector<16xf32>
      %add3A_1547 = arith.addf %add3A_1459, %exp3A_1546 : vector<16xf32>
      %get3A_1548 = arith.constant 77 : i32
      %get3A_1549 = arith.index_cast %get3A_1548 : i32 to index
      %get3A_1550 = arith.index_cast %mul3A_100 : i32 to index
      %get3A_1551 = tpu.vector_load %arg6[%get3A_1549, %get3A_1550] {strides = array<i32>} : memref<100x512xf32, #tpu.memory_space<vmem>>, vector<1x16xf32>,
      %get3A_1552 = vector.shape_cast %get3A_1551 : vector<1x16xf32> to vector<16xf32>
      %mul3A_1553 = arith.constant 3.000000e+01 : f32
      %mul3A_1554 = vector.broadcast %mul3A_1553 : f32 to vector<16xf32>
      %mul3A_1555 = arith.mulf %mul3A_1554, %get3A_1552 : vector<16xf32>
      %sub3A_1556 = arith.subf %mul3A_1555, %mul3A_701 : vector<16xf32>
      %exp3A_1557 = math.exp %sub3A_1556 : vector<16xf32>
      %add3A_1558 = arith.addf %add3A_1470, %exp3A_1557 : vector<16xf32>
      %get3A_1559 = arith.constant 78 : i32
      %get3A_1560 = arith.index_cast %get3A_1559 : i32 to index
      %get3A_1561 = arith.index_cast %mul3A_100 : i32 to index
      %get3A_1562 = tpu.vector_load %arg6[%get3A_1560, %get3A_1561] {strides = array<i32>} : memref<100x512xf32, #tpu.memory_space<vmem>>, vector<1x16xf32>,
      %get3A_1563 = vector.shape_cast %get3A_1562 : vector<1x16xf32> to vector<16xf32>
      %mul3A_1564 = arith.constant 3.000000e+01 : f32
      %mul3A_1565 = vector.broadcast %mul3A_1564 : f32 to vector<16xf32>
      %mul3A_1566 = arith.mulf %mul3A_1565, %get3A_1563 : vector<16xf32>
      %sub3A_1567 = arith.subf %mul3A_1566, %mul3A_701 : vector<16xf32>
      %exp3A_1568 = math.exp %sub3A_1567 : vector<16xf32>
      %add3A_1569 = arith.addf %add3A_1481, %exp3A_1568 : vector<16xf32>
      %get3A_1570 = arith.constant 79 : i32
      %get3A_1571 = arith.index_cast %get3A_1570 : i32 to index
      %get3A_1572 = arith.index_cast %mul3A_100 : i32 to index
      %get3A_1573 = tpu.vector_load %arg6[%get3A_1571, %get3A_1572] {strides = array<i32>} : memref<100x512xf32, #tpu.memory_space<vmem>>, vector<1x16xf32>,
      %get3A_1574 = vector.shape_cast %get3A_1573 : vector<1x16xf32> to vector<16xf32>
      %mul3A_1575 = arith.constant 3.000000e+01 : f32
      %mul3A_1576 = vector.broadcast %mul3A_1575 : f32 to vector<16xf32>
      %mul3A_1577 = arith.mulf %mul3A_1576, %get3A_1574 : vector<16xf32>
      %sub3A_1578 = arith.subf %mul3A_1577, %mul3A_701 : vector<16xf32>
      %exp3A_1579 = math.exp %sub3A_1578 : vector<16xf32>
      %add3A_1580 = arith.addf %add3A_1492, %exp3A_1579 : vector<16xf32>
      %get3A_1581 = arith.constant 80 : i32
      %get3A_1582 = arith.index_cast %get3A_1581 : i32 to index
      %get3A_1583 = arith.index_cast %mul3A_100 : i32 to index
      %get3A_1584 = tpu.vector_load %arg6[%get3A_1582, %get3A_1583] {strides = array<i32>} : memref<100x512xf32, #tpu.memory_space<vmem>>, vector<1x16xf32>,
      %get3A_1585 = vector.shape_cast %get3A_1584 : vector<1x16xf32> to vector<16xf32>
      %mul3A_1586 = arith.constant 3.000000e+01 : f32
      %mul3A_1587 = vector.broadcast %mul3A_1586 : f32 to vector<16xf32>
      %mul3A_1588 = arith.mulf %mul3A_1587, %get3A_1585 : vector<16xf32>
      %sub3A_1589 = arith.subf %mul3A_1588, %mul3A_701 : vector<16xf32>
      %exp3A_1590 = math.exp %sub3A_1589 : vector<16xf32>
      %add3A_1591 = arith.addf %add3A_1503, %exp3A_1590 : vector<16xf32>
      %get3A_1592 = arith.constant 81 : i32
      %get3A_1593 = arith.index_cast %get3A_1592 : i32 to index
      %get3A_1594 = arith.index_cast %mul3A_100 : i32 to index
      %get3A_1595 = tpu.vector_load %arg6[%get3A_1593, %get3A_1594] {strides = array<i32>} : memref<100x512xf32, #tpu.memory_space<vmem>>, vector<1x16xf32>,
      %get3A_1596 = vector.shape_cast %get3A_1595 : vector<1x16xf32> to vector<16xf32>
      %mul3A_1597 = arith.constant 3.000000e+01 : f32
      %mul3A_1598 = vector.broadcast %mul3A_1597 : f32 to vector<16xf32>
      %mul3A_1599 = arith.mulf %mul3A_1598, %get3A_1596 : vector<16xf32>
      %sub3A_1600 = arith.subf %mul3A_1599, %mul3A_701 : vector<16xf32>
      %exp3A_1601 = math.exp %sub3A_1600 : vector<16xf32>
      %add3A_1602 = arith.addf %add3A_1514, %exp3A_1601 : vector<16xf32>
      %get3A_1603 = arith.constant 82 : i32
      %get3A_1604 = arith.index_cast %get3A_1603 : i32 to index
      %get3A_1605 = arith.index_cast %mul3A_100 : i32 to index
      %get3A_1606 = tpu.vector_load %arg6[%get3A_1604, %get3A_1605] {strides = array<i32>} : memref<100x512xf32, #tpu.memory_space<vmem>>, vector<1x16xf32>,
      %get3A_1607 = vector.shape_cast %get3A_1606 : vector<1x16xf32> to vector<16xf32>
      %mul3A_1608 = arith.constant 3.000000e+01 : f32
      %mul3A_1609 = vector.broadcast %mul3A_1608 : f32 to vector<16xf32>
      %mul3A_1610 = arith.mulf %mul3A_1609, %get3A_1607 : vector<16xf32>
      %sub3A_1611 = arith.subf %mul3A_1610, %mul3A_701 : vector<16xf32>
      %exp3A_1612 = math.exp %sub3A_1611 : vector<16xf32>
      %add3A_1613 = arith.addf %add3A_1525, %exp3A_1612 : vector<16xf32>
      %get3A_1614 = arith.constant 83 : i32
      %get3A_1615 = arith.index_cast %get3A_1614 : i32 to index
      %get3A_1616 = arith.index_cast %mul3A_100 : i32 to index
      %get3A_1617 = tpu.vector_load %arg6[%get3A_1615, %get3A_1616] {strides = array<i32>} : memref<100x512xf32, #tpu.memory_space<vmem>>, vector<1x16xf32>,
      %get3A_1618 = vector.shape_cast %get3A_1617 : vector<1x16xf32> to vector<16xf32>
      %mul3A_1619 = arith.constant 3.000000e+01 : f32
      %mul3A_1620 = vector.broadcast %mul3A_1619 : f32 to vector<16xf32>
      %mul3A_1621 = arith.mulf %mul3A_1620, %get3A_1618 : vector<16xf32>
      %sub3A_1622 = arith.subf %mul3A_1621, %mul3A_701 : vector<16xf32>
      %exp3A_1623 = math.exp %sub3A_1622 : vector<16xf32>
      %add3A_1624 = arith.addf %add3A_1536, %exp3A_1623 : vector<16xf32>
      %get3A_1625 = arith.constant 84 : i32
      %get3A_1626 = arith.index_cast %get3A_1625 : i32 to index
      %get3A_1627 = arith.index_cast %mul3A_100 : i32 to index
      %get3A_1628 = tpu.vector_load %arg6[%get3A_1626, %get3A_1627] {strides = array<i32>} : memref<100x512xf32, #tpu.memory_space<vmem>>, vector<1x16xf32>,
      %get3A_1629 = vector.shape_cast %get3A_1628 : vector<1x16xf32> to vector<16xf32>
      %mul3A_1630 = arith.constant 3.000000e+01 : f32
      %mul3A_1631 = vector.broadcast %mul3A_1630 : f32 to vector<16xf32>
      %mul3A_1632 = arith.mulf %mul3A_1631, %get3A_1629 : vector<16xf32>
      %sub3A_1633 = arith.subf %mul3A_1632, %mul3A_701 : vector<16xf32>
      %exp3A_1634 = math.exp %sub3A_1633 : vector<16xf32>
      %add3A_1635 = arith.addf %add3A_1547, %exp3A_1634 : vector<16xf32>
      %get3A_1636 = arith.constant 85 : i32
      %get3A_1637 = arith.index_cast %get3A_1636 : i32 to index
      %get3A_1638 = arith.index_cast %mul3A_100 : i32 to index
      %get3A_1639 = tpu.vector_load %arg6[%get3A_1637, %get3A_1638] {strides = array<i32>} : memref<100x512xf32, #tpu.memory_space<vmem>>, vector<1x16xf32>,
      %get3A_1640 = vector.shape_cast %get3A_1639 : vector<1x16xf32> to vector<16xf32>
      %mul3A_1641 = arith.constant 3.000000e+01 : f32
      %mul3A_1642 = vector.broadcast %mul3A_1641 : f32 to vector<16xf32>
      %mul3A_1643 = arith.mulf %mul3A_1642, %get3A_1640 : vector<16xf32>
      %sub3A_1644 = arith.subf %mul3A_1643, %mul3A_701 : vector<16xf32>
      %exp3A_1645 = math.exp %sub3A_1644 : vector<16xf32>
      %add3A_1646 = arith.addf %add3A_1558, %exp3A_1645 : vector<16xf32>
      %get3A_1647 = arith.constant 86 : i32
      %get3A_1648 = arith.index_cast %get3A_1647 : i32 to index
      %get3A_1649 = arith.index_cast %mul3A_100 : i32 to index
      %get3A_1650 = tpu.vector_load %arg6[%get3A_1648, %get3A_1649] {strides = array<i32>} : memref<100x512xf32, #tpu.memory_space<vmem>>, vector<1x16xf32>,
      %get3A_1651 = vector.shape_cast %get3A_1650 : vector<1x16xf32> to vector<16xf32>
      %mul3A_1652 = arith.constant 3.000000e+01 : f32
      %mul3A_1653 = vector.broadcast %mul3A_1652 : f32 to vector<16xf32>
      %mul3A_1654 = arith.mulf %mul3A_1653, %get3A_1651 : vector<16xf32>
      %sub3A_1655 = arith.subf %mul3A_1654, %mul3A_701 : vector<16xf32>
      %exp3A_1656 = math.exp %sub3A_1655 : vector<16xf32>
      %add3A_1657 = arith.addf %add3A_1569, %exp3A_1656 : vector<16xf32>
      %get3A_1658 = arith.constant 87 : i32
      %get3A_1659 = arith.index_cast %get3A_1658 : i32 to index
      %get3A_1660 = arith.index_cast %mul3A_100 : i32 to index
      %get3A_1661 = tpu.vector_load %arg6[%get3A_1659, %get3A_1660] {strides = array<i32>} : memref<100x512xf32, #tpu.memory_space<vmem>>, vector<1x16xf32>,
      %get3A_1662 = vector.shape_cast %get3A_1661 : vector<1x16xf32> to vector<16xf32>
      %mul3A_1663 = arith.constant 3.000000e+01 : f32
      %mul3A_1664 = vector.broadcast %mul3A_1663 : f32 to vector<16xf32>
      %mul3A_1665 = arith.mulf %mul3A_1664, %get3A_1662 : vector<16xf32>
      %sub3A_1666 = arith.subf %mul3A_1665, %mul3A_701 : vector<16xf32>
      %exp3A_1667 = math.exp %sub3A_1666 : vector<16xf32>
      %add3A_1668 = arith.addf %add3A_1580, %exp3A_1667 : vector<16xf32>
      %get3A_1669 = arith.constant 88 : i32
      %get3A_1670 = arith.index_cast %get3A_1669 : i32 to index
      %get3A_1671 = arith.index_cast %mul3A_100 : i32 to index
      %get3A_1672 = tpu.vector_load %arg6[%get3A_1670, %get3A_1671] {strides = array<i32>} : memref<100x512xf32, #tpu.memory_space<vmem>>, vector<1x16xf32>,
      %get3A_1673 = vector.shape_cast %get3A_1672 : vector<1x16xf32> to vector<16xf32>
      %mul3A_1674 = arith.constant 3.000000e+01 : f32
      %mul3A_1675 = vector.broadcast %mul3A_1674 : f32 to vector<16xf32>
      %mul3A_1676 = arith.mulf %mul3A_1675, %get3A_1673 : vector<16xf32>
      %sub3A_1677 = arith.subf %mul3A_1676, %mul3A_701 : vector<16xf32>
      %exp3A_1678 = math.exp %sub3A_1677 : vector<16xf32>
      %add3A_1679 = arith.addf %add3A_1591, %exp3A_1678 : vector<16xf32>
      %get3A_1680 = arith.constant 89 : i32
      %get3A_1681 = arith.index_cast %get3A_1680 : i32 to index
      %get3A_1682 = arith.index_cast %mul3A_100 : i32 to index
      %get3A_1683 = tpu.vector_load %arg6[%get3A_1681, %get3A_1682] {strides = array<i32>} : memref<100x512xf32, #tpu.memory_space<vmem>>, vector<1x16xf32>,
      %get3A_1684 = vector.shape_cast %get3A_1683 : vector<1x16xf32> to vector<16xf32>
      %mul3A_1685 = arith.constant 3.000000e+01 : f32
      %mul3A_1686 = vector.broadcast %mul3A_1685 : f32 to vector<16xf32>
      %mul3A_1687 = arith.mulf %mul3A_1686, %get3A_1684 : vector<16xf32>
      %sub3A_1688 = arith.subf %mul3A_1687, %mul3A_701 : vector<16xf32>
      %exp3A_1689 = math.exp %sub3A_1688 : vector<16xf32>
      %add3A_1690 = arith.addf %add3A_1602, %exp3A_1689 : vector<16xf32>
      %get3A_1691 = arith.constant 90 : i32
      %get3A_1692 = arith.index_cast %get3A_1691 : i32 to index
      %get3A_1693 = arith.index_cast %mul3A_100 : i32 to index
      %get3A_1694 = tpu.vector_load %arg6[%get3A_1692, %get3A_1693] {strides = array<i32>} : memref<100x512xf32, #tpu.memory_space<vmem>>, vector<1x16xf32>,
      %get3A_1695 = vector.shape_cast %get3A_1694 : vector<1x16xf32> to vector<16xf32>
      %mul3A_1696 = arith.constant 3.000000e+01 : f32
      %mul3A_1697 = vector.broadcast %mul3A_1696 : f32 to vector<16xf32>
      %mul3A_1698 = arith.mulf %mul3A_1697, %get3A_1695 : vector<16xf32>
      %sub3A_1699 = arith.subf %mul3A_1698, %mul3A_701 : vector<16xf32>
      %exp3A_1700 = math.exp %sub3A_1699 : vector<16xf32>
      %add3A_1701 = arith.addf %add3A_1613, %exp3A_1700 : vector<16xf32>
      %get3A_1702 = arith.constant 91 : i32
      %get3A_1703 = arith.index_cast %get3A_1702 : i32 to index
      %get3A_1704 = arith.index_cast %mul3A_100 : i32 to index
      %get3A_1705 = tpu.vector_load %arg6[%get3A_1703, %get3A_1704] {strides = array<i32>} : memref<100x512xf32, #tpu.memory_space<vmem>>, vector<1x16xf32>,
      %get3A_1706 = vector.shape_cast %get3A_1705 : vector<1x16xf32> to vector<16xf32>
      %mul3A_1707 = arith.constant 3.000000e+01 : f32
      %mul3A_1708 = vector.broadcast %mul3A_1707 : f32 to vector<16xf32>
      %mul3A_1709 = arith.mulf %mul3A_1708, %get3A_1706 : vector<16xf32>
      %sub3A_1710 = arith.subf %mul3A_1709, %mul3A_701 : vector<16xf32>
      %exp3A_1711 = math.exp %sub3A_1710 : vector<16xf32>
      %add3A_1712 = arith.addf %add3A_1624, %exp3A_1711 : vector<16xf32>
      %get3A_1713 = arith.constant 92 : i32
      %get3A_1714 = arith.index_cast %get3A_1713 : i32 to index
      %get3A_1715 = arith.index_cast %mul3A_100 : i32 to index
      %get3A_1716 = tpu.vector_load %arg6[%get3A_1714, %get3A_1715] {strides = array<i32>} : memref<100x512xf32, #tpu.memory_space<vmem>>, vector<1x16xf32>,
      %get3A_1717 = vector.shape_cast %get3A_1716 : vector<1x16xf32> to vector<16xf32>
      %mul3A_1718 = arith.constant 3.000000e+01 : f32
      %mul3A_1719 = vector.broadcast %mul3A_1718 : f32 to vector<16xf32>
      %mul3A_1720 = arith.mulf %mul3A_1719, %get3A_1717 : vector<16xf32>
      %sub3A_1721 = arith.subf %mul3A_1720, %mul3A_701 : vector<16xf32>
      %exp3A_1722 = math.exp %sub3A_1721 : vector<16xf32>
      %add3A_1723 = arith.addf %add3A_1635, %exp3A_1722 : vector<16xf32>
      %get3A_1724 = arith.constant 93 : i32
      %get3A_1725 = arith.index_cast %get3A_1724 : i32 to index
      %get3A_1726 = arith.index_cast %mul3A_100 : i32 to index
      %get3A_1727 = tpu.vector_load %arg6[%get3A_1725, %get3A_1726] {strides = array<i32>} : memref<100x512xf32, #tpu.memory_space<vmem>>, vector<1x16xf32>,
      %get3A_1728 = vector.shape_cast %get3A_1727 : vector<1x16xf32> to vector<16xf32>
      %mul3A_1729 = arith.constant 3.000000e+01 : f32
      %mul3A_1730 = vector.broadcast %mul3A_1729 : f32 to vector<16xf32>
      %mul3A_1731 = arith.mulf %mul3A_1730, %get3A_1728 : vector<16xf32>
      %sub3A_1732 = arith.subf %mul3A_1731, %mul3A_701 : vector<16xf32>
      %exp3A_1733 = math.exp %sub3A_1732 : vector<16xf32>
      %add3A_1734 = arith.addf %add3A_1646, %exp3A_1733 : vector<16xf32>
      %get3A_1735 = arith.constant 94 : i32
      %get3A_1736 = arith.index_cast %get3A_1735 : i32 to index
      %get3A_1737 = arith.index_cast %mul3A_100 : i32 to index
      %get3A_1738 = tpu.vector_load %arg6[%get3A_1736, %get3A_1737] {strides = array<i32>} : memref<100x512xf32, #tpu.memory_space<vmem>>, vector<1x16xf32>,
      %get3A_1739 = vector.shape_cast %get3A_1738 : vector<1x16xf32> to vector<16xf32>
      %mul3A_1740 = arith.constant 3.000000e+01 : f32
      %mul3A_1741 = vector.broadcast %mul3A_1740 : f32 to vector<16xf32>
      %mul3A_1742 = arith.mulf %mul3A_1741, %get3A_1739 : vector<16xf32>
      %sub3A_1743 = arith.subf %mul3A_1742, %mul3A_701 : vector<16xf32>
      %exp3A_1744 = math.exp %sub3A_1743 : vector<16xf32>
      %add3A_1745 = arith.addf %add3A_1657, %exp3A_1744 : vector<16xf32>
      %get3A_1746 = arith.constant 95 : i32
      %get3A_1747 = arith.index_cast %get3A_1746 : i32 to index
      %get3A_1748 = arith.index_cast %mul3A_100 : i32 to index
      %get3A_1749 = tpu.vector_load %arg6[%get3A_1747, %get3A_1748] {strides = array<i32>} : memref<100x512xf32, #tpu.memory_space<vmem>>, vector<1x16xf32>,
      %get3A_1750 = vector.shape_cast %get3A_1749 : vector<1x16xf32> to vector<16xf32>
      %mul3A_1751 = arith.constant 3.000000e+01 : f32
      %mul3A_1752 = vector.broadcast %mul3A_1751 : f32 to vector<16xf32>
      %mul3A_1753 = arith.mulf %mul3A_1752, %get3A_1750 : vector<16xf32>
      %sub3A_1754 = arith.subf %mul3A_1753, %mul3A_701 : vector<16xf32>
      %exp3A_1755 = math.exp %sub3A_1754 : vector<16xf32>
      %add3A_1756 = arith.addf %add3A_1668, %exp3A_1755 : vector<16xf32>
      %get3A_1757 = arith.constant 96 : i32
      %get3A_1758 = arith.index_cast %get3A_1757 : i32 to index
      %get3A_1759 = arith.index_cast %mul3A_100 : i32 to index
      %get3A_1760 = tpu.vector_load %arg6[%get3A_1758, %get3A_1759] {strides = array<i32>} : memref<100x512xf32, #tpu.memory_space<vmem>>, vector<1x16xf32>,
      %get3A_1761 = vector.shape_cast %get3A_1760 : vector<1x16xf32> to vector<16xf32>
      %mul3A_1762 = arith.constant 3.000000e+01 : f32
      %mul3A_1763 = vector.broadcast %mul3A_1762 : f32 to vector<16xf32>
      %mul3A_1764 = arith.mulf %mul3A_1763, %get3A_1761 : vector<16xf32>
      %sub3A_1765 = arith.subf %mul3A_1764, %mul3A_701 : vector<16xf32>
      %exp3A_1766 = math.exp %sub3A_1765 : vector<16xf32>
      %add3A_1767 = arith.addf %add3A_1679, %exp3A_1766 : vector<16xf32>
      %get3A_1768 = arith.constant 97 : i32
      %get3A_1769 = arith.index_cast %get3A_1768 : i32 to index
      %get3A_1770 = arith.index_cast %mul3A_100 : i32 to index
      %get3A_1771 = tpu.vector_load %arg6[%get3A_1769, %get3A_1770] {strides = array<i32>} : memref<100x512xf32, #tpu.memory_space<vmem>>, vector<1x16xf32>,
      %get3A_1772 = vector.shape_cast %get3A_1771 : vector<1x16xf32> to vector<16xf32>
      %mul3A_1773 = arith.constant 3.000000e+01 : f32
      %mul3A_1774 = vector.broadcast %mul3A_1773 : f32 to vector<16xf32>
      %mul3A_1775 = arith.mulf %mul3A_1774, %get3A_1772 : vector<16xf32>
      %sub3A_1776 = arith.subf %mul3A_1775, %mul3A_701 : vector<16xf32>
      %exp3A_1777 = math.exp %sub3A_1776 : vector<16xf32>
      %add3A_1778 = arith.addf %add3A_1690, %exp3A_1777 : vector<16xf32>
      %get3A_1779 = arith.constant 98 : i32
      %get3A_1780 = arith.index_cast %get3A_1779 : i32 to index
      %get3A_1781 = arith.index_cast %mul3A_100 : i32 to index
      %get3A_1782 = tpu.vector_load %arg6[%get3A_1780, %get3A_1781] {strides = array<i32>} : memref<100x512xf32, #tpu.memory_space<vmem>>, vector<1x16xf32>,
      %get3A_1783 = vector.shape_cast %get3A_1782 : vector<1x16xf32> to vector<16xf32>
      %mul3A_1784 = arith.constant 3.000000e+01 : f32
      %mul3A_1785 = vector.broadcast %mul3A_1784 : f32 to vector<16xf32>
      %mul3A_1786 = arith.mulf %mul3A_1785, %get3A_1783 : vector<16xf32>
      %sub3A_1787 = arith.subf %mul3A_1786, %mul3A_701 : vector<16xf32>
      %exp3A_1788 = math.exp %sub3A_1787 : vector<16xf32>
      %add3A_1789 = arith.addf %add3A_1701, %exp3A_1788 : vector<16xf32>
      %get3A_1790 = arith.constant 99 : i32
      %get3A_1791 = arith.index_cast %get3A_1790 : i32 to index
      %get3A_1792 = arith.index_cast %mul3A_100 : i32 to index
      %get3A_1793 = tpu.vector_load %arg6[%get3A_1791, %get3A_1792] {strides = array<i32>} : memref<100x512xf32, #tpu.memory_space<vmem>>, vector<1x16xf32>,
      %get3A_1794 = vector.shape_cast %get3A_1793 : vector<1x16xf32> to vector<16xf32>
      %mul3A_1795 = arith.constant 3.000000e+01 : f32
      %mul3A_1796 = vector.broadcast %mul3A_1795 : f32 to vector<16xf32>
      %mul3A_1797 = arith.mulf %mul3A_1796, %get3A_1794 : vector<16xf32>
      %sub3A_1798 = arith.subf %mul3A_1797, %mul3A_701 : vector<16xf32>
      %exp3A_1799 = math.exp %sub3A_1798 : vector<16xf32>
      %add3A_1800 = arith.addf %add3A_1712, %exp3A_1799 : vector<16xf32>
      %add3A_1801 = arith.addf %add3A_1767, %add3A_1778 : vector<16xf32>
      %add3A_1802 = arith.addf %add3A_1801, %add3A_1789 : vector<16xf32>
      %add3A_1803 = arith.addf %add3A_1802, %add3A_1800 : vector<16xf32>
      %add3A_1804 = arith.addf %add3A_1803, %add3A_1723 : vector<16xf32>
      %add3A_1805 = arith.addf %add3A_1804, %add3A_1734 : vector<16xf32>
      %add3A_1806 = arith.addf %add3A_1805, %add3A_1745 : vector<16xf32>
      %add3A_1807 = arith.addf %add3A_1806, %add3A_1756 : vector<16xf32>
      %bitcast_convert_type3A = tpu.bitcast %add3A_1807 : vector<16xf32> -> vector<16xi32>
      %shift_right_arithmetic3A = arith.constant 23 : i32
      %shift_right_arithmetic3A_1808 = vector.broadcast %shift_right_arithmetic3A : i32 to vector<16xi32>
      %shift_right_arithmetic3A_1809 = arith.shrsi %bitcast_convert_type3A, %shift_right_arithmetic3A_1808 : vector<16xi32>
      %sub3A_1810 = arith.constant 127 : i32
      %sub3A_1811 = vector.broadcast %sub3A_1810 : i32 to vector<16xi32>
      %sub3A_1812 = arith.subi %shift_right_arithmetic3A_1809, %sub3A_1811 : vector<16xi32>
      %and3A = arith.constant 8388607 : i32
      %and3A_1813 = vector.broadcast %and3A : i32 to vector<16xi32>
      %and3A_1814 = arith.andi %bitcast_convert_type3A, %and3A_1813 : vector<16xi32>
      %or3A = arith.constant 1065353216 : i32
      %or3A_1815 = vector.broadcast %or3A : i32 to vector<16xi32>
      %or3A_1816 = arith.ori %and3A_1814, %or3A_1815 : vector<16xi32>
      %bitcast_convert_type3A_1817 = tpu.bitcast %or3A_1816 : vector<16xi32> -> vector<16xf32>
      %gt3A = arith.constant 1.41421354 : f32
      %gt3A_1818 = vector.broadcast %gt3A : f32 to vector<16xf32>
      %gt3A_1819 = arith.cmpf ogt, %bitcast_convert_type3A_1817, %gt3A_1818 : vector<16xf32>
      %mul3A_1820 = arith.constant 5.000000e-01 : f32
      %mul3A_1821 = vector.broadcast %mul3A_1820 : f32 to vector<16xf32>
      %mul3A_1822 = arith.mulf %bitcast_convert_type3A_1817, %mul3A_1821 : vector<16xf32>
      %select_n3A = arith.select %gt3A_1819, %mul3A_1822, %bitcast_convert_type3A_1817 : vector<16xi1>, vector<16xf32>
      %add3A_1823 = arith.constant 1 : i32
      %add3A_1824 = vector.broadcast %add3A_1823 : i32 to vector<16xi32>
      %add3A_1825 = arith.addi %sub3A_1812, %add3A_1824 : vector<16xi32>
      %select_n3A_1826 = arith.select %gt3A_1819, %add3A_1825, %sub3A_1812 : vector<16xi1>, vector<16xi32>
      %sub3A_1827 = arith.constant 1.000000e+00 : f32
      %sub3A_1828 = vector.broadcast %sub3A_1827 : f32 to vector<16xf32>
      %sub3A_1829 = arith.subf %select_n3A, %sub3A_1828 : vector<16xf32>
      %add3A_1830 = arith.constant 1.000000e+00 : f32
      %add3A_1831 = vector.broadcast %add3A_1830 : f32 to vector<16xf32>
      %add3A_1832 = arith.addf %select_n3A, %add3A_1831 : vector<16xf32>
      %div3A = arith.divf %sub3A_1829, %add3A_1832 : vector<16xf32>
      %mul3A_1833 = arith.mulf %div3A, %div3A : vector<16xf32>
      %convert_element_type3A = arith.sitofp %select_n3A_1826 : vector<16xi32> to vector<16xf32>
      %mul3A_1834 = arith.constant 0.693147182 : f32
      %mul3A_1835 = vector.broadcast %mul3A_1834 : f32 to vector<16xf32>
      %mul3A_1836 = arith.mulf %convert_element_type3A, %mul3A_1835 : vector<16xf32>
      %mul3A_1837 = arith.constant 2.000000e+00 : f32
      %mul3A_1838 = vector.broadcast %mul3A_1837 : f32 to vector<16xf32>
      %mul3A_1839 = arith.mulf %mul3A_1838, %div3A : vector<16xf32>
      %mul3A_1840 = arith.constant 2.000000e-01 : f32
      %mul3A_1841 = vector.broadcast %mul3A_1840 : f32 to vector<16xf32>
      %mul3A_1842 = arith.mulf %mul3A_1833, %mul3A_1841 : vector<16xf32>
      %add3A_1843 = arith.constant 0.333333343 : f32
      %add3A_1844 = vector.broadcast %add3A_1843 : f32 to vector<16xf32>
      %add3A_1845 = arith.addf %add3A_1844, %mul3A_1842 : vector<16xf32>
      %mul3A_1846 = arith.mulf %mul3A_1833, %add3A_1845 : vector<16xf32>
      %add3A_1847 = arith.constant 1.000000e+00 : f32
      %add3A_1848 = vector.broadcast %add3A_1847 : f32 to vector<16xf32>
      %add3A_1849 = arith.addf %add3A_1848, %mul3A_1846 : vector<16xf32>
      %mul3A_1850 = arith.mulf %mul3A_1839, %add3A_1849 : vector<16xf32>
      %add3A_1851 = arith.addf %mul3A_1836, %mul3A_1850 : vector<16xf32>
      %add3A_1852 = arith.addf %mul3A_701, %add3A_1851 : vector<16xf32>
      %add3A_1853 = arith.addf %scan3A_98, %add3A_1852 : vector<16xf32>
      scf.yield %add3A_1853 : vector<16xf32>
    }
    %scan3A_87 = arith.constant 32 : i32
    %mul3A_88 = arith.constant 3.000000e+01 : f32
    %mul3A_89 = vector.broadcast %mul3A_88 : f32 to vector<16xf32>
    %mul3A_90 = arith.mulf %mul3A_89, %scan3A_80 : vector<16xf32>
    %sub3A = arith.subf %scan3A_86, %mul3A_90 : vector<16xf32>
    %mul3A_91 = arith.constant 6.10351563E-5 : f32
    %mul3A_92 = vector.broadcast %mul3A_91 : f32 to vector<16xf32>
    %mul3A_93 = arith.mulf %sub3A, %mul3A_92 : vector<16xf32>
    %swap3A = arith.constant 0 : index
    %swap3A_94 = tpu.vector_load %arg9[%swap3A] {strides = array<i32>} : memref<16xf32, #tpu.memory_space<vmem>>, vector<16xf32>,
    %swap3A_95 = vector.shape_cast %swap3A_94 : vector<16xf32> to vector<16xf32>
    %swap3A_96 = vector.shape_cast %mul3A_93 : vector<16xf32> to vector<16xf32>
    tpu.vector_store %arg9[%swap3A], %swap3A_96 {strides = array<i32>} : memref<16xf32, #tpu.memory_space<vmem>>, vector<16xf32>,
    "tpu.region"() ({
      %run_scoped3A = tpu.sem_alloc : memref<!tpu.dma_semaphore, #tpu.memory_space<semaphore_mem>>
      %dma_start3A_97 = arith.constant 0 : i32
      %dma_start3A_98 = tpu.memref_slice %arg5[%add3A, %dma_start3A_97] : memref<32x16xf32, #tpu.memory_space<hbm>> -> memref<1x16xf32, #tpu.memory_space<hbm>>
      %dma_start3A_99 = tpu.memref_squeeze %dma_start3A_98 : memref<1x16xf32, #tpu.memory_space<hbm>> -> memref<16xf32, #tpu.memory_space<hbm>>
      %dma_start3A_100 = arith.constant 0 : i32
      %dma_start3A_101 = tpu.memref_slice %arg5[%add3A, %dma_start3A_100] : memref<32x16xf32, #tpu.memory_space<hbm>> -> memref<1x16xf32, #tpu.memory_space<hbm>>
      %dma_start3A_102 = tpu.memref_squeeze %dma_start3A_101 : memref<1x16xf32, #tpu.memory_space<hbm>> -> memref<16xf32, #tpu.memory_space<hbm>>
      tpu.enqueue_dma source(%arg9 : memref<16xf32, #tpu.memory_space<vmem>>) target(%dma_start3A_102 : memref<16xf32, #tpu.memory_space<hbm>>) target_semaphore(%run_scoped3A : memref<!tpu.dma_semaphore, #tpu.memory_space<semaphore_mem>>)
      %dma_wait3A_103 = arith.constant 0 : i32
      %dma_wait3A_104 = tpu.memref_slice %arg5[%add3A, %dma_wait3A_103] : memref<32x16xf32, #tpu.memory_space<hbm>> -> memref<1x16xf32, #tpu.memory_space<hbm>>
      %dma_wait3A_105 = tpu.memref_squeeze %dma_wait3A_104 : memref<1x16xf32, #tpu.memory_space<hbm>> -> memref<16xf32, #tpu.memory_space<hbm>>
      %dma_wait3A_106 = arith.constant 0 : i32
      %dma_wait3A_107 = tpu.memref_slice %arg5[%add3A, %dma_wait3A_106] : memref<32x16xf32, #tpu.memory_space<hbm>> -> memref<1x16xf32, #tpu.memory_space<hbm>>
      %dma_wait3A_108 = tpu.memref_squeeze %dma_wait3A_107 : memref<1x16xf32, #tpu.memory_space<hbm>> -> memref<16xf32, #tpu.memory_space<hbm>>
      tpu.wait_dma2 semaphore(%run_scoped3A : memref<!tpu.dma_semaphore, #tpu.memory_space<semaphore_mem>>) src(%arg9 : memref<16xf32, #tpu.memory_space<vmem>>) dst(%dma_wait3A_108 : memref<16xf32, #tpu.memory_space<hbm>>)
      tpu.yield
    }) : () -> ()
    return
  }
}

module attributes {stable_mosaic.version = 14 : i64} {
  func.func @_sum_body(%arg0: memref<32x16xf32, #tpu.memory_space<vmem>>, %arg1: memref<1x1xf32, #tpu.memory_space<smem>>) attributes {dimension_semantics = [], scalar_prefetch = 0 : i64, scratch_operands = 0 : i64, tpu.core_type = #tpu.core_type<tc>} {
    %get3A = arith.constant 0 : index
    %get3A_0 = arith.constant 0 : index
    %get3A_1 = vector.load %arg0[%get3A, %get3A_0] : memref<32x16xf32, #tpu.memory_space<vmem>>, vector<32x16xf32>
    %reduce_sum3A = vector.shape_cast %get3A_1 : vector<32x16xf32> to vector<1x32x16xf32>
    %reduce_sum3A_2 = arith.constant dense<0.000000e+00> : vector<1xf32>
    %reduce_sum3A_3 = vector.multi_reduction <add>, %reduce_sum3A, %reduce_sum3A_2 [1, 2] : vector<1x32x16xf32> to vector<1xf32>
    %reduce_sum3A_4 = vector.shape_cast %reduce_sum3A_3 : vector<1xf32> to vector<1x1x1xf32>
    %reduce_sum3A_5 = vector.extract %reduce_sum3A_4[0, 0, 0] : f32 from vector<1x1x1xf32>
    %swap3A = arith.constant 0 : index
    %swap3A_6 = arith.constant 0 : index
    %swap3A_7 = memref.load %arg1[%swap3A, %swap3A_6] : memref<1x1xf32, #tpu.memory_space<smem>>
    memref.store %reduce_sum3A_5, %arg1[%swap3A, %swap3A_6] : memref<1x1xf32, #tpu.memory_space<smem>>
    return
  }
}

</mosaic_0001>

<sc_bundles>
// kernel: kernel.4.cloned.1.call-start
scs
__scs_entry_jumppad:
0x0: {  	(pc) =	sbr.rel $0x88, $3  }
0x1: {  	(tag) =	ssettag $0x0;
	lr =	simm.s32 $0x1  }
0x2: {  	[smem:$0x3F9E] =	sst lr;
	_ =	strace $0xD0000000  }
0x3: {  	_ = 	snop  }
0x4: {  	_ = 	snop  }
0x5: {  	_ = 	snop  }
0x6: {  	_ = 	snop  }
0x7: {  	_ = 	snop  }
__scs_overlays_trampoline_lowered:
0x8: {  	[smem:$0x3FAD] =	sst s0  }
0x9: {  	[smem:$0x3FAE] =	sst s1  }
0xa: {  	[smem:$0x3FAF] =	sst s2  }
0xb: {  	[smem:$0x3FB0] =	sst s3  }
0xc: {  	[smem:$0x3FB1] =	sst s4  }
0xd: {  	[smem:$0x3FB2] =	sst s5  }
0xe: {  	[smem:$0x3FB3] =	sst s6  }
0xf: {  	[smem:$0x3FB4] =	sst s7  }
0x10: {  	[smem:$0x3FB5] =	sst s8  }
0x11: {  	[smem:$0x3FB6] =	sst s9;
	s0 =	simm.s32 @!p0 $0x0  }
0x12: {  	s1 =	sld [smem:$0x3F9C];
	s0 =	simm.s32 @p0 $0x1  }
0x13: {  	[smem:$0x3FB7] =	sst s0;
	s0 =	simm.s32 @!p1 $0x0  }
0x14: {  	s2 =	sld [smem:$0x3F9B];
	s0 =	simm.s32 @p1 $0x1  }
0x15: {  	[smem:$0x3FB8] =	sst s0;
	s0 =	simm.s32 @!p2 $0x0  }
0x16: {  	s3 =	sld [smem:$0x3FDB];
	s0 =	simm.s32 @p2 $0x1  }
0x17: {  	s4 =	simm.s32 $0x1BF5;
	[smem:$0x3FBA] =	sst s0  }
0x18: {  	s0 =	sld [smem:$0x3F9D];
	_ =	swait.ge [sflag:s4], $0x0  }
0x19: {  	s7 =	sld [smem:$0x3F9E]  }
0x1a: {  	s8 =	sadd.s32 $0xFFFFE003, lr  }
0x1b: {  	s9 =	sadd.s32 $0xFFFFFEF7, lr;
	s5 =	simm.s32 $0xFFFFFFFF;
	p2 =	slt.u32 s8, $0xFFFFF086  }
0x1c: {  	p1 =	slt.u32 s9, $0xF7A;
	s5 =	simm.s32 @!p2 $0x0  }
0x1d: {  	s5 =	simm.s32 @p1 $0x1;
	p0 =	seq.s32 s7, s2  }
0x1e: {  	s7 =	smul.u32 @!p0 $0xF7A, s2;
	p2 =	seq.s32 @!p0 s5, $0x0  }
0x1f: {  	s9 =	smul.u32 $0xF7A, s1;
	s8 =	simm.s32 @!p0 $0x1BF5;
	p2 =	por !p2, p0  }
0x20: {  	[sflag:s8] =	ssyncset.s32 @!p0 $0xFFFFF086;
	s6 =	sadd.s32 @!p0 s3, s7;
	s7 =	simm.s32 @!p0 $0x108  }
0x21: {  	s3 =	sadd.s32 s3, s9;
	s6 =	sadd.s32 @!p0 $0x88, s6;
	s7 =	simm.s32 @p2 $0x1082  }
0x22: {  	[simem:s7], [sflag:s8] =	dma.local @!p0 [hbm:s6], $0xF7A  }
0x23: {  	s9 =	sor.u32 $0xD0000000, s2;
	s6 =	simm.s32 $0x108;
	_ =	swait.ge @!p0 [sflag:s8], $0x0  }
0x24: {  	s3 =	sadd.s32 $0x88, s3;
	s6 =	simm.s32 @!p1 $0x1082;
	[sflag:s4] =	ssyncset.s32 $0xFFFFF086  }
0x25: {  	[simem:s6], [sflag:s4] =	dma.local [hbm:s3], $0xF7A  }
0x26: {  	[smem:$0x3F9E] =	sst s1;
	(tag) =	ssettag s2;
	_ =	strace s9  }
0x27: {  	s1 =	sld [smem:$0x3FAE]  }
0x28: {  	s2 =	sld [smem:$0x3FAF]  }
0x29: {  	s4 =	sld [smem:$0x3FB1]  }
0x2a: {  	p0 =	seq.s32 s5, $0x0;
	s5 =	sld [smem:$0x3FB2]  }
0x2b: {  	s6 =	sld [smem:$0x3FB3]  }
0x2c: {  	s7 =	sld [smem:$0x3FB4]  }
0x2d: {  	s3 =	simm.s32 $0x108;
	s8 =	sld [smem:$0x3FB5]  }
0x2e: {  	s3 =	simm.s32 @!p0 $0x1082;
	s9 =	sld [smem:$0x3FB6]  }
0x2f: {  	lr =	sadd.s32 s0, s3;
	s0 =	sld [smem:$0x3FAD]  }
0x30: {  	s3 =	sld [smem:$0x3FB0]  }
0x31: {  	[smem:$0x3FB9] =	sst s10  }
0x32: {  	s10 =	sld [smem:$0x3FB7];
	_ =	sdelay $0x3  }
0x33: {  	p0 =	seq.s32 s10, $0x1;
	s10 =	sld [smem:$0x3FB9];
	_ =	sdelay $0x3  }
0x34: {  	[smem:$0x3FB9] =	sst s10  }
0x35: {  	s10 =	sld [smem:$0x3FB8];
	_ =	sdelay $0x3  }
0x36: {  	p1 =	seq.s32 s10, $0x1;
	s10 =	sld [smem:$0x3FB9];
	_ =	sdelay $0x3  }
0x37: {  	[smem:$0x3FB9] =	sst s10  }
0x38: {  	s10 =	sld [smem:$0x3FBA]  }
0x39: {  	_ = 	snop;
	(pc) =	sbr.ind lr, $3  }
0x3a: {  	_ = 	snop  }
0x3b: {  	_ = 	snop  }
0x3c: {  	p2 =	seq.s32 s10, $0x1;
	s10 =	sld [smem:$0x3FB9]  }
0x3d: {  	_ =	shalt  }
0x3e: {  	_ =	shalt  }
0x3f: {  	_ =	shalt  }
0x40: {  	_ =	shalt  }
0x41: {  	_ =	shalt  }
0x42: {  	_ =	shalt  }
0x43: {  	_ =	shalt  }
0x44: {  	_ =	shalt  }
0x45: {  	_ =	shalt  }
0x46: {  	_ =	shalt  }
0x47: {  	_ =	shalt  }
0x48: {  	_ =	shalt  }
0x49: {  	_ =	shalt  }
0x4a: {  	_ =	shalt  }
0x4b: {  	_ =	shalt  }
0x4c: {  	_ =	shalt  }
0x4d: {  	_ =	shalt  }
0x4e: {  	_ =	shalt  }
0x4f: {  	_ =	shalt  }
0x50: {  	_ =	shalt  }
0x51: {  	_ =	shalt  }
0x52: {  	_ =	shalt  }
0x53: {  	_ =	shalt  }
0x54: {  	_ =	shalt  }
0x55: {  	_ =	shalt  }
0x56: {  	_ =	shalt  }
0x57: {  	_ =	shalt  }
0x58: {  	_ =	shalt  }
0x59: {  	_ =	shalt  }
0x5a: {  	_ =	shalt  }
0x5b: {  	_ =	shalt  }
0x5c: {  	_ =	shalt  }
0x5d: {  	_ =	shalt  }
0x5e: {  	_ =	shalt  }
0x5f: {  	_ =	shalt  }
0x60: {  	_ =	shalt  }
0x61: {  	_ =	shalt  }
0x62: {  	_ =	shalt  }
0x63: {  	_ =	shalt  }
0x64: {  	_ =	shalt  }
0x65: {  	_ =	shalt  }
0x66: {  	_ =	shalt  }
0x67: {  	_ =	shalt  }
0x68: {  	_ =	shalt  }
0x69: {  	_ =	shalt  }
0x6a: {  	_ =	shalt  }
0x6b: {  	_ =	shalt  }
0x6c: {  	_ =	shalt  }
0x6d: {  	_ =	shalt  }
0x6e: {  	_ =	shalt  }
0x6f: {  	_ =	shalt  }
0x70: {  	_ =	shalt  }
0x71: {  	_ =	shalt  }
0x72: {  	_ =	shalt  }
0x73: {  	_ =	shalt  }
0x74: {  	_ =	shalt  }
0x75: {  	_ =	shalt  }
0x76: {  	_ =	shalt  }
0x77: {  	_ =	shalt  }
0x78: {  	_ =	shalt  }
0x79: {  	_ =	shalt  }
0x7a: {  	_ =	shalt  }
0x7b: {  	_ =	shalt  }
0x7c: {  	_ =	shalt  }
0x7d: {  	_ =	shalt  }
0x7e: {  	_ =	shalt  }
0x7f: {  	_ =	shalt  }
0x80: {  	_ =	shalt  }
0x81: {  	_ =	shalt  }
0x82: {  	_ =	shalt  }
0x83: {  	_ =	shalt  }
0x84: {  	_ =	shalt  }
0x85: {  	_ =	shalt  }
0x86: {  	_ =	shalt  }
0x87: {  	_ =	shalt  }
.Lfunc_end0:
.L_simem_size_0:
called_computation_lowered:
.L_overlay_start_0:
0x88: {  	s2 =	sld [smem:$0x3FD9]  }
0x89: {  	s3 =	sld [smem:$0x3FFE];
	_ =	sdelay $0x1  }
0x8a: {  	s1 =	srdreg.scid  }
0x8b: {  	s0 =	sand.u32 $0x1, s1  }
0x8c: {  	s17 =	sshll.u32 s0, $0xA;
	s2 =	sadd.s32 s3, s2  }
0x8d: {  	s2 =	sadd.s32 s2, s17  }
0x8e: {  	[smem:$0x3FC5] =	sst s2  }
0x8f: {  	_ = 	snop  }
0x90: {  	s2 =	sld [smem:$0x3FC9]  }
0x91: {  	s18 =	sld [smem:$0x3FC8]  }
0x92: {  	s4 =	sld [smem:$0x3FC7];
	(tm) =	ssettm $0x1  }
0x93: {  	s5 =	sld [smem:$0x3FFB];
	_ =	sdelay $0x3  }
0x94: {  	_ =	strace s5  }
0x95: {  	s5 =	sld [smem:$0x3FFC];
	_ =	sdelay $0x3  }
0x96: {  	_ =	strace s5  }
0x97: {  	s5 =	sld [smem:$0x3FFD];
	_ =	sdelay $0x3  }
0x98: {  	_ =	strace s5  }
0x99: {  	_ =	strace $0x8FFFFFFF  }
0x9a: {  	s19 =	sld [smem:$0x3FDB];
	_ =	sdelay $0x1  }
0x9b: {  	s6 =	simm.s32 $_scs_section_size  }
0x9c: {  	s7 =	simm.s32 $_size__tile_overlayer_lowered;
	s8 =	simm.s32 $_tile_overlayer_lowered  }
0x9d: {  	s22 =	simm.s32 $0x1BFF;
	s21 =	sshll.u32 s8, $0x1;
	s5 =	sadd.s32 s6, s19  }
0x9e: {  	s9 =	simm.s32 $0x0;
	s20 =	sshll.u32 s7, $0x1;
	s7 =	sadd.s32 s21, s5  }
0x9f: {  	[timem:s9], [sflag:s22] =	dma.local [hbm:s7], s20  }
0xa0: {  	_ =	swait.ge [sflag:s22], s20  }
0xa1: {  	s6 =	ssub.s32 $0x0, s20;
	[sflag:s22] =	ssyncset.done $0x0  }
0xa2: {  	[sflag:s22] =	ssyncadd.s32 s6;
	_ =	sdelay $0x1  }
0xa3: {  	s23 =	simm.s32 $0x1B8B  }
0xa4: {  	_ =	swait.ge [sflag:s23], $0x1  }
0xa5: {  	[sflag:s23] =	ssyncset.done $0x0  }
0xa6: {  	s25 =	simm.s32 $0x1B8E;
	s24 =	sld [smem:$0x3FFE];
	[sflag:s23] =	ssyncadd.s32 $0xFFFFFFFF  }
0xa7: {  	s26 =	simm.s32 $execute0_lowered;
	[smem:$0x3FD2] =	sst s25  }
0xa8: {  	s7 =	sshll.u32 s26, $0x1;
	_ =	strace $0x80000046;
	[dreg:$0x1] =	wrdreg $0xFFFFFFFF  }
0xa9: {  	s28 =	simm.s32 $_size_execute0_lowered;
	s5 =	sadd.s32 s5, s7;
	[dreg:$0x0] =	wrdreg $0x0  }
0xaa: {  	s7 =	sshll.u32 s28, $0x1;
	[dreg:$0x2] =	wrdreg s5  }
0xab: {  	[dreg:$0x3] =	wrdreg s7  }
0xac: {  	[dreg:$0x4] =	wrdreg $0xC0  }
0xad: {  	_ =	task [dreg:s9], $0x5FFFF  }
0xae: {  	[dreg:$0x1] =	wrdreg $0xFFFFFFFF  }
0xaf: {  	[dreg:$0x0] =	wrdreg $0x60  }
0xb0: {  	[dreg:$0x2] =	wrdreg s2  }
0xb1: {  	[dreg:$0x3] =	wrdreg s18  }
0xb2: {  	[dreg:$0x4] =	wrdreg s4  }
0xb3: {  	[dreg:$0x5] =	wrdreg s24  }
0xb4: {  	[dreg:$0x6] =	wrdreg $0x9  }
0xb5: {  	_ =	task.clear_ibuf [dreg:s9], $0x7FFFF;
	_ =	strace $0x90000046  }
0xb6: {  	s29 =	simm.s32 $0x9;
	_ =	strace $0x80000048  }
0xb7: {  	_ =	swait.ge [sflag:s29], $0x1  }
0xb8: {  	[sflag:s29] =	ssyncadd.s32 $0xFFFFFFFF  }
0xb9: {  	_ =	strace $0x90000048  }
0xba: {  	_ =	sfence  }
0xbb: {  	s30 =	sld [smem:$0x0];
	_ =	sdelay $0x2  }
0xbc: {  	s31 =	sshll.u32 s1, $0xD;
	s1 =	sshrl.u32 s1, $0x2  }
0xbd: {  	s3 =	sand.u32 $0x4000, s31;
	s1 =	sadd.s32 s1, s30  }
0xbe: {  	s0 =	sor.u32 s3, s0;
	s1 =	sshll.u32 s1, $0x11  }
0xbf: {  	s0 =	sor.u32 s1, s0  }
0xc0: {  	s0 =	sadd.s32 $0x8F2B, s0  }
0xc1: {  	[sflag:s0] =	ssyncadd.remote.s32 $0x1  }
0xc2: {  	_ =	sfence.sel $0xFFFF  }
0xc3: {  	[dreg:$0x0] =	wrdreg $0xFFFFFFFF;
	(pc) =	sbr.abs _section_cstart, $3  }
0xc4: {  	[dreg:$0x1] =	wrdreg $0xFFFFFFFF  }
0xc5: {  	_ =	task.clear_ibuf [dreg:s9], $0x2FFFF;
	_ =	strace $0x9FFFFFFF  }
0xc6: {  	(tm) =	ssettm $0x7FFFFFFF  }
0xc7: {  	_ =	shalt  }
tec
execute0_lowered:
.L_overlay_start_1:
0x0: {  	(tag) =	ssettag $0x1  }
0x1: {  	s4 =	rddreg [dreg:$0x0]  }
0x2: {  	s5 =	rddreg [dreg:$0x1]  }
0x3: {  	s1 =	srdreg.scid;
	s0 =	stileid.u32  }
0x4: {  	s6 =	rddreg [dreg:$0x3];
	s3 =	simm.s32 $0x0;
	s11 =	simm.s32 $0xD200  }
0x5: {  	s12 =	simm.s32 $0x1;
	s13 =	simm.s32 $0xD280;
	s14 =	simm.s32 $0x0  }
0x6: {  	vm0 =	vmmov $0x1;
	vm2 =	vcmask $0x308;
	vm3 =	vcmask $0x70C;
	s7 =	sand.u32 $0x1, s1;
	s8 =	sshll.u32 s0, $0x1;
	[smem:$0x7FF] =	sst s3  }
0x7: {  	vm4 =	vcmask $0xB10;
	vm5 =	vcmask $0xF14;
	vm6 =	vcmask $0x1318;
	s8 =	sor.u32 s7, s8;
	_ =	strace $0x80000047;
	s7 =	ssub.s32 $0x2, s7  }
0x8: {  	vm7 =	vcmask $0x171C;
	vm8 =	vcmask $0x1B20;
	vm9 =	vcmask $0x1F24;
	s9 =	sshll.u32 s8, $0x4;
	s31 =	sshrl.u32 s7, $0x1;
	s10 =	sshll.u32 s8, $0x9  }
0x9: {  	vm10 =	vcmask $0x2328;
	vm1 =	vmmov $0x7fff;
	v0 =	vimm.s32 $0x0;
	s8 =	sshll.u32 s8, $0x6;
	s6 =	sadd.s32 s9, s6;
	s7 =	ssub.s32 s7, s31  }
0xa: {  	vm11 =	vcmask $0x272C;
	vm12 =	vcmask $0x2B30;
	v0 =	vsel vm1, $0xFFFFFFFF, v0;
	s4 =	sadd.s32 s4, s10;
	s5 =	sadd.s32 s5, s8;
	s9 =	simm.s32 $0x20000  }
0xb: {  	vm13 =	vcmask $0x2F34;
	vm14 =	vcmask $0x3338;
	vm15 =	vcmask $0x373C;
	[tilespmem:$0x1FFF0] =	vst v0;
	s10 =	simm.s32 $0x2;
	s6 =	sadd.s32 $0x600, s6;
	s7 =	smax.u32 s7, $0x1  }
.LBB2_1:
0xc: {  	s0 =	simm.s32 $0x1000  }
0xd: {  	[tilespmem:s3], [sflag:$0x1] =	stream.strided.gather [hbm4b:s4+s0], $0xD000, s9, s0, $0x38;
	[tilespmem:$0xD300] =	vst v63  }
0xe: {  	s15 =	simm.s32 $0xD000  }
0xf: {  	[tilespmem:s15], [sflag:$0x2] =	stream.linear.gather [hbm4b:s5+s3], $0x200, $0x38;
	[tilespmem:$0xD300] =	vst v63  }
0x10: {  	_ =	swait.ge [sflag:s10], $0x200  }
0x11: {  	[sflag:s10] =	ssyncset.done $0x0  }
0x12: {  	[sflag:s10] =	ssyncadd.s32 $0xFFFFFE00  }
0x13: {  	s30 =	rddreg [dreg:$0x2]  }
0x14: {  	[tilespmem:s11], [sflag:$0x2] =	stream.linear.gather [hbm4b:s30+s3], $0x64, $0x38;
	[tilespmem:$0xD300] =	vst v63  }
0x15: {  	_ =	swait.ge [sflag:s10], $0x64  }
0x16: {  	[sflag:s10] =	ssyncset.done $0x0  }
0x17: {  	[sflag:s10] =	ssyncadd.s32 $0xFFFFFF9C  }
0x18: {  	v2 =	vld [tilespmem:$0xD200]  }
0x19: {  	v3 =	vld [tilespmem:$0xD210]  }
0x1a: {  	v4 =	vld [tilespmem:$0xD220]  }
0x1b: {  	v5 =	vld [tilespmem:$0xD230]  }
0x1c: {  	v6 =	vld [tilespmem:$0xD240]  }
0x1d: {  	v7 =	vld [tilespmem:$0xD250]  }
0x1e: {  	v8 =	vld [tilespmem:$0xD260];
	_ =	swait.ge [sflag:s12], $0xD000  }
0x1f: {  	[sflag:s12] =	ssyncset.done $0x0  }
0x20: {  	[sflag:s12] =	ssyncadd.s32 $0xFFFF3000  }
0x21: {  	v1 =	vld [tilespmem:s15+$0x0];
	_ =	sdelay $0x4  }
0x22: {  	(v2sf) =	vpush v1, $0x0;
	_ =	sdelay $0x8  }
0x23: {  	(v2sf) =	vpush v1, $0x1;
	_ =	sdelay $0x5  }
0x24: {  	s17 =	spop (v2sf)  }
0x25: {  	s18 =	sshll.u32 s17, $0x9  }
0x26: {  	s16 =	sand.u32 $0xC00, s3;
	v0 =	vand.u32 $0xF, v1;
	v9 =	vshrl.u32 v1, $0x4;
	s17 =	sshll.u32 s17, $0x7;
	s18 =	sand.u32 $0xFFFFF000, s18  }
0x27: {  	v10 =	vperm.xlane v2, v0;
	v11 =	vperm.xlane v3, v0;
	(v2sf) =	vpush v1, $0x2;
	s19 =	sand.u32 $0x380, s17;
	s18 =	sor.u32 s16, s18  }
0x28: {  	vm1 =	veq.s32 v9, $0x1;
	v12 =	vperm.xlane v4, v0;
	s17 =	sand.u32 $0x70, s3;
	s18 =	sor.u32 s19, s18  }
0x29: {  	v10 =	vsel vm1, v11, v10;
	vm1 =	veq.s32 v9, $0x2;
	v11 =	vperm.xlane v5, v0;
	s18 =	sor.u32 s17, s18  }
0x2a: {  	v13 =	vperm.xlane v6, v0;
	v10 =	vsel vm1, v12, v10;
	vm1 =	veq.s32 v9, $0x3;
	v59 =	vld [tilespmem:s18+$0x0]  }
0x2b: {  	v10 =	vsel vm1, v11, v10;
	vm1 =	veq.s32 v9, $0x4;
	v11 =	vperm.xlane v7, v0  }
0x2c: {  	v0 =	vperm.xlane v8, v0;
	v10 =	vsel vm1, v13, v10;
	vm1 =	veq.s32 v9, $0x5  }
0x2d: {  	v10 =	vsel vm1, v11, v10;
	vm1 =	veq.s32 v9, $0x6;
	s31 =	spop (v2sf)  }
0x2e: {  	v0 =	vsel vm1, v0, v10;
	s20 =	sshll.u32 s31, $0x9  }
0x2f: {  	s20 =	sand.u32 $0xFFFFF000, s20;
	s19 =	sshll.u32 s31, $0x7;
	v9 =	vsub.f32 v59, v0  }
0x30: {  	(v2sf) =	vpush v1, $0x3;
	s20 =	sor.u32 s16, s20;
	s19 =	sand.u32 $0x380, s19  }
0x31: {  	s19 =	sor.u32 s19, s20;
	v10 =	vsel vm0, v9, v59  }
0x32: {  	s0 =	sor.u32 s17, s19;
	[tilespmem:s18+$0x0] =	vst v10  }
0x33: {  	v11 =	vld [tilespmem:s0+$0x0];
	_ =	sdelay $0x2  }
0x34: {  	s1 =	spop (v2sf)  }
0x35: {  	s2 =	sshll.u32 s1, $0x9  }
0x36: {  	s19 =	sshll.u32 s1, $0x7;
	s20 =	sand.u32 $0xFFFFF000, s2;
	v10 =	vsub.f32 v11, v0  }
0x37: {  	(v2sf) =	vpush v1, $0x4;
	s19 =	sand.u32 $0x380, s19;
	s20 =	sor.u32 s16, s20  }
0x38: {  	s19 =	sor.u32 s19, s20;
	v11 =	vsel vm2, v11, v10  }
0x39: {  	s8 =	sor.u32 s17, s19;
	[tilespmem:s0+$0x0] =	vst v11  }
0x3a: {  	v60 =	vld [tilespmem:s8+$0x0];
	_ =	sdelay $0x2  }
0x3b: {  	s21 =	spop (v2sf)  }
0x3c: {  	s22 =	sshll.u32 s21, $0x9  }
0x3d: {  	s20 =	sand.u32 $0xFFFFF000, s22;
	s19 =	sshll.u32 s21, $0x7;
	v11 =	vsub.f32 v60, v0  }
0x3e: {  	(v2sf) =	vpush v1, $0x5;
	s20 =	sor.u32 s16, s20;
	s19 =	sand.u32 $0x380, s19  }
0x3f: {  	s19 =	sor.u32 s19, s20;
	v12 =	vsel vm3, v60, v11  }
0x40: {  	s23 =	sor.u32 s17, s19;
	[tilespmem:s8+$0x0] =	vst v12  }
0x41: {  	v61 =	vld [tilespmem:s23+$0x0];
	_ =	sdelay $0x2  }
0x42: {  	s24 =	spop (v2sf)  }
0x43: {  	s25 =	sshll.u32 s24, $0x9  }
0x44: {  	s19 =	sshll.u32 s24, $0x7;
	s20 =	sand.u32 $0xFFFFF000, s25;
	v62 =	vsub.f32 v61, v0  }
0x45: {  	(v2sf) =	vpush v1, $0x6;
	s19 =	sand.u32 $0x380, s19;
	s20 =	sor.u32 s16, s20  }
0x46: {  	s19 =	sor.u32 s19, s20;
	v13 =	vsel vm4, v61, v62  }
0x47: {  	s26 =	sor.u32 s17, s19;
	[tilespmem:s23+$0x0] =	vst v13  }
0x48: {  	v13 =	vld [tilespmem:s26+$0x0];
	_ =	sdelay $0x2  }
0x49: {  	s28 =	spop (v2sf)  }
0x4a: {  	s29 =	sshll.u32 s28, $0x9  }
0x4b: {  	s20 =	sand.u32 $0xFFFFF000, s29;
	s19 =	sshll.u32 s28, $0x7;
	v14 =	vsub.f32 v13, v0  }
0x4c: {  	(v2sf) =	vpush v1, $0x7;
	s20 =	sor.u32 s16, s20;
	s19 =	sand.u32 $0x380, s19  }
0x4d: {  	s19 =	sor.u32 s19, s20;
	v13 =	vsel vm5, v13, v14  }
0x4e: {  	s30 =	sor.u32 s17, s19;
	[tilespmem:s26+$0x0] =	vst v13  }
0x4f: {  	v13 =	vld [tilespmem:s30+$0x0];
	_ =	sdelay $0x2  }
0x50: {  	s31 =	spop (v2sf)  }
0x51: {  	s0 =	sshll.u32 s31, $0x9  }
0x52: {  	s19 =	sshll.u32 s31, $0x7;
	s20 =	sand.u32 $0xFFFFF000, s0;
	v15 =	vsub.f32 v13, v0  }
0x53: {  	(v2sf) =	vpush v1, $0x8;
	s19 =	sand.u32 $0x380, s19;
	s20 =	sor.u32 s16, s20  }
0x54: {  	s19 =	sor.u32 s19, s20;
	v13 =	vsel vm6, v13, v15  }
0x55: {  	s1 =	sor.u32 s17, s19;
	[tilespmem:s30+$0x0] =	vst v13  }
0x56: {  	v13 =	vld [tilespmem:s1+$0x0];
	_ =	sdelay $0x2  }
0x57: {  	s2 =	spop (v2sf)  }
0x58: {  	s8 =	sshll.u32 s2, $0x9  }
0x59: {  	s20 =	sand.u32 $0xFFFFF000, s8;
	s19 =	sshll.u32 s2, $0x7;
	v16 =	vsub.f32 v13, v0  }
0x5a: {  	(v2sf) =	vpush v1, $0x9;
	s20 =	sor.u32 s16, s20;
	s19 =	sand.u32 $0x380, s19  }
0x5b: {  	s19 =	sor.u32 s19, s20;
	v13 =	vsel vm7, v13, v16  }
0x5c: {  	s21 =	sor.u32 s17, s19;
	[tilespmem:s1+$0x0] =	vst v13  }
0x5d: {  	v13 =	vld [tilespmem:s21+$0x0];
	_ =	sdelay $0x2  }
0x5e: {  	s22 =	spop (v2sf)  }
0x5f: {  	s23 =	sshll.u32 s22, $0x9  }
0x60: {  	s19 =	sshll.u32 s22, $0x7;
	s20 =	sand.u32 $0xFFFFF000, s23;
	v17 =	vsub.f32 v13, v0  }
0x61: {  	(v2sf) =	vpush v1, $0xA;
	s19 =	sand.u32 $0x380, s19;
	s20 =	sor.u32 s16, s20  }
0x62: {  	s19 =	sor.u32 s19, s20;
	v13 =	vsel vm8, v13, v17  }
0x63: {  	s24 =	sor.u32 s17, s19;
	[tilespmem:s21+$0x0] =	vst v13  }
0x64: {  	v13 =	vld [tilespmem:s24+$0x0];
	_ =	sdelay $0x2  }
0x65: {  	s25 =	spop (v2sf)  }
0x66: {  	s26 =	sshll.u32 s25, $0x9  }
0x67: {  	s20 =	sand.u32 $0xFFFFF000, s26;
	s19 =	sshll.u32 s25, $0x7;
	v18 =	vsub.f32 v13, v0  }
0x68: {  	(v2sf) =	vpush v1, $0xB;
	s20 =	sor.u32 s16, s20;
	s19 =	sand.u32 $0x380, s19  }
0x69: {  	s19 =	sor.u32 s19, s20;
	v13 =	vsel vm9, v13, v18  }
0x6a: {  	s28 =	sor.u32 s17, s19;
	[tilespmem:s24+$0x0] =	vst v13  }
0x6b: {  	v13 =	vld [tilespmem:s28+$0x0];
	_ =	sdelay $0x2  }
0x6c: {  	s29 =	spop (v2sf)  }
0x6d: {  	s30 =	sshll.u32 s29, $0x9  }
0x6e: {  	s19 =	sshll.u32 s29, $0x7;
	s20 =	sand.u32 $0xFFFFF000, s30;
	v19 =	vsub.f32 v13, v0  }
0x6f: {  	(v2sf) =	vpush v1, $0xC;
	s19 =	sand.u32 $0x380, s19;
	s20 =	sor.u32 s16, s20  }
0x70: {  	s19 =	sor.u32 s19, s20;
	v13 =	vsel vm10, v13, v19  }
0x71: {  	s31 =	sor.u32 s17, s19;
	[tilespmem:s28+$0x0] =	vst v13  }
0x72: {  	v13 =	vld [tilespmem:s31+$0x0];
	_ =	sdelay $0x2  }
0x73: {  	s0 =	spop (v2sf)  }
0x74: {  	s1 =	sshll.u32 s0, $0x9  }
0x75: {  	s20 =	sand.u32 $0xFFFFF000, s1;
	s19 =	sshll.u32 s0, $0x7;
	v20 =	vsub.f32 v13, v0  }
0x76: {  	(v2sf) =	vpush v1, $0xD;
	s20 =	sor.u32 s16, s20;
	s19 =	sand.u32 $0x380, s19  }
0x77: {  	s19 =	sor.u32 s19, s20;
	v13 =	vsel vm11, v13, v20  }
0x78: {  	s2 =	sor.u32 s17, s19;
	[tilespmem:s31+$0x0] =	vst v13  }
0x79: {  	v13 =	vld [tilespmem:s2+$0x0];
	_ =	sdelay $0x2  }
0x7a: {  	s8 =	spop (v2sf)  }
0x7b: {  	s21 =	sshll.u32 s8, $0x9  }
0x7c: {  	s19 =	sshll.u32 s8, $0x7;
	s20 =	sand.u32 $0xFFFFF000, s21;
	v21 =	vsub.f32 v13, v0  }
0x7d: {  	(v2sf) =	vpush v1, $0xE;
	s19 =	sand.u32 $0x380, s19;
	s20 =	sor.u32 s16, s20  }
0x7e: {  	s19 =	sor.u32 s19, s20;
	v13 =	vsel vm12, v13, v21  }
0x7f: {  	s22 =	sor.u32 s17, s19;
	[tilespmem:s2+$0x0] =	vst v13  }
0x80: {  	v13 =	vld [tilespmem:s22+$0x0];
	_ =	sdelay $0x2  }
0x81: {  	s23 =	spop (v2sf)  }
0x82: {  	v23 =	vimm.f32 $0.0e+00;
	v9 =	vnsel vm0, $0x0, v9;
	(v2sf) =	vpush v1, $0xF;
	s24 =	sshll.u32 s23, $0x9  }
0x83: {  	v1 =	vadd.f32 v9, v23;
	s20 =	sand.u32 $0xFFFFF000, s24;
	s19 =	sshll.u32 s23, $0x7;
	v22 =	vsub.f32 v13, v0  }
0x84: {  	v9 =	vsel vm2, $0x0, v10;
	s20 =	sor.u32 s16, s20;
	s19 =	sand.u32 $0x380, s19  }
0x85: {  	v1 =	vadd.f32 v9, v1;
	s19 =	sor.u32 s19, s20;
	v10 =	vsel vm13, v13, v22  }
0x86: {  	v9 =	vsel vm3, $0x0, v11;
	s25 =	sor.u32 s17, s19;
	[tilespmem:s22+$0x0] =	vst v10  }
0x87: {  	v1 =	vadd.f32 v9, v1;
	v10 =	vld [tilespmem:s25+$0x0]  }
0x88: {  	v9 =	vsel vm4, $0x0, v62  }
0x89: {  	v1 =	vadd.f32 v9, v1  }
0x8a: {  	v9 =	vsel vm5, $0x0, v14;
	s26 =	spop (v2sf)  }
0x8b: {  	v1 =	vadd.f32 v9, v1;
	s28 =	sshll.u32 s26, $0x9  }
0x8c: {  	v11 =	vsel vm6, $0x0, v15;
	s19 =	sshll.u32 s26, $0x7;
	s20 =	sand.u32 $0xFFFFF000, s28;
	v9 =	vsub.f32 v10, v0  }
0x8d: {  	v1 =	vadd.f32 v11, v1;
	s19 =	sand.u32 $0x380, s19;
	s20 =	sor.u32 s16, s20  }
0x8e: {  	v11 =	vsel vm7, $0x0, v16;
	s19 =	sor.u32 s19, s20;
	v10 =	vsel vm14, v10, v9  }
0x8f: {  	v1 =	vadd.f32 v11, v1;
	s29 =	sor.u32 s17, s19;
	[tilespmem:s25+$0x0] =	vst v10  }
0x90: {  	v11 =	vsel vm8, $0x0, v17;
	v10 =	vld [tilespmem:s29+$0x0]  }
0x91: {  	v1 =	vadd.f32 v11, v1  }
0x92: {  	v11 =	vsel vm9, $0x0, v18  }
0x93: {  	s30 =	spop (v2sf);
	v1 =	vadd.f32 v11, v1  }
0x94: {  	s31 =	sshll.u32 s30, $0x9;
	v11 =	vsel vm10, $0x0, v19  }
0x95: {  	s20 =	sand.u32 $0xFFFFF000, s31;
	v1 =	vadd.f32 v11, v1;
	s19 =	sshll.u32 s30, $0x7;
	v63 =	vsub.f32 v10, v0  }
0x96: {  	v11 =	vsel vm11, $0x0, v20;
	s16 =	sor.u32 s16, s20;
	s19 =	sand.u32 $0x380, s19  }
0x97: {  	v1 =	vadd.f32 v11, v1;
	s16 =	sor.u32 s19, s16;
	v10 =	vsel vm15, v10, v63  }
0x98: {  	s18 =	sor.u32 s17, s16;
	[tilespmem:s29+$0x0] =	vst v10;
	v10 =	vsel vm12, $0x0, v21  }
0x99: {  	v11 =	vld [tilespmem:s18+$0x0];
	v1 =	vadd.f32 v10, v1  }
0x9a: {  	v10 =	vsel vm13, $0x0, v22  }
0x9b: {  	v1 =	vadd.f32 v10, v1  }
0x9c: {  	v9 =	vsel vm14, $0x0, v9  }
0x9d: {  	v1 =	vadd.f32 v9, v1  }
0x9e: {  	v9 =	vsub.f32 v11, v0;
	v0 =	vsel vm15, $0x0, v63  }
0x9f: {  	v0 =	vadd.f32 v0, v1;
	v1 =	vld [tilespmem:$0x1FFF0];
	_ =	sdelay $0x4  }
0xa0: {  	vm1 =	vnez.u8 v1  }
0xa1: {  	s16 =	simm.s32 $0x10;
	s17 =	simm.s32 $0x0;
	v1 =	vsel vm1, v11, v9;
	v9 =	vsel vm1, $0x0, v9  }
.LBB2_2:
0xa2: {  	[tilespmem:s18+$0x0] =	vst v1;
	s15 =	sadd.s32 $0x10, s15  }
0xa3: {  	v11 =	vld [tilespmem:s15+$0x0];
	_ =	sdelay $0x4  }
0xa4: {  	(v2sf) =	vpush v11, $0x0;
	_ =	sdelay $0x5  }
0xa5: {  	(v2sf) =	vpush v11, $0x1  }
0xa6: {  	(v2sf) =	vpush v11, $0x2  }
0xa7: {  	vm15 =	vmmov vm0;
	vm0 =	vmmov vm14  }
0xa8: {  	vm14 =	vmmov vm13;
	vm13 =	vmmov vm12;
	(v2sf) =	vpush v11, $0x3  }
0xa9: {  	vm12 =	vmmov vm11;
	vm11 =	vmmov vm10;
	vm10 =	vmmov vm9  }
0xaa: {  	vm9 =	vmmov vm8;
	vm8 =	vmmov vm7;
	(v2sf) =	vpush v11, $0x4  }
0xab: {  	vm7 =	vmmov vm6;
	vm6 =	vmmov vm5;
	vm5 =	vmmov vm4  }
0xac: {  	vm4 =	vmmov vm3;
	vm3 =	vmmov vm2;
	v1 =	vand.u32 $0xF, v11  }
0xad: {  	v0 =	vadd.f32 v9, v0;
	v10 =	vperm.xlane v2, v1;
	(v2sf) =	vpush v11, $0x5  }
0xae: {  	v9 =	vshrl.u32 v11, $0x4;
	v12 =	vperm.xlane v3, v1;
	v13 =	vperm.xlane v4, v1;
	s20 =	spop (v2sf)  }
0xaf: {  	s17 =	sadd.s32 $0x80, s17;
	vm1 =	veq.s32 v9, $0x1;
	v14 =	vperm.xlane v6, v1;
	v46 =	vperm.xlane v5, v1;
	s21 =	sshll.u32 s20, $0x9  }
0xb0: {  	s19 =	sand.u32 $0xC00, s17;
	vm2 =	veq.s32 v9, $0x4;
	v10 =	vsel vm1, v12, v10;
	vm1 =	veq.s32 v9, $0x2;
	s20 =	sshll.u32 s20, $0x7;
	s21 =	sand.u32 $0xFFFFF000, s21  }
0xb1: {  	s25 =	smov.u32 s16;
	v47 =	vperm.xlane v7, v1;
	v10 =	vsel vm1, v13, v10;
	vm1 =	veq.s32 v9, $0x3;
	s20 =	sand.u32 $0x380, s20;
	s21 =	sor.u32 s19, s21  }
0xb2: {  	s18 =	sand.u32 $0x70, s25;
	v1 =	vperm.xlane v8, v1;
	v10 =	vsel vm1, v46, v10;
	(v2sf) =	vpush v11, $0x6;
	s20 =	sor.u32 s20, s21  }
0xb3: {  	vm1 =	veq.s32 v9, $0x5;
	v10 =	vsel vm2, v14, v10;
	vm2 =	vmmov vm3;
	s29 =	sor.u32 s18, s20  }
0xb4: {  	vm3 =	vmmov vm4;
	vm4 =	vmmov vm5;
	s22 =	spop (v2sf);
	(v2sf) =	vpush v11, $0x7;
	v48 =	vld [tilespmem:s29+$0x0]  }
0xb5: {  	vm5 =	vmmov vm6;
	vm6 =	vmmov vm7;
	s30 =	spop (v2sf);
	(v2sf) =	vpush v11, $0x8  }
0xb6: {  	vm7 =	vmmov vm8;
	vm8 =	vmmov vm9;
	vm9 =	vmmov vm10;
	s23 =	sshll.u32 s22, $0x9;
	s22 =	sshll.u32 s22, $0x7  }
0xb7: {  	v10 =	vsel vm1, v47, v10;
	vm1 =	veq.s32 v9, $0x6;
	s23 =	sand.u32 $0xFFFFF000, s23;
	s31 =	sshll.u32 s30, $0x9;
	s24 =	spop (v2sf);
	(v2sf) =	vpush v11, $0x9  }
0xb8: {  	vm10 =	vmmov vm11;
	vm11 =	vmmov vm12;
	v1 =	vsel vm1, v1, v10;
	s26 =	sand.u32 $0x380, s22;
	s28 =	sor.u32 s19, s23;
	s21 =	sand.u32 $0xFFFFF000, s31  }
0xb9: {  	vm12 =	vmmov vm13;
	vm13 =	vmmov vm14;
	s25 =	sshll.u32 s24, $0x9;
	s24 =	sshll.u32 s24, $0x7;
	s2 =	spop (v2sf);
	v9 =	vsub.f32 v48, v1  }
0xba: {  	vm14 =	vmmov vm0;
	vm0 =	vmmov vm15;
	(v2sf) =	vpush v11, $0xA;
	s22 =	sor.u32 s26, s28;
	s20 =	sshll.u32 s30, $0x7;
	s21 =	sor.u32 s19, s21  }
0xbb: {  	s25 =	sand.u32 $0xFFFFF000, s25;
	s0 =	sand.u32 $0x380, s24;
	s8 =	sshll.u32 s2, $0x9;
	v10 =	vsel vm0, v9, v48  }
0xbc: {  	s24 =	sshll.u32 s2, $0x7;
	s26 =	spop (v2sf);
	s22 =	sor.u32 s18, s22;
	[tilespmem:s29+$0x0] =	vst v10  }
0xbd: {  	(v2sf) =	vpush v11, $0xB;
	s20 =	sand.u32 $0x380, s20;
	s1 =	sor.u32 s19, s25;
	s25 =	sand.u32 $0xFFFFF000, s8;
	v10 =	vld [tilespmem:s22+$0x0]  }
0xbe: {  	s28 =	sshll.u32 s26, $0x9;
	s26 =	sshll.u32 s26, $0x7;
	s24 =	sand.u32 $0x380, s24  }
0xbf: {  	s21 =	sor.u32 s20, s21;
	s20 =	sor.u32 s0, s1;
	s25 =	sor.u32 s19, s25  }
0xc0: {  	s28 =	sand.u32 $0xFFFFF000, s28;
	s26 =	sand.u32 $0x380, s26;
	s31 =	sor.u32 s24, s25  }
0xc1: {  	s25 =	sor.u32 s19, s28;
	s21 =	sor.u32 s18, s21;
	s28 =	spop (v2sf)  }
0xc2: {  	s30 =	sor.u32 s26, s25;
	s29 =	sshll.u32 s28, $0x9;
	s0 =	sshll.u32 s28, $0x7;
	v49 =	vsub.f32 v10, v1  }
0xc3: {  	(v2sf) =	vpush v11, $0xC;
	s1 =	spop (v2sf);
	s23 =	sand.u32 $0xFFFFF000, s29;
	s24 =	sand.u32 $0x380, s0  }
0xc4: {  	(v2sf) =	vpush v11, $0xD;
	s2 =	sshll.u32 s1, $0x9;
	s26 =	sshll.u32 s1, $0x7;
	s28 =	spop (v2sf);
	v50 =	vsel vm2, v10, v49  }
0xc5: {  	(v2sf) =	vpush v11, $0xE;
	s23 =	sor.u32 s19, s23;
	s8 =	sand.u32 $0xFFFFF000, s2;
	s0 =	sshll.u32 s28, $0x9;
	[tilespmem:s22+$0x0] =	vst v50  }
0xc6: {  	s1 =	sshll.u32 s28, $0x7;
	s2 =	spop (v2sf);
	(v2sf) =	vpush v11, $0xF;
	s29 =	sor.u32 s24, s23;
	v11 =	vld [tilespmem:s21+$0x0]  }
0xc7: {  	s24 =	sand.u32 $0x380, s26;
	s23 =	sor.u32 s19, s8;
	s8 =	sand.u32 $0x380, s1  }
0xc8: {  	s25 =	sshll.u32 s2, $0x7;
	s26 =	sor.u32 s24, s23;
	s23 =	sand.u32 $0xFFFFF000, s0  }
0xc9: {  	s24 =	sshll.u32 s2, $0x9;
	s0 =	spop (v2sf);
	s23 =	sor.u32 s19, s23  }
0xca: {  	s1 =	sshll.u32 s0, $0x9;
	s2 =	sshll.u32 s0, $0x7;
	s28 =	sor.u32 s8, s23  }
0xcb: {  	s23 =	sand.u32 $0x380, s25;
	s1 =	sand.u32 $0xFFFFF000, s1;
	s22 =	sand.u32 $0xFFFFF000, s24;
	v51 =	vsub.f32 v11, v1  }
0xcc: {  	s8 =	spop (v2sf);
	s1 =	sor.u32 s19, s1;
	s22 =	sor.u32 s19, s22  }
0xcd: {  	s24 =	sshll.u32 s8, $0x7;
	s25 =	sor.u32 s23, s22;
	s22 =	sand.u32 $0x380, s2;
	v52 =	vsel vm3, v11, v51  }
0xce: {  	s23 =	sor.u32 s22, s1;
	s22 =	sshll.u32 s8, $0x9;
	s8 =	sor.u32 s18, s20;
	[tilespmem:s21+$0x0] =	vst v52  }
0xcf: {  	v53 =	vld [tilespmem:s8+$0x0];
	_ =	sdelay $0x4  }
0xd0: {  	v54 =	vsub.f32 v53, v1;
	_ =	sdelay $0x1  }
0xd1: {  	v55 =	vsel vm4, v53, v54  }
0xd2: {  	[tilespmem:s8+$0x0] =	vst v55;
	s8 =	sor.u32 s18, s31  }
0xd3: {  	v57 =	vld [tilespmem:s8+$0x0];
	_ =	sdelay $0x3  }
0xd4: {  	s1 =	sand.u32 $0xFFFFF000, s22  }
0xd5: {  	s22 =	sand.u32 $0x380, s24;
	s1 =	sor.u32 s19, s1;
	v58 =	vsub.f32 v57, v1  }
0xd6: {  	s24 =	sor.u32 s22, s1;
	s0 =	spop (v2sf)  }
0xd7: {  	s2 =	sshll.u32 s0, $0x9;
	s0 =	sshll.u32 s0, $0x7;
	s20 =	spop (v2sf);
	v15 =	vsel vm5, v57, v58  }
0xd8: {  	s2 =	sand.u32 $0xFFFFF000, s2;
	s0 =	sand.u32 $0x380, s0;
	s31 =	sor.u32 s18, s30;
	[tilespmem:s8+$0x0] =	vst v15  }
0xd9: {  	s21 =	sshll.u32 s20, $0x9;
	s1 =	sor.u32 s19, s2;
	s2 =	sshll.u32 s20, $0x7;
	v60 =	vld [tilespmem:s31+$0x0]  }
0xda: {  	s21 =	sand.u32 $0xFFFFF000, s21;
	s22 =	sor.u32 s0, s1;
	s1 =	spop (v2sf)  }
0xdb: {  	s2 =	sand.u32 $0x380, s2;
	s0 =	sor.u32 s19, s21;
	s20 =	sshll.u32 s1, $0x9  }
0xdc: {  	s21 =	sor.u32 s2, s0;
	s1 =	sshll.u32 s1, $0x7;
	s20 =	sand.u32 $0xFFFFF000, s20  }
0xdd: {  	s2 =	spop (v2sf);
	s1 =	sand.u32 $0x380, s1;
	s0 =	sor.u32 s19, s20  }
0xde: {  	s20 =	sor.u32 s1, s0;
	s1 =	sshll.u32 s2, $0x9;
	v61 =	vsub.f32 v60, v1  }
0xdf: {  	s2 =	sshll.u32 s2, $0x7;
	s0 =	sand.u32 $0xFFFFF000, s1  }
0xe0: {  	s1 =	sand.u32 $0x380, s2;
	s0 =	sor.u32 s19, s0;
	v14 =	vsel vm6, v60, v61  }
0xe1: {  	s19 =	sor.u32 s1, s0;
	s1 =	sor.u32 s18, s29;
	[tilespmem:s31+$0x0] =	vst v14  }
0xe2: {  	v14 =	vld [tilespmem:s1+$0x0];
	_ =	sdelay $0x4  }
0xe3: {  	v16 =	vsub.f32 v14, v1;
	_ =	sdelay $0x1  }
0xe4: {  	v14 =	vsel vm7, v14, v16  }
0xe5: {  	s2 =	sor.u32 s18, s26;
	[tilespmem:s1+$0x0] =	vst v14  }
0xe6: {  	v14 =	vld [tilespmem:s2+$0x0];
	_ =	sdelay $0x4  }
0xe7: {  	v17 =	vsub.f32 v14, v1;
	_ =	sdelay $0x1  }
0xe8: {  	v14 =	vsel vm8, v14, v17  }
0xe9: {  	s8 =	sor.u32 s18, s28;
	[tilespmem:s2+$0x0] =	vst v14  }
0xea: {  	v14 =	vld [tilespmem:s8+$0x0];
	_ =	sdelay $0x4  }
0xeb: {  	v18 =	vsub.f32 v14, v1;
	_ =	sdelay $0x1  }
0xec: {  	v14 =	vsel vm9, v14, v18  }
0xed: {  	s25 =	sor.u32 s18, s25;
	[tilespmem:s8+$0x0] =	vst v14  }
0xee: {  	v14 =	vld [tilespmem:s25+$0x0];
	_ =	sdelay $0x4  }
0xef: {  	v19 =	vsub.f32 v14, v1;
	_ =	sdelay $0x1  }
0xf0: {  	v14 =	vsel vm10, v14, v19  }
0xf1: {  	s26 =	sor.u32 s18, s23;
	[tilespmem:s25+$0x0] =	vst v14  }
0xf2: {  	v14 =	vld [tilespmem:s26+$0x0];
	_ =	sdelay $0x4  }
0xf3: {  	v20 =	vsub.f32 v14, v1;
	_ =	sdelay $0x1  }
0xf4: {  	v14 =	vsel vm11, v14, v20  }
0xf5: {  	s28 =	sor.u32 s18, s24;
	[tilespmem:s26+$0x0] =	vst v14  }
0xf6: {  	v14 =	vld [tilespmem:s28+$0x0];
	_ =	sdelay $0x4  }
0xf7: {  	v21 =	vsub.f32 v14, v1;
	_ =	sdelay $0x1  }
0xf8: {  	v14 =	vsel vm12, v14, v21  }
0xf9: {  	s29 =	sor.u32 s18, s22;
	[tilespmem:s28+$0x0] =	vst v14  }
0xfa: {  	v14 =	vld [tilespmem:s29+$0x0];
	_ =	sdelay $0x3  }
0xfb: {  	v9 =	vnsel vm0, $0x0, v9  }
0xfc: {  	v0 =	vadd.f32 v9, v0;
	v9 =	vsub.f32 v14, v1  }
0xfd: {  	v10 =	vsel vm2, $0x0, v49  }
0xfe: {  	v0 =	vadd.f32 v10, v0;
	v10 =	vsel vm13, v14, v9  }
0xff: {  	s30 =	sor.u32 s18, s21;
	[tilespmem:s29+$0x0] =	vst v10  }
0x100: {  	v10 =	vld [tilespmem:s30+$0x0];
	_ =	sdelay $0x1  }
0x101: {  	v11 =	vsel vm3, $0x0, v51  }
0x102: {  	v0 =	vadd.f32 v11, v0  }
0x103: {  	v56 =	vsel vm4, $0x0, v54  }
0x104: {  	v0 =	vadd.f32 v56, v0;
	v11 =	vsub.f32 v10, v1  }
0x105: {  	v59 =	vsel vm5, $0x0, v58  }
0x106: {  	v0 =	vadd.f32 v59, v0;
	v10 =	vsel vm14, v10, v11  }
0x107: {  	v15 =	vsel vm6, $0x0, v61;
	s31 =	sor.u32 s18, s20;
	[tilespmem:s30+$0x0] =	vst v10  }
0x108: {  	v0 =	vadd.f32 v15, v0;
	v10 =	vld [tilespmem:s31+$0x0]  }
0x109: {  	v16 =	vsel vm7, $0x0, v16  }
0x10a: {  	v0 =	vadd.f32 v16, v0  }
0x10b: {  	v17 =	vsel vm8, $0x0, v17  }
0x10c: {  	v0 =	vadd.f32 v17, v0  }
0x10d: {  	v18 =	vsel vm9, $0x0, v18;
	v62 =	vsub.f32 v10, v1  }
0x10e: {  	vm15 =	vcmask $0x373C;
	v0 =	vadd.f32 v18, v0  }
0x10f: {  	v19 =	vsel vm10, $0x0, v19;
	v10 =	vsel vm15, v10, v62  }
0x110: {  	s18 =	sor.u32 s18, s19;
	v0 =	vadd.f32 v19, v0;
	[tilespmem:s31+$0x0] =	vst v10  }
0x111: {  	v20 =	vsel vm11, $0x0, v20;
	v10 =	vld [tilespmem:s18+$0x0]  }
0x112: {  	v0 =	vadd.f32 v20, v0  }
0x113: {  	v63 =	vsel vm12, $0x0, v21  }
0x114: {  	v0 =	vadd.f32 v63, v0  }
0x115: {  	v9 =	vsel vm13, $0x0, v9  }
0x116: {  	v0 =	vadd.f32 v9, v0;
	v9 =	vsel vm14, $0x0, v11;
	v11 =	vsub.f32 v10, v1;
	v1 =	vld [tilespmem:$0x1FFF0]  }
0x117: {  	p0 =	sne.s32 s16, $0x1F0  }
.Ltmp0:
0x118: {  	_ = 	snop;
	(pc) =	sbr.rel @p0 .LBB2_2-.Ltmp0, $4  }
0x119: {  	_ = 	snop  }
0x11a: {  	v0 =	vadd.f32 v9, v0  }
0x11b: {  	v9 =	vsel vm15, $0x0, v62;
	vm1 =	vnez.u8 v1  }
0x11c: {  	s16 =	sadd.s32 $0x10, s16;
	v0 =	vadd.f32 v9, v0;
	v1 =	vsel vm1, v10, v11;
	v9 =	vsel vm1, $0x0, v11  }
0x11d: {  	s15 =	simm.s32 $0x0  }
0x11e: {  	s0 =	sand.u32 $0x70, s15;
	s1 =	sand.u32 $0xC00, s15  }
0x11f: {  	[tilespmem:s18+$0x0] =	vst v1;
	s16 =	sor.u32 s0, s1  }
0x120: {  	v41 =	vld [tilespmem:s16+$0xA380]  }
0x121: {  	v49 =	vld [tilespmem:s16+$0x9380]  }
0x122: {  	v39 =	vld [tilespmem:s16+$0xA300]  }
0x123: {  	v52 =	vld [tilespmem:s16+$0x8380]  }
0x124: {  	v50 =	vld [tilespmem:s16+$0x9300]  }
0x125: {  	v59 =	vld [tilespmem:s16+$0xB200]  }
0x126: {  	v54 =	vld [tilespmem:s16+$0x7380]  }
0x127: {  	v58 =	vld [tilespmem:s16+$0x8300]  }
0x128: {  	v60 =	vld [tilespmem:s16+$0xA200]  }
0x129: {  	v61 =	vld [tilespmem:s16+$0xC180]  }
0x12a: {  	v63 =	vld [tilespmem:s16+$0x6380]  }
0x12b: {  	v1 =	vld [tilespmem:s16+$0x7300]  }
0x12c: {  	v26 =	vld [tilespmem:s16+$0xB180]  }
0x12d: {  	v27 =	vld [tilespmem:s16+$0xC100]  }
0x12e: {  	v48 =	vld [tilespmem:s16+$0x8200]  }
0x12f: {  	v46 =	vld [tilespmem:s16+$0xA180]  }
0x130: {  	v45 =	vld [tilespmem:s16+$0xB100]  }
0x131: {  	v21 =	vld [tilespmem:s16+$0xC000]  }
0x132: {  	v20 =	vld [tilespmem:s16+$0xC080]  }
0x133: {  	v28 =	vld [tilespmem:s16+$0x7200]  }
0x134: {  	v34 =	vld [tilespmem:s16+$0x9180]  }
0x135: {  	v37 =	vld [tilespmem:s16+$0xA100]  }
0x136: {  	v36 =	vld [tilespmem:s16+$0xB000]  }
0x137: {  	v42 =	vld [tilespmem:s16+$0xB080]  }
0x138: {  	v31 =	vld [tilespmem:s16+$0x6200]  }
0x139: {  	v29 =	vld [tilespmem:s16+$0x8180]  }
0x13a: {  	v32 =	vld [tilespmem:s16+$0x9100]  }
0x13b: {  	v57 =	vld [tilespmem:s16+$0xA000]  }
0x13c: {  	v15 =	vld [tilespmem:s16+$0xA080]  }
0x13d: {  	[tilespmem:$0x1F9F0] =	vst v1;
	v1 =	vld [tilespmem:s16+$0x9200]  }
0x13e: {  	v53 =	vld [tilespmem:s16+$0x2380]  }
0x13f: {  	v55 =	vld [tilespmem:s16+$0x3300]  }
0x140: {  	v25 =	vld [tilespmem:s16+$0x5200]  }
0x141: {  	v23 =	vld [tilespmem:s16+$0x7180]  }
0x142: {  	[tilespmem:$0x1F980] =	vst v1;
	v1 =	vld [tilespmem:s16+$0x5380]  }
0x143: {  	v22 =	vld [tilespmem:s16+$0x8100]  }
0x144: {  	v14 =	vld [tilespmem:s16+$0x9000]  }
0x145: {  	v13 =	vld [tilespmem:s16+$0x9080]  }
0x146: {  	v19 =	vld [tilespmem:s16+$0x4200]  }
0x147: {  	[tilespmem:$0x1F9D0] =	vst v1;
	v1 =	vld [tilespmem:s16+$0x6300]  }
0x148: {  	v18 =	vld [tilespmem:s16+$0x6180]  }
0x149: {  	v62 =	vld [tilespmem:s16+$0x8000]  }
0x14a: {  	v10 =	vld [tilespmem:s16+$0x8080]  }
0x14b: {  	v56 =	vld [tilespmem:s16+$0x3200]  }
0x14c: {  	[tilespmem:$0x1F9E0] =	vst v1;
	v1 =	vld [tilespmem:s16+$0x4380]  }
0x14d: {  	v17 =	vld [tilespmem:s16+$0x5180]  }
0x14e: {  	v47 =	vld [tilespmem:s16+$0x7000]  }
0x14f: {  	v51 =	vld [tilespmem:s16+$0x7080]  }
0x150: {  	v38 =	vld [tilespmem:s16+$0x2200]  }
0x151: {  	[tilespmem:$0x1F9B0] =	vst v1;
	v1 =	vld [tilespmem:s16+$0x5300]  }
0x152: {  	v40 =	vld [tilespmem:s16+$0x4180]  }
0x153: {  	v33 =	vld [tilespmem:s16+$0x6000]  }
0x154: {  	v30 =	vld [tilespmem:s16+$0x6080]  }
0x155: {  	v16 =	vld [tilespmem:s16+$0x200]  }
0x156: {  	[tilespmem:$0x1F9C0] =	vst v1;
	v1 =	vld [tilespmem:s16+$0x3380]  }
0x157: {  	v35 =	vld [tilespmem:s16+$0x1200];
	[tilespmem:$0x1FB10] =	vst v21  }
0x158: {  	v2 =	vld [tilespmem:s16+$0x80];
	[tilespmem:$0x1FB20] =	vst v20  }
0x159: {  	v4 =	vld [tilespmem:s16+$0x1000];
	[tilespmem:$0x1FB30] =	vst v36  }
0x15a: {  	v3 =	vld [tilespmem:s16+$0x1080];
	[tilespmem:$0x1FB40] =	vst v42  }
0x15b: {  	[tilespmem:$0x1F990] =	vst v1;
	v1 =	vld [tilespmem:s16+$0x4300]  }
0x15c: {  	v7 =	vld [tilespmem:s16+$0x2000];
	[tilespmem:$0x1FB50] =	vst v57  }
0x15d: {  	v6 =	vld [tilespmem:s16+$0x2080];
	[tilespmem:$0x1FBA0] =	vst v19  }
0x15e: {  	v12 =	vld [tilespmem:s16+$0x3000];
	[tilespmem:$0x1FBC0] =	vst v62  }
0x15f: {  	v5 =	vld [tilespmem:s16+$0x3080];
	[tilespmem:$0x1FBD0] =	vst v10  }
0x160: {  	[tilespmem:$0x1F9A0] =	vst v1;
	v1 =	vld [tilespmem:s16+$0x0]  }
0x161: {  	v43 =	vld [tilespmem:s16+$0x4000];
	[tilespmem:$0x1FBE0] =	vst v56  }
0x162: {  	v44 =	vld [tilespmem:s16+$0x4080];
	[tilespmem:$0x1FC00] =	vst v47  }
0x163: {  	v8 =	vld [tilespmem:s16+$0x5080];
	[tilespmem:$0x1FC10] =	vst v51  }
0x164: {  	v24 =	vld [tilespmem:s16+$0x5000];
	[tilespmem:$0x1FDE0] =	vst v3;
	v3 =	vmax.f32 v2, v3  }
0x165: {  	v11 =	vld [tilespmem:s16+$0x3180];
	v3 =	vmax.f32 v3, v6;
	[tilespmem:$0x1FDF0] =	vst v1;
	v1 =	vmax.f32 v1, v4  }
0x166: {  	[tilespmem:$0x1FE00] =	vst v2;
	v2 =	vld [tilespmem:s16+$0x100];
	v3 =	vmax.f32 v3, v5;
	v1 =	vmax.f32 v1, v7  }
0x167: {  	[tilespmem:$0x1FDB0] =	vst v6;
	v6 =	vld [tilespmem:s16+$0x180];
	v3 =	vmax.f32 v3, v44;
	v1 =	vmax.f32 v1, v12  }
0x168: {  	[tilespmem:$0x1FD70] =	vst v5;
	v5 =	vld [tilespmem:s16+$0x2100];
	v3 =	vmax.f32 v3, v8;
	v1 =	vmax.f32 v1, v43  }
0x169: {  	[tilespmem:$0x1FCD0] =	vst v8;
	v8 =	vld [tilespmem:s16+$0x1180];
	v3 =	vmax.f32 v3, v30;
	v1 =	vmax.f32 v1, v24  }
0x16a: {  	[tilespmem:$0x1FDD0] =	vst v4;
	v3 =	vmax.f32 v3, v51;
	v4 =	vld [tilespmem:s16+$0x1100];
	v1 =	vmax.f32 v1, v33  }
0x16b: {  	[tilespmem:$0x1FC20] =	vst v38;
	v3 =	vmax.f32 v3, v10;
	v10 =	vld [tilespmem:s16+$0x3100];
	v1 =	vmax.f32 v1, v47  }
0x16c: {  	[tilespmem:$0x1FDA0] =	vst v7;
	v7 =	vld [tilespmem:s16+$0x2180];
	v1 =	vmax.f32 v1, v62  }
0x16d: {  	[tilespmem:$0x1FC30] =	vst v40;
	v62 =	vld [tilespmem:s16+$0x4100];
	v1 =	vmax.f32 v1, v14  }
0x16e: {  	[tilespmem:$0x1FC40] =	vst v33;
	v3 =	vmax.f32 v3, v13;
	v1 =	vmax.f32 v1, v57;
	v57 =	vld [tilespmem:s16+$0x5100]  }
0x16f: {  	v3 =	vmax.f32 v3, v15;
	[tilespmem:$0x1FD90] =	vst v4;
	v4 =	vmax.f32 v2, v4;
	v47 =	vld [tilespmem:s16+$0x6100]  }
0x170: {  	[tilespmem:$0x1FD20] =	vst v44;
	v44 =	vld [tilespmem:s16+$0x7100];
	v3 =	vmax.f32 v3, v42;
	v4 =	vmax.f32 v4, v5  }
0x171: {  	[tilespmem:$0x1FC50] =	vst v30;
	v30 =	vld [tilespmem:s16+$0x2280];
	v3 =	vmax.f32 v3, v20;
	v4 =	vmax.f32 v4, v10;
	v1 =	vmax.f32 v1, v36  }
0x172: {  	v51 =	vld [tilespmem:s16+$0x3280];
	[tilespmem:$0x1FD50] =	vst v5;
	v5 =	vmax.f32 v6, v8;
	v1 =	vmax.f32 v1, v21;
	v4 =	vmax.f32 v4, v62  }
0x173: {  	s31 =	sor.u32 s15, s15;
	[tilespmem:$0x1FCC0] =	vst v16;
	v42 =	vld [tilespmem:s16+$0x1280];
	v1 =	vmax.f32 v1, v3;
	v3 =	vmax.f32 v5, v7;
	v4 =	vmax.f32 v4, v57  }
0x174: {  	s0 =	sor.u32 $0x380, s31;
	[tilespmem:$0x1FD60] =	vst v12;
	v12 =	vld [tilespmem:s16+$0x4280];
	v3 =	vmax.f32 v3, v11;
	v4 =	vmax.f32 v4, v47  }
0x175: {  	[tilespmem:$0x1FD10] =	vst v43;
	v43 =	vld [tilespmem:s0+$0x0];
	v3 =	vmax.f32 v3, v40;
	v4 =	vmax.f32 v4, v44  }
0x176: {  	[tilespmem:$0x1FCA0] =	vst v24;
	v24 =	vld [tilespmem:s16+$0x5280];
	v5 =	vmax.f32 v16, v35;
	v3 =	vmax.f32 v3, v17;
	v4 =	vmax.f32 v4, v22  }
0x177: {  	[tilespmem:$0x1FC70] =	vst v11;
	v36 =	vld [tilespmem:s16+$0x1380];
	v5 =	vmax.f32 v5, v38;
	v3 =	vmax.f32 v3, v18;
	v4 =	vmax.f32 v4, v32  }
0x178: {  	v33 =	vld [tilespmem:s16+$0x2300];
	v21 =	vmovc v29;
	v5 =	vmax.f32 v5, v56;
	v3 =	vmax.f32 v3, v23;
	v4 =	vmax.f32 v4, v37  }
0x179: {  	v5 =	vmax.f32 v5, v19;
	v3 =	vmax.f32 v3, v29;
	v29 =	vmovc v45;
	v4 =	vmax.f32 v4, v45;
	v45 =	vld [tilespmem:$0x1F980]  }
0x17a: {  	[tilespmem:$0x1FD80] =	vst v6;
	v38 =	vld [tilespmem:s16+$0x1300];
	v5 =	vmax.f32 v5, v25  }
0x17b: {  	[tilespmem:$0x1FD40] =	vst v8;
	v40 =	vld [tilespmem:s16+$0x280];
	v5 =	vmax.f32 v5, v31  }
0x17c: {  	v20 =	vmovc v53;
	v56 =	vld [tilespmem:s16+$0x300];
	v8 =	vmax.f32 v43, v36;
	v5 =	vmax.f32 v5, v28;
	v3 =	vmax.f32 v3, v34  }
0x17d: {  	[tilespmem:$0x1FD00] =	vst v10;
	v10 =	vld [tilespmem:s16+$0x7280];
	v8 =	vmax.f32 v8, v53;
	v5 =	vmax.f32 v5, v48;
	v3 =	vmax.f32 v3, v46  }
0x17e: {  	[tilespmem:$0x1FCF0] =	vst v7;
	v11 =	vld [tilespmem:s16+$0x6280];
	v3 =	vmax.f32 v3, v26;
	v6 =	vmax.f32 v4, v27;
	v5 =	vmax.f32 v5, v45  }
0x17f: {  	v16 =	vmovc v23;
	v53 =	vld [tilespmem:$0x1F9A0];
	v1 =	vmax.f32 v1, v6;
	v3 =	vmax.f32 v3, v61;
	v5 =	vmax.f32 v5, v60  }
0x180: {  	v19 =	vmovc v32;
	v32 =	vld [tilespmem:$0x1F9F0];
	v1 =	vmax.f32 v1, v3;
	v3 =	vmax.f32 v5, v59;
	v5 =	vmax.f32 v40, v42  }
0x181: {  	v23 =	vmovc v37;
	v37 =	vld [tilespmem:$0x1F9E0];
	v7 =	vmax.f32 v1, v3;
	v3 =	vmax.f32 v5, v30;
	v5 =	vmax.f32 v56, v38  }
0x182: {  	[tilespmem:$0x1FB00] =	vst v27;
	v27 =	vld [tilespmem:$0x1F9B0];
	v5 =	vmax.f32 v5, v33  }
0x183: {  	[tilespmem:$0x1FBB0] =	vst v18;
	v18 =	vmov v55;
	v5 =	vmax.f32 v5, v55;
	v55 =	vld [tilespmem:$0x1F990]  }
0x184: {  	[tilespmem:$0x1FBF0] =	vst v17;
	v17 =	vmovc v25;
	v25 =	vmov v34;
	v34 =	vmov v48;
	v48 =	vmov v26;
	v26 =	vld [tilespmem:$0x1F9C0]  }
0x185: {  	[tilespmem:$0x1FB70] =	vst v22;
	v22 =	vmov v31;
	v31 =	vmov v46;
	v46 =	vld [tilespmem:$0x1F9D0]  }
0x186: {  	v6 =	vld [tilespmem:s16+$0x8280];
	v3 =	vmax.f32 v3, v51  }
0x187: {  	v4 =	vld [tilespmem:s16+$0x9280];
	v3 =	vmax.f32 v3, v12  }
0x188: {  	[tilespmem:$0x1FB80] =	vst v14;
	v14 =	vld [tilespmem:s16+$0xA280];
	v5 =	vmax.f32 v5, v53;
	v3 =	vmax.f32 v3, v24;
	v8 =	vmax.f32 v8, v55  }
0x189: {  	[tilespmem:$0x1FB90] =	vst v13;
	v13 =	vld [tilespmem:s16+$0xB280];
	v5 =	vmax.f32 v5, v26;
	v3 =	vmax.f32 v3, v11;
	v1 =	vmax.f32 v8, v27  }
0x18a: {  	[tilespmem:$0x1FDC0] =	vst v2;
	v2 =	vmax.f32 v5, v37;
	v3 =	vmax.f32 v3, v10;
	v8 =	vld [tilespmem:s16+$0xB300];
	v1 =	vmax.f32 v1, v46  }
0x18b: {  	v5 =	vld [tilespmem:s16+$0xB380];
	v2 =	vmax.f32 v2, v32;
	v3 =	vmax.f32 v3, v6;
	v1 =	vmax.f32 v1, v63  }
0x18c: {  	v2 =	vmax.f32 v2, v58;
	v3 =	vmax.f32 v3, v4;
	v1 =	vmax.f32 v1, v54  }
0x18d: {  	v2 =	vmax.f32 v2, v50;
	v3 =	vmax.f32 v3, v14;
	v1 =	vmax.f32 v1, v52  }
0x18e: {  	v2 =	vmax.f32 v2, v39;
	v3 =	vmax.f32 v3, v13;
	v1 =	vmax.f32 v1, v49  }
0x18f: {  	v3 =	vmax.f32 v7, v3;
	v2 =	vmax.f32 v2, v8;
	v1 =	vmax.f32 v1, v41  }
0x190: {  	v2 =	vmax.f32 v3, v2;
	v1 =	vmax.f32 v1, v5  }
0x191: {  	v1 =	vmax.f32 v2, v1  }
0x192: {  	v3 =	vmul.f32 $3.000000000e+01, v49;
	v2 =	vmul.f32 $3.000000000e+01, v1;
	_ =	sdelay $0x1  }
0x193: {  	v1 =	vsub.f32 v3, v2  }
0x194: {  	v3 =	vmul.f32 $3.000000000e+01, v52  }
0x195: {  	v1 =	vmul.f32 $1.442695020e+00, v1  }
0x196: {  	v7 =	vmul.f32 $3.000000000e+01, v50;
	v3 =	vsub.f32 v3, v2  }
0x197: {  	(erf) = vpow2.f32 v1  }
0x198: {  	v1 =	vsub.f32 v7, v2;
	v7 =	vmul.f32 $3.000000000e+01, v54;
	v3 =	vmul.f32 $1.442695020e+00, v3;
	_ =	sdelay $0x1  }
0x199: {  	(erf) = vpow2.f32 v3;
	v3 =	vsub.f32 v7, v2  }
0x19a: {  	[tilespmem:$0x1FB60] =	vst v15;
	v15 =	vmul.f32 $3.000000000e+01, v58;
	v1 =	vmul.f32 $1.442695020e+00, v1  }
0x19b: {  	v4 =	vmul.f32 $3.000000000e+01, v4;
	v3 =	vmul.f32 $1.442695020e+00, v3  }
0x19c: {  	(erf) = vpow2.f32 v1;
	v1 =	vsub.f32 v15, v2  }
0x19d: {  	(erf) = vpow2.f32 v3;
	v3 =	vsub.f32 v4, v2  }
0x19e: {  	v7 =	vmul.f32 $3.000000000e+01, v63;
	v1 =	vmul.f32 $1.442695020e+00, v1  }
0x19f: {  	v4 =	vmul.f32 $3.000000000e+01, v32;
	v3 =	vmul.f32 $1.442695020e+00, v3  }
0x1a0: {  	(erf) = vpow2.f32 v1;
	v1 =	vsub.f32 v7, v2  }
0x1a1: {  	(erf) = vpow2.f32 v3;
	v3 =	vsub.f32 v4, v2  }
0x1a2: {  	v6 =	vmul.f32 $3.000000000e+01, v6;
	v1 =	vmul.f32 $1.442695020e+00, v1  }
0x1a3: {  	v4 =	vmul.f32 $3.000000000e+01, v45;
	v3 =	vmul.f32 $1.442695020e+00, v3  }
0x1a4: {  	(erf) = vpow2.f32 v1;
	v1 =	vsub.f32 v6, v2  }
0x1a5: {  	(erf) = vpow2.f32 v3;
	v3 =	vsub.f32 v4, v2  }
0x1a6: {  	v6 =	vmul.f32 $3.000000000e+01, v46;
	v1 =	vmul.f32 $1.442695020e+00, v1  }
0x1a7: {  	v4 =	vmul.f32 $3.000000000e+01, v37;
	v3 =	vmul.f32 $1.442695020e+00, v3  }
0x1a8: {  	(erf) = vpow2.f32 v1;
	v1 =	vsub.f32 v6, v2  }
0x1a9: {  	(erf) = vpow2.f32 v3;
	v3 =	vsub.f32 v4, v2;
	v4 =	vmul.f32 $3.000000000e+01, v34  }
0x1aa: {  	v1 =	vmul.f32 $1.442695020e+00, v1  }
0x1ab: {  	v6 =	vmul.f32 $3.000000000e+01, v10;
	v3 =	vmul.f32 $1.442695020e+00, v3  }
0x1ac: {  	(erf) = vpow2.f32 v1  }
0x1ad: {  	v1 =	vsub.f32 v6, v2;
	(erf) = vpow2.f32 v3;
	v3 =	vsub.f32 v4, v2;
	v4 =	vpop (erf)  }
0x1ae: {  	[tilespmem:$0x1FA00] =	vst v4;
	v4 =	vmul.f32 $3.000000000e+01, v29  }
0x1af: {  	v1 =	vmul.f32 $1.442695020e+00, v1  }
0x1b0: {  	v6 =	vmul.f32 $3.000000000e+01, v31;
	v3 =	vmul.f32 $1.442695020e+00, v3  }
0x1b1: {  	v7 =	vpop (erf);
	(erf) = vpow2.f32 v1  }
0x1b2: {  	v1 =	vsub.f32 v6, v2;
	(erf) = vpow2.f32 v3;
	v3 =	vsub.f32 v4, v2;
	v4 =	vpop (erf)  }
0x1b3: {  	[tilespmem:$0x1FA20] =	vst v4;
	v4 =	vmul.f32 $3.000000000e+01, v26  }
0x1b4: {  	v1 =	vmul.f32 $1.442695020e+00, v1  }
0x1b5: {  	v6 =	vmul.f32 $3.000000000e+01, v27;
	v3 =	vmul.f32 $1.442695020e+00, v3  }
0x1b6: {  	[tilespmem:$0x1FA10] =	vst v7;
	(erf) = vpow2.f32 v1;
	v7 =	vpop (erf)  }
0x1b7: {  	v1 =	vsub.f32 v6, v2;
	(erf) = vpow2.f32 v3;
	v3 =	vsub.f32 v4, v2;
	v4 =	vpop (erf)  }
0x1b8: {  	[tilespmem:$0x1FA40] =	vst v4;
	v4 =	vmul.f32 $3.000000000e+01, v28  }
0x1b9: {  	v6 =	vmul.f32 $3.000000000e+01, v11;
	v1 =	vmul.f32 $1.442695020e+00, v1  }
0x1ba: {  	v3 =	vmul.f32 $1.442695020e+00, v3  }
0x1bb: {  	[tilespmem:$0x1FA30] =	vst v7;
	(erf) = vpow2.f32 v1;
	v1 =	vsub.f32 v6, v2;
	v7 =	vpop (erf)  }
0x1bc: {  	v6 =	vmul.f32 $3.000000000e+01, v25;
	(erf) = vpow2.f32 v3;
	v3 =	vsub.f32 v4, v2;
	v4 =	vpop (erf)  }
0x1bd: {  	v1 =	vmul.f32 $1.442695020e+00, v1;
	[tilespmem:$0x1FA60] =	vst v4;
	v4 =	vmul.f32 $3.000000000e+01, v23  }
0x1be: {  	v3 =	vmul.f32 $1.442695020e+00, v3  }
0x1bf: {  	(erf) = vpow2.f32 v1;
	v1 =	vsub.f32 v6, v2  }
0x1c0: {  	[tilespmem:$0x1FA50] =	vst v7;
	v7 =	vpop (erf);
	(erf) = vpow2.f32 v3;
	v3 =	vsub.f32 v4, v2  }
0x1c1: {  	v1 =	vmul.f32 $1.442695020e+00, v1;
	v4 =	vpop (erf)  }
0x1c2: {  	v3 =	vmul.f32 $1.442695020e+00, v3;
	[tilespmem:$0x1FA80] =	vst v4;
	v4 =	vmul.f32 $3.000000000e+01, v53  }
0x1c3: {  	(erf) = vpow2.f32 v1  }
0x1c4: {  	[tilespmem:$0x1FA70] =	vst v7;
	v7 =	vpop (erf);
	(erf) = vpow2.f32 v3;
	v3 =	vsub.f32 v4, v2;
	v4 =	vmul.f32 $3.000000000e+01, v22;
	v22 =	vld [tilespmem:$0x1FB90];
	_ =	sdelay $0x4  }
0x1c5: {  	v23 =	vmul.f32 $3.000000000e+01, v22;
	v22 =	vld [tilespmem:$0x1FBA0];
	_ =	sdelay $0x1  }
0x1c6: {  	v6 =	vmul.f32 $3.000000000e+01, v55;
	_ =	sdelay $0x1  }
0x1c7: {  	v1 =	vsub.f32 v6, v2  }
0x1c8: {  	v29 =	vmul.f32 $3.000000000e+01, v22;
	v22 =	vld [tilespmem:$0x1FBB0]  }
0x1c9: {  	v6 =	vmul.f32 $3.000000000e+01, v24;
	v1 =	vmul.f32 $1.442695020e+00, v1;
	_ =	sdelay $0x1  }
0x1ca: {  	[tilespmem:$0x1FC60] =	vst v35;
	v35 =	vmov v39;
	v39 =	vpop (erf);
	(erf) = vpow2.f32 v1;
	v1 =	vsub.f32 v6, v2  }
0x1cb: {  	v6 =	vmul.f32 $3.000000000e+01, v21;
	v3 =	vmul.f32 $1.442695020e+00, v3  }
0x1cc: {  	[tilespmem:$0x1FA90] =	vst v7;
	v7 =	vpop (erf);
	v1 =	vmul.f32 $1.442695020e+00, v1;
	v31 =	vmul.f32 $3.000000000e+01, v22;
	v22 =	vld [tilespmem:$0x1FBC0]  }
0x1cd: {  	v24 =	vmul.f32 $3.000000000e+01, v36;
	[tilespmem:$0x1FAA0] =	vst v7;
	(erf) = vpow2.f32 v3;
	v3 =	vsub.f32 v4, v2;
	v4 =	vpop (erf)  }
0x1ce: {  	[tilespmem:$0x1FAB0] =	vst v4;
	(erf) = vpow2.f32 v1;
	v1 =	vsub.f32 v6, v2;
	v4 =	vmul.f32 $3.000000000e+01, v19;
	v7 =	vpop (erf)  }
0x1cf: {  	v6 =	vmul.f32 $3.000000000e+01, v20;
	v3 =	vmul.f32 $1.442695020e+00, v3;
	[tilespmem:$0x1FAC0] =	vst v7;
	v7 =	vpop (erf)  }
0x1d0: {  	v1 =	vmul.f32 $1.442695020e+00, v1;
	[tilespmem:$0x1FAD0] =	vst v7;
	v7 =	vmul.f32 $3.000000000e+01, v17  }
0x1d1: {  	v4 =	vsub.f32 v4, v2;
	(erf) = vpow2.f32 v3;
	v36 =	vmul.f32 $3.000000000e+01, v22;
	v22 =	vld [tilespmem:$0x1FBD0]  }
0x1d2: {  	v6 =	vsub.f32 v6, v2;
	v3 =	vmul.f32 $3.000000000e+01, v18;
	(erf) = vpow2.f32 v1  }
0x1d3: {  	v1 =	vmul.f32 $3.000000000e+01, v12;
	v4 =	vmul.f32 $1.442695020e+00, v4  }
0x1d4: {  	v34 =	vmul.f32 $3.000000000e+01, v44;
	v6 =	vmul.f32 $1.442695020e+00, v6;
	v3 =	vsub.f32 v3, v2  }
0x1d5: {  	v11 =	vpop (erf);
	v1 =	vsub.f32 v1, v2;
	(erf) = vpow2.f32 v4;
	v4 =	vsub.f32 v7, v2  }
0x1d6: {  	v3 =	vmul.f32 $1.442695020e+00, v3;
	v44 =	vmul.f32 $3.000000000e+01, v22;
	v22 =	vld [tilespmem:$0x1FBE0]  }
0x1d7: {  	v55 =	vpop (erf);
	(erf) = vpow2.f32 v6;
	v1 =	vmul.f32 $1.442695020e+00, v1  }
0x1d8: {  	v58 =	vpop (erf);
	(erf) = vpow2.f32 v3;
	v3 =	vmul.f32 $1.442695020e+00, v4  }
0x1d9: {  	v4 =	vpop (erf);
	(erf) = vpow2.f32 v1  }
0x1da: {  	v37 =	vpop (erf);
	(erf) = vpow2.f32 v3  }
0x1db: {  	v3 =	vmul.f32 $3.000000000e+01, v41;
	v41 =	vmul.f32 $3.000000000e+01, v22;
	v22 =	vld [tilespmem:$0x1FBF0];
	_ =	sdelay $0x4  }
0x1dc: {  	v22 =	vmul.f32 $3.000000000e+01, v22;
	_ =	sdelay $0x1  }
0x1dd: {  	[tilespmem:$0x1FF20] =	vst v22;
	v22 =	vmul.f32 $3.000000000e+01, v47;
	_ =	sdelay $0x1  }
0x1de: {  	[tilespmem:$0x1FF30] =	vst v22;
	v22 =	vld [tilespmem:$0x1FC00];
	_ =	sdelay $0x4  }
0x1df: {  	v22 =	vmul.f32 $3.000000000e+01, v22;
	_ =	sdelay $0x1  }
0x1e0: {  	[tilespmem:$0x1FF40] =	vst v22;
	v22 =	vld [tilespmem:$0x1FC10];
	_ =	sdelay $0x4  }
0x1e1: {  	v22 =	vmul.f32 $3.000000000e+01, v22;
	_ =	sdelay $0x1  }
0x1e2: {  	[tilespmem:$0x1FF50] =	vst v22;
	v22 =	vmul.f32 $3.000000000e+01, v56;
	_ =	sdelay $0x1  }
0x1e3: {  	[tilespmem:$0x1FF60] =	vst v22;
	v22 =	vmul.f32 $3.000000000e+01, v42;
	_ =	sdelay $0x1  }
0x1e4: {  	[tilespmem:$0x1FF70] =	vst v22;
	v22 =	vld [tilespmem:$0x1FC20];
	_ =	sdelay $0x4  }
0x1e5: {  	v22 =	vmul.f32 $3.000000000e+01, v22;
	_ =	sdelay $0x1  }
0x1e6: {  	[tilespmem:$0x1FF80] =	vst v22;
	v22 =	vld [tilespmem:$0x1FC30];
	_ =	sdelay $0x4  }
0x1e7: {  	v22 =	vmul.f32 $3.000000000e+01, v22;
	_ =	sdelay $0x1  }
0x1e8: {  	[tilespmem:$0x1FF90] =	vst v22;
	v22 =	vmul.f32 $3.000000000e+01, v57;
	_ =	sdelay $0x1  }
0x1e9: {  	[tilespmem:$0x1FFA0] =	vst v22;
	v22 =	vld [tilespmem:$0x1FC40];
	_ =	sdelay $0x4  }
0x1ea: {  	v22 =	vmul.f32 $3.000000000e+01, v22;
	_ =	sdelay $0x1  }
0x1eb: {  	[tilespmem:$0x1FFB0] =	vst v22;
	v22 =	vmul.f32 $3.000000000e+01, v40;
	_ =	sdelay $0x1  }
0x1ec: {  	[tilespmem:$0x1FFD0] =	vst v22;
	v22 =	vld [tilespmem:$0x1FC50];
	_ =	sdelay $0x4  }
0x1ed: {  	v22 =	vmul.f32 $3.000000000e+01, v22;
	_ =	sdelay $0x1  }
0x1ee: {  	[tilespmem:$0x1FFC0] =	vst v22;
	v22 =	vld [tilespmem:$0x1FC60];
	_ =	sdelay $0x4  }
0x1ef: {  	v47 =	vmul.f32 $3.000000000e+01, v22;
	v22 =	vld [tilespmem:$0x1FC70];
	_ =	sdelay $0x4  }
0x1f0: {  	v22 =	vmul.f32 $3.000000000e+01, v22;
	_ =	sdelay $0x1  }
0x1f1: {  	[tilespmem:$0x1FC80] =	vst v22;
	v22 =	vmul.f32 $3.000000000e+01, v62;
	_ =	sdelay $0x1  }
0x1f2: {  	[tilespmem:$0x1FC90] =	vst v22;
	v22 =	vld [tilespmem:$0x1FCA0];
	_ =	sdelay $0x4  }
0x1f3: {  	v10 =	vmul.f32 $3.000000000e+01, v16;
	v22 =	vmul.f32 $3.000000000e+01, v22;
	_ =	sdelay $0x1  }
0x1f4: {  	v6 =	vsub.f32 v10, v2;
	[tilespmem:$0x1FCB0] =	vst v22;
	v22 =	vld [tilespmem:$0x1FCC0];
	_ =	sdelay $0x1  }
0x1f5: {  	v15 =	vld [tilespmem:$0x1FB20];
	v1 =	vmul.f32 $1.442695020e+00, v6  }
0x1f6: {  	v16 =	vld [tilespmem:$0x1FB30]  }
0x1f7: {  	v25 =	vpop (erf);
	(erf) = vpow2.f32 v1  }
0x1f8: {  	v1 =	vmul.f32 $3.000000000e+01, v5;
	v28 =	vmul.f32 $3.000000000e+01, v22;
	v22 =	vld [tilespmem:$0x1FCD0]  }
0x1f9: {  	v32 =	vmul.f32 $3.000000000e+01, v38;
	v21 =	vld [tilespmem:$0x1FB80]  }
0x1fa: {  	v15 =	vmul.f32 $3.000000000e+01, v15;
	v6 =	vmul.f32 $3.000000000e+01, v13;
	v13 =	vld [tilespmem:$0x1FB00];
	v1 =	vsub.f32 v1, v2  }
0x1fb: {  	v16 =	vmul.f32 $3.000000000e+01, v16;
	[tilespmem:$0x1FAF0] =	vst v4;
	v4 =	vmul.f32 $3.000000000e+01, v8  }
0x1fc: {  	v12 =	vmul.f32 $3.000000000e+01, v48;
	v1 =	vmul.f32 $1.442695020e+00, v1  }
0x1fd: {  	v7 =	vmul.f32 $3.000000000e+01, v14;
	v14 =	vld [tilespmem:$0x1FB10];
	v4 =	vsub.f32 v4, v2;
	v22 =	vmul.f32 $3.000000000e+01, v22  }
0x1fe: {  	v27 =	vmul.f32 $3.000000000e+01, v33;
	v21 =	vmul.f32 $3.000000000e+01, v21;
	v6 =	vsub.f32 v6, v2;
	[tilespmem:$0x1FE10] =	vst v1  }
0x1ff: {  	v13 =	vmul.f32 $3.000000000e+01, v13;
	v4 =	vmul.f32 $1.442695020e+00, v4;
	v1 =	vsub.f32 v12, v2;
	[tilespmem:$0x1FCE0] =	vst v22;
	v22 =	vld [tilespmem:$0x1FCF0]  }
0x200: {  	v19 =	vld [tilespmem:$0x1FB60];
	[tilespmem:$0x1FAE0] =	vst v11;
	v11 =	vmul.f32 $3.000000000e+01, v61;
	v7 =	vsub.f32 v7, v2;
	v6 =	vmul.f32 $1.442695020e+00, v6  }
0x201: {  	v20 =	vld [tilespmem:$0x1FB70];
	v8 =	vmul.f32 $3.000000000e+01, v59;
	[tilespmem:$0x1FE30] =	vst v4;
	v4 =	vsub.f32 v13, v2;
	v1 =	vmul.f32 $1.442695020e+00, v1  }
0x202: {  	v0 =	vadd.f32 v9, v0;
	v18 =	vld [tilespmem:$0x1FB50];
	v14 =	vmul.f32 $3.000000000e+01, v14;
	[tilespmem:$0x1FE50] =	vst v6;
	v6 =	vmul.f32 $1.442695020e+00, v7  }
0x203: {  	v17 =	vld [tilespmem:$0x1FB40];
	v48 =	vmul.f32 $3.000000000e+01, v43;
	v8 =	vsub.f32 v8, v2;
	[tilespmem:$0x1FEA0] =	vst v1;
	v1 =	vmul.f32 $1.442695020e+00, v4  }
0x204: {  	v10 =	vmul.f32 $3.000000000e+01, v60;
	[tilespmem:$0x1FE60] =	vst v6;
	v6 =	vsub.f32 v14, v2;
	v45 =	vmul.f32 $3.000000000e+01, v22;
	v22 =	vld [tilespmem:$0x1FD00]  }
0x205: {  	v19 =	vmul.f32 $3.000000000e+01, v19;
	v7 =	vmul.f32 $1.442695020e+00, v8;
	[tilespmem:$0x1FEB0] =	vst v1;
	v1 =	vsub.f32 v16, v2  }
0x206: {  	v20 =	vmul.f32 $3.000000000e+01, v20;
	v10 =	vsub.f32 v10, v2;
	v6 =	vmul.f32 $1.442695020e+00, v6  }
0x207: {  	v18 =	vmul.f32 $3.000000000e+01, v18;
	[tilespmem:$0x1FE70] =	vst v7;
	v7 =	vsub.f32 v15, v2;
	v1 =	vmul.f32 $1.442695020e+00, v1  }
0x208: {  	v11 =	vsub.f32 v11, v2;
	v17 =	vmul.f32 $3.000000000e+01, v17;
	v8 =	vmul.f32 $1.442695020e+00, v10;
	[tilespmem:$0x1FEC0] =	vst v6  }
0x209: {  	v6 =	vmul.f32 $1.442695020e+00, v7;
	[tilespmem:$0x1FEE0] =	vst v1;
	v1 =	vsub.f32 v18, v2;
	v38 =	vmul.f32 $3.000000000e+01, v22;
	v22 =	vld [tilespmem:$0x1FD10]  }
0x20a: {  	v5 =	vmul.f32 $3.000000000e+01, v35;
	[tilespmem:$0x1FE80] =	vst v8;
	v8 =	vmul.f32 $1.442695020e+00, v11;
	v4 =	vsub.f32 v17, v2  }
0x20b: {  	v7 =	vsub.f32 v21, v2;
	[tilespmem:$0x1FED0] =	vst v6;
	v6 =	vsub.f32 v19, v2;
	v1 =	vmul.f32 $1.442695020e+00, v1  }
0x20c: {  	v35 =	vmul.f32 $3.000000000e+01, v51;
	v33 =	vsub.f32 v5, v2;
	[tilespmem:$0x1FE90] =	vst v8;
	v4 =	vmul.f32 $1.442695020e+00, v4  }
0x20d: {  	v61 =	vld [tilespmem:$0x1FE00];
	v8 =	vsub.f32 v31, v2;
	v43 =	vmul.f32 $1.442695020e+00, v7;
	[tilespmem:$0x1FF00] =	vst v1;
	v1 =	vmul.f32 $1.442695020e+00, v6  }
0x20e: {  	v7 =	vsub.f32 v35, v2;
	[tilespmem:$0x1FEF0] =	vst v4;
	v6 =	vsub.f32 v27, v2;
	v51 =	vmul.f32 $3.000000000e+01, v22;
	v22 =	vld [tilespmem:$0x1FD20]  }
0x20f: {  	v30 =	vmul.f32 $3.000000000e+01, v30;
	v60 =	vld [tilespmem:$0x1FDF0];
	v4 =	vsub.f32 v20, v2;
	[tilespmem:$0x1FF10] =	vst v1;
	v1 =	vsub.f32 v23, v2  }
0x210: {  	v10 =	vmul.f32 $1.442695020e+00, v6;
	v6 =	vmul.f32 $1.442695020e+00, v8;
	v8 =	vsub.f32 v48, v2  }
0x211: {  	[tilespmem:$0x1FD30] =	vst v0;
	v0 =	vld [tilespmem:$0x1FD40];
	v11 =	vmul.f32 $1.442695020e+00, v7;
	v54 =	vmul.f32 $1.442695020e+00, v4;
	v4 =	vsub.f32 v24, v2  }
0x212: {  	v59 =	vld [tilespmem:$0x1FDE0];
	v7 =	vsub.f32 v34, v2;
	v21 =	vmul.f32 $1.442695020e+00, v8;
	v42 =	vmul.f32 $1.442695020e+00, v1  }
0x213: {  	v8 =	vld [tilespmem:$0x1FF20];
	v1 =	vmul.f32 $1.442695020e+00, v4;
	v50 =	vmul.f32 $3.000000000e+01, v22;
	v22 =	vsub.f32 v3, v2  }
0x214: {  	v4 =	vsub.f32 v29, v2;
	v62 =	vmul.f32 $3.000000000e+01, v60;
	v60 =	vmul.f32 $3.000000000e+01, v61  }
0x215: {  	v61 =	vmul.f32 $1.442695020e+00, v7;
	v7 =	vsub.f32 v44, v2;
	v12 =	vmul.f32 $1.442695020e+00, v22  }
0x216: {  	v56 =	vmul.f32 $3.000000000e+01, v0;
	v20 =	vmul.f32 $1.442695020e+00, v4;
	v4 =	vsub.f32 v36, v2  }
0x217: {  	v26 =	vmul.f32 $1.442695020e+00, v7;
	v7 =	vsub.f32 v41, v2;
	[tilespmem:$0x1FE20] =	vst v12;
	v12 =	vmul.f32 $1.442695020e+00, v33  }
0x218: {  	v8 =	vsub.f32 v8, v2;
	v0 =	vld [tilespmem:$0x1FD50];
	v57 =	vmul.f32 $3.000000000e+01, v59;
	v59 =	vmul.f32 $1.442695020e+00, v4  }
0x219: {  	v4 =	vsub.f32 v32, v2;
	v31 =	vmul.f32 $1.442695020e+00, v7;
	v7 =	vld [tilespmem:$0x1FF30];
	[tilespmem:$0x1FE40] =	vst v12;
	v12 =	vsub.f32 v30, v2  }
0x21a: {  	v16 =	vmul.f32 $1.442695020e+00, v8;
	v8 =	vld [tilespmem:$0x1FF50]  }
0x21b: {  	v32 =	vmul.f32 $1.442695020e+00, v4;
	v4 =	vmul.f32 $1.442695020e+00, v12;
	v12 =	vld [tilespmem:$0x1FF40];
	_ =	sdelay $0x2  }
0x21c: {  	v53 =	vmul.f32 $3.000000000e+01, v0;
	v0 =	vld [tilespmem:$0x1FD60];
	v7 =	vsub.f32 v7, v2  }
0x21d: {  	v14 =	vsub.f32 v8, v2;
	v8 =	vld [tilespmem:$0x1FF60]  }
0x21e: {  	v13 =	vsub.f32 v12, v2;
	v12 =	vmul.f32 $1.442695020e+00, v7;
	v7 =	vld [tilespmem:$0x1FF70];
	_ =	sdelay $0x1  }
0x21f: {  	v9 =	vld [tilespmem:$0x1FDD0]  }
0x220: {  	v3 =	vld [tilespmem:$0x1FD90]  }
0x221: {  	v49 =	vmul.f32 $3.000000000e+01, v0;
	v0 =	vld [tilespmem:$0x1FD70];
	v15 =	vsub.f32 v8, v2  }
0x222: {  	v8 =	vmul.f32 $1.442695020e+00, v13;
	v13 =	vsub.f32 v7, v2;
	v7 =	vmul.f32 $1.442695020e+00, v14;
	v14 =	vld [tilespmem:$0x1FF80]  }
0x223: {  	v5 =	vld [tilespmem:$0x1FDC0]  }
0x224: {  	v30 =	vmul.f32 $1.442695020e+00, v13;
	v13 =	vld [tilespmem:$0x1FF90]  }
0x225: {  	v63 =	vmul.f32 $3.000000000e+01, v3;
	v3 =	vld [tilespmem:$0x1FDA0]  }
0x226: {  	v46 =	vmul.f32 $3.000000000e+01, v0;
	v0 =	vld [tilespmem:$0x1FD80]  }
0x227: {  	v17 =	vld [tilespmem:$0x1FFC0];
	v14 =	vsub.f32 v14, v2  }
0x228: {  	v23 =	vmul.f32 $1.442695020e+00, v15;
	v15 =	vld [tilespmem:$0x1FFA0]  }
0x229: {  	v13 =	vsub.f32 v13, v2;
	v27 =	vmul.f32 $1.442695020e+00, v14;
	v14 =	vld [tilespmem:$0x1FFB0]  }
0x22a: {  	v52 =	vmul.f32 $3.000000000e+01, v3;
	v3 =	vld [tilespmem:$0x1FDB0]  }
0x22b: {  	v34 =	vmul.f32 $1.442695020e+00, v13;
	v13 =	vld [tilespmem:$0x1FFD0]  }
0x22c: {  	v9 =	vmul.f32 $3.000000000e+01, v9;
	v17 =	vsub.f32 v17, v2  }
0x22d: {  	v5 =	vmul.f32 $3.000000000e+01, v5;
	v18 =	vimm.f32 $0.0e+00;
	v15 =	vsub.f32 v15, v2  }
0x22e: {  	v0 =	vmul.f32 $3.000000000e+01, v0;
	v40 =	vmov v25;
	v44 =	vpop (erf);
	v14 =	vsub.f32 v14, v2  }
0x22f: {  	v15 =	vmul.f32 $1.442695020e+00, v15;
	v29 =	vsub.f32 v47, v2;
	v19 =	vpop (erf);
	v3 =	vmul.f32 $3.000000000e+01, v3  }
0x230: {  	s16 =	simm.s32 $0x10;
	[tilespmem:$0x1FFE0] =	vst v18;
	v36 =	vsub.f32 v13, v2;
	v14 =	vmul.f32 $1.442695020e+00, v14;
	v13 =	vmul.f32 $1.442695020e+00, v17;
	v17 =	vpop (erf)  }
.LBB2_4:
0x231: {  	v22 =	vld [tilespmem:$0x1FC80]  }
0x232: {  	(erf) = vpow2.f32 v1;
	v1 =	vld [tilespmem:$0x1FC90];
	_ =	sdelay $0x4  }
0x233: {  	v24 =	vsub.f32 v22, v2;
	v1 =	vsub.f32 v1, v2  }
0x234: {  	v25 =	vmul.f32 $1.442695020e+00, v36;
	v41 =	vpop (erf);
	(erf) = vpow2.f32 v10  }
0x235: {  	v36 =	vpop (erf);
	v48 =	vmul.f32 $1.442695020e+00, v24;
	v24 =	vmul.f32 $1.442695020e+00, v1;
	v1 =	vld [tilespmem:$0x1FCE0]  }
0x236: {  	v10 =	vld [tilespmem:$0x1FCB0];
	(erf) = vpow2.f32 v11;
	v11 =	vpop (erf)  }
0x237: {  	v5 =	vsub.f32 v5, v2;
	[tilespmem:$0x1F260] =	vst v11;
	(erf) = vpow2.f32 v20;
	v11 =	vpop (erf)  }
0x238: {  	v35 =	vsub.f32 v45, v2;
	(erf) = vpow2.f32 v21;
	v22 =	vmul.f32 $1.442695020e+00, v29;
	v29 =	vpop (erf)  }
0x239: {  	v53 =	vsub.f32 v53, v2;
	v47 =	vmul.f32 $1.442695020e+00, v5;
	(erf) = vpow2.f32 v32;
	v21 =	vpop (erf)  }
0x23a: {  	v33 =	vsub.f32 v28, v2;
	(erf) = vpow2.f32 v4;
	v18 =	vsub.f32 v1, v2;
	v1 =	vpop (erf)  }
0x23b: {  	v53 =	vmul.f32 $1.442695020e+00, v53;
	v10 =	vsub.f32 v10, v2;
	(erf) = vpow2.f32 v31;
	v45 =	vpop (erf)  }
0x23c: {  	v33 =	vmul.f32 $1.442695020e+00, v33;
	v4 =	vsub.f32 v51, v2;
	(erf) = vpow2.f32 v23;
	v20 =	vpop (erf)  }
0x23d: {  	v9 =	vsub.f32 v9, v2;
	[tilespmem:$0x1F270] =	vst v11;
	v11 =	vmul.f32 $1.442695020e+00, v10;
	(erf) = vpow2.f32 v30;
	v30 =	vpop (erf)  }
0x23e: {  	v10 =	vmul.f32 $1.442695020e+00, v18;
	v18 =	vsub.f32 v0, v2;
	(erf) = vpow2.f32 v27;
	v27 =	vpop (erf)  }
0x23f: {  	v32 =	vmul.f32 $1.442695020e+00, v4;
	v23 =	vsub.f32 v56, v2;
	(erf) = vpow2.f32 v25;
	v0 =	vpop (erf)  }
0x240: {  	v25 =	vsub.f32 v62, v2;
	v18 =	vmul.f32 $1.442695020e+00, v18;
	(erf) = vpow2.f32 v22;
	v4 =	vpop (erf)  }
0x241: {  	v23 =	vmul.f32 $1.442695020e+00, v23;
	v22 =	vsub.f32 v60, v2;
	(erf) = vpow2.f32 v33;
	v33 =	vpop (erf)  }
0x242: {  	v31 =	vsub.f32 v50, v2;
	v60 =	vmul.f32 $1.442695020e+00, v25;
	(erf) = vpow2.f32 v18;
	v50 =	vpop (erf)  }
0x243: {  	v62 =	vsub.f32 v63, v2;
	v18 =	vmul.f32 $1.442695020e+00, v22;
	(erf) = vpow2.f32 v47;
	v5 =	vpop (erf)  }
0x244: {  	v49 =	vsub.f32 v49, v2;
	v9 =	vmul.f32 $1.442695020e+00, v9;
	(erf) = vpow2.f32 v60;
	v25 =	vpop (erf)  }
0x245: {  	v57 =	vsub.f32 v57, v2;
	v63 =	vmul.f32 $1.442695020e+00, v62;
	(erf) = vpow2.f32 v18;
	v22 =	vpop (erf)  }
0x246: {  	v52 =	vsub.f32 v52, v2;
	v49 =	vmul.f32 $1.442695020e+00, v49;
	(erf) = vpow2.f32 v23;
	v23 =	vpop (erf)  }
0x247: {  	v38 =	vsub.f32 v38, v2;
	v47 =	vmul.f32 $1.442695020e+00, v57;
	(erf) = vpow2.f32 v63;
	v56 =	vpop (erf)  }
0x248: {  	v3 =	vsub.f32 v3, v2;
	s15 =	sadd.s32 $0x80, s15;
	v52 =	vmul.f32 $1.442695020e+00, v52;
	v60 =	vpop (erf);
	(erf) = vpow2.f32 v9  }
0x249: {  	s0 =	sand.u32 $0x70, s16;
	s1 =	sand.u32 $0xC00, s15;
	v28 =	vmul.f32 $1.442695020e+00, v35;
	v18 =	vsub.f32 v46, v2;
	(erf) = vpow2.f32 v47;
	v46 =	vpop (erf)  }
0x24a: {  	s17 =	sor.u32 s0, s1;
	v3 =	vmul.f32 $1.442695020e+00, v3;
	v51 =	vmul.f32 $1.442695020e+00, v38;
	v57 =	vpop (erf)  }
0x24b: {  	v38 =	vld [tilespmem:s17+$0xA380];
	v62 =	vmov v37;
	(erf) = vpow2.f32 v28;
	v28 =	vadd.f32 $0.0e+00, v33;
	v33 =	vpop (erf)  }
0x24c: {  	v37 =	vld [tilespmem:s17+$0xB300];
	v22 =	vadd.f32 $0.0e+00, v22;
	v9 =	vmul.f32 $1.442695020e+00, v18;
	(erf) = vpow2.f32 v53;
	v47 =	vpop (erf)  }
0x24d: {  	v18 =	vmov v58;
	v58 =	vld [tilespmem:s17+$0xB380];
	v53 =	vadd.f32 $0.0e+00, v60;
	(erf) = vpow2.f32 v52;
	v63 =	vpop (erf)  }
0x24e: {  	v52 =	vadd.f32 $0.0e+00, v57;
	(erf) = vpow2.f32 v3;
	v57 =	vadd.f32 $0.0e+00, v47;
	v47 =	vld [tilespmem:s17+$0x9380];
	v35 =	vpop (erf)  }
0x24f: {  	v28 =	vadd.f32 v28, v30;
	v23 =	vadd.f32 v53, v23;
	v53 =	vld [tilespmem:s17+$0x8380];
	(erf) = vpow2.f32 v48;
	v30 =	vpop (erf)  }
0x250: {  	[tilespmem:$0x1F460] =	vst v38;
	v22 =	vadd.f32 v22, v50;
	(erf) = vpow2.f32 v51;
	v51 =	vmov v42;
	v42 =	vld [tilespmem:s17+$0xA300];
	v50 =	vpop (erf)  }
0x251: {  	[tilespmem:$0x1F470] =	vst v37;
	v3 =	vadd.f32 $0.0e+00, v63;
	v48 =	vadd.f32 $0.0e+00, v35;
	(erf) = vpow2.f32 v49;
	v49 =	vld [tilespmem:s17+$0xB280];
	v63 =	vpop (erf)  }
0x252: {  	v33 =	vadd.f32 $0.0e+00, v33;
	[tilespmem:$0x1F480] =	vst v58;
	(erf) = vpow2.f32 v9;
	v9 =	vadd.f32 v57, v50;
	v50 =	vld [tilespmem:s17+$0x9300];
	v35 =	vpop (erf)  }
0x253: {  	v60 =	vadd.f32 v52, v46;
	[tilespmem:$0x1F330] =	vst v47;
	(erf) = vpow2.f32 v34;
	v46 =	vadd.f32 v48, v35;
	v48 =	vld [tilespmem:s17+$0xA280]  }
0x254: {  	v28 =	vadd.f32 v28, v29;
	v30 =	vadd.f32 v33, v30;
	[tilespmem:$0x1F2E0] =	vst v53;
	v29 =	vpop (erf);
	(erf) = vpow2.f32 v24;
	v35 =	vld [tilespmem:s17+$0xB200]  }
0x255: {  	v31 =	vmul.f32 $1.442695020e+00, v31;
	v5 =	vadd.f32 v23, v5;
	[tilespmem:$0x1F440] =	vst v42;
	v23 =	vpop (erf);
	(erf) = vpow2.f32 v32;
	v32 =	vld [tilespmem:s17+$0x7380]  }
0x256: {  	v24 =	vadd.f32 v30, v29;
	v30 =	vld [tilespmem:s17+$0x9280];
	[tilespmem:$0x1F450] =	vst v49  }
0x257: {  	v29 =	vpop (erf);
	(erf) = vpow2.f32 v31;
	v31 =	vld [tilespmem:s17+$0x8300];
	[tilespmem:$0x1F320] =	vst v50  }
0x258: {  	[tilespmem:$0x1F420] =	vst v48  }
0x259: {  	v22 =	vadd.f32 v22, v27;
	[tilespmem:$0x1F430] =	vst v35  }
0x25a: {  	v9 =	vadd.f32 v9, v23;
	v23 =	vpop (erf);
	(erf) = vpow2.f32 v16;
	[tilespmem:$0x1F2D0] =	vst v32  }
0x25b: {  	v3 =	vadd.f32 v3, v63;
	v16 =	vadd.f32 v46, v23;
	v23 =	vpop (erf);
	(erf) = vpow2.f32 v15;
	[tilespmem:$0x1F360] =	vst v30  }
0x25c: {  	v0 =	vadd.f32 v5, v0;
	v5 =	vadd.f32 v22, v21;
	v15 =	vpop (erf);
	(erf) = vpow2.f32 v11;
	[tilespmem:$0x1F310] =	vst v31  }
0x25d: {  	v19 =	vadd.f32 v28, v19;
	v3 =	vadd.f32 v3, v29;
	v29 =	vld [tilespmem:s17+$0xA200];
	v22 =	vpop (erf)  }
0x25e: {  	v0 =	vadd.f32 v0, v1;
	v9 =	vadd.f32 v9, v15;
	(erf) = vpow2.f32 v10;
	v10 =	vpop (erf)  }
0x25f: {  	(erf) = vpow2.f32 v6;
	v6 =	vadd.f32 v16, v10;
	v10 =	vadd.f32 v19, v55;
	v15 =	vpop (erf)  }
0x260: {  	v1 =	vadd.f32 v5, v17;
	v11 =	vadd.f32 v24, v23;
	(erf) = vpow2.f32 v12;
	v5 =	vpop (erf)  }
0x261: {  	v3 =	vadd.f32 v3, v22;
	(erf) = vpow2.f32 v14;
	v12 =	vpop (erf)  }
0x262: {  	v11 =	vadd.f32 v11, v15;
	(erf) = vpow2.f32 v13;
	v5 =	vadd.f32 v9, v5;
	v9 =	vpop (erf)  }
0x263: {  	(erf) = vpow2.f32 v54;
	v6 =	vadd.f32 v6, v9;
	v9 =	vadd.f32 v10, v39;
	v10 =	vpop (erf)  }
0x264: {  	v3 =	vadd.f32 v3, v12;
	(erf) = vpow2.f32 v61;
	v12 =	vpop (erf)  }
0x265: {  	(erf) = vpow2.f32 v8;
	v8 =	vadd.f32 v11, v10;
	v10 =	vpop (erf)  }
0x266: {  	v3 =	vadd.f32 v3, v10;
	v10 =	vld [tilespmem:$0x1FAF0];
	_ =	sdelay $0x2  }
0x267: {  	v0 =	vadd.f32 v0, v41;
	(erf) = vpow2.f32 v7;
	v7 =	vpop (erf)  }
0x268: {  	v6 =	vadd.f32 v6, v7;
	v7 =	vld [tilespmem:$0x1FA60]  }
0x269: {  	v0 =	vadd.f32 v0, v10;
	v10 =	vld [tilespmem:$0x1FAA0];
	_ =	sdelay $0x2  }
0x26a: {  	v1 =	vadd.f32 v1, v18  }
0x26b: {  	v5 =	vadd.f32 v5, v12;
	v7 =	vadd.f32 v9, v7;
	v9 =	vpop (erf)  }
0x26c: {  	v1 =	vadd.f32 v1, v10;
	v10 =	vpop (erf)  }
0x26d: {  	v5 =	vadd.f32 v5, v10;
	v10 =	vld [tilespmem:$0x1FF00]  }
0x26e: {  	(erf) = vpow2.f32 v59  }
0x26f: {  	(erf) = vpow2.f32 v26;
	v8 =	vadd.f32 v8, v9;
	v9 =	vpop (erf)  }
0x270: {  	(erf) = vpow2.f32 v43;
	v3 =	vadd.f32 v3, v9;
	v9 =	vpop (erf)  }
0x271: {  	(erf) = vpow2.f32 v51;
	v6 =	vadd.f32 v6, v9;
	v9 =	vld [tilespmem:$0x1FA30]  }
0x272: {  	(erf) = vpow2.f32 v10;
	v10 =	vld [tilespmem:$0x1FF10];
	_ =	sdelay $0x4  }
0x273: {  	v7 =	vadd.f32 v7, v9;
	v9 =	vpop (erf);
	(erf) = vpow2.f32 v10;
	v10 =	vld [tilespmem:$0x1FAB0];
	_ =	sdelay $0x4  }
0x274: {  	v0 =	vadd.f32 v0, v10;
	v10 =	vld [tilespmem:$0x1FA70]  }
0x275: {  	v11 =	vld [tilespmem:$0x1FEE0];
	_ =	sdelay $0x3  }
0x276: {  	v1 =	vadd.f32 v1, v10;
	v10 =	vpop (erf)  }
0x277: {  	v12 =	vld [tilespmem:$0x1FEF0];
	(erf) = vpow2.f32 v11;
	v11 =	vpop (erf)  }
0x278: {  	v3 =	vadd.f32 v3, v11;
	v11 =	vld [tilespmem:$0x1FEC0];
	_ =	sdelay $0x2  }
0x279: {  	v5 =	vadd.f32 v5, v10;
	v10 =	vpop (erf)  }
0x27a: {  	(erf) = vpow2.f32 v12;
	v6 =	vadd.f32 v6, v10;
	v10 =	vld [tilespmem:$0x1FA10]  }
0x27b: {  	(erf) = vpow2.f32 v11;
	v11 =	vld [tilespmem:$0x1FED0];
	_ =	sdelay $0x4  }
0x27c: {  	v7 =	vadd.f32 v7, v10;
	v10 =	vpop (erf);
	(erf) = vpow2.f32 v11;
	v11 =	vld [tilespmem:$0x1FA80];
	_ =	sdelay $0x4  }
0x27d: {  	v0 =	vadd.f32 v0, v11;
	v11 =	vld [tilespmem:$0x1FA40];
	_ =	sdelay $0x2  }
0x27e: {  	v27 =	vadd.f32 v60, v56;
	_ =	sdelay $0x1  }
0x27f: {  	v21 =	vadd.f32 v27, v25;
	v12 =	vld [tilespmem:$0x1FEA0];
	v1 =	vadd.f32 v1, v11;
	v11 =	vpop (erf)  }
0x280: {  	v6 =	vadd.f32 v6, v11;
	v11 =	vld [tilespmem:$0x1FEB0]  }
0x281: {  	v4 =	vadd.f32 v21, v4;
	_ =	sdelay $0x1  }
0x282: {  	v4 =	vadd.f32 v4, v45  }
0x283: {  	v5 =	vadd.f32 v5, v9;
	v9 =	vld [tilespmem:$0x1FAC0];
	v3 =	vadd.f32 v3, v10;
	(erf) = vpow2.f32 v12  }
0x284: {  	v10 =	vpop (erf);
	(erf) = vpow2.f32 v11;
	v11 =	vld [tilespmem:$0x1FE80]  }
0x285: {  	v4 =	vadd.f32 v4, v36;
	v3 =	vadd.f32 v3, v10;
	v10 =	vld [tilespmem:$0x1FE90];
	_ =	sdelay $0x1  }
0x286: {  	v4 =	vadd.f32 v4, v62;
	_ =	sdelay $0x1  }
0x287: {  	v4 =	vadd.f32 v4, v9;
	v9 =	vpop (erf);
	(erf) = vpow2.f32 v11  }
0x288: {  	v6 =	vadd.f32 v6, v9;
	v9 =	vpop (erf);
	(erf) = vpow2.f32 v10;
	v10 =	vld [tilespmem:$0x1F260];
	_ =	sdelay $0x2  }
0x289: {  	v8 =	vadd.f32 v8, v20;
	_ =	sdelay $0x1  }
0x28a: {  	v8 =	vadd.f32 v8, v10;
	v10 =	vld [tilespmem:$0x1F270];
	_ =	sdelay $0x4  }
0x28b: {  	v11 =	vld [tilespmem:$0x1FE60];
	v5 =	vadd.f32 v5, v10;
	v10 =	vpop (erf)  }
0x28c: {  	v6 =	vadd.f32 v6, v10;
	v10 =	vld [tilespmem:$0x1FE70];
	_ =	sdelay $0x3  }
0x28d: {  	(erf) = vpow2.f32 v11  }
0x28e: {  	v3 =	vadd.f32 v3, v9;
	v9 =	vpop (erf);
	(erf) = vpow2.f32 v10;
	v10 =	vld [tilespmem:$0x1FE40];
	_ =	sdelay $0x4  }
0x28f: {  	(erf) = vpow2.f32 v10;
	v10 =	vpop (erf)  }
0x290: {  	v6 =	vadd.f32 v6, v10;
	v10 =	vld [tilespmem:$0x1FAD0];
	_ =	sdelay $0x2  }
0x291: {  	v8 =	vadd.f32 v8, v40;
	_ =	sdelay $0x1  }
0x292: {  	v8 =	vadd.f32 v8, v10;
	v10 =	vld [tilespmem:$0x1FAE0];
	_ =	sdelay $0x1  }
0x293: {  	v23 =	vmov v44  }
0x294: {  	v5 =	vadd.f32 v5, v23  }
0x295: {  	v3 =	vadd.f32 v3, v9;
	v9 =	vld [tilespmem:$0x1FE50]  }
0x296: {  	v5 =	vadd.f32 v5, v10;
	v10 =	vld [tilespmem:$0x1FE20];
	_ =	sdelay $0x3  }
0x297: {  	(erf) = vpow2.f32 v9;
	v9 =	vpop (erf)  }
0x298: {  	(erf) = vpow2.f32 v10;
	v10 =	vpop (erf)  }
0x299: {  	v12 =	vadd.f32 v6, v10;
	v10 =	vld [tilespmem:$0x1FE30];
	_ =	sdelay $0x4  }
0x29a: {  	v3 =	vadd.f32 v3, v9;
	v9 =	vpop (erf);
	(erf) = vpow2.f32 v10;
	v10 =	vld [tilespmem:$0x1FA90]  }
0x29b: {  	v8 =	vadd.f32 v8, v9;
	v9 =	vpop (erf)  }
0x29c: {  	v23 =	vadd.f32 v5, v9;
	v9 =	vld [tilespmem:$0x1FE10];
	_ =	sdelay $0x2  }
0x29d: {  	v4 =	vadd.f32 v4, v10  }
0x29e: {  	v6 =	vpop (erf)  }
0x29f: {  	(erf) = vpow2.f32 v9;
	v9 =	vmul.f32 $3.000000000e+01, v58;
	v4 =	vadd.f32 v4, v6;
	v6 =	vpop (erf)  }
0x2a0: {  	v6 =	vadd.f32 v8, v6;
	v8 =	vmul.f32 $3.000000000e+01, v37  }
0x2a1: {  	v3 =	vadd.f32 v12, v3;
	[tilespmem:$0x1F4A0] =	vst v9;
	v9 =	vld [tilespmem:$0x1FA50]  }
0x2a2: {  	[tilespmem:$0x1F4C0] =	vst v8;
	v8 =	vld [tilespmem:$0x1FA20]  }
0x2a3: {  	v3 =	vadd.f32 v3, v23;
	_ =	sdelay $0x1  }
0x2a4: {  	v3 =	vadd.f32 v3, v6;
	v6 =	vmul.f32 $3.000000000e+01, v42  }
0x2a5: {  	v0 =	vadd.f32 v0, v9  }
0x2a6: {  	v5 =	vpop (erf);
	[tilespmem:$0x1F4D0] =	vst v6;
	v6 =	vld [tilespmem:$0x1FA00];
	v1 =	vadd.f32 v1, v8;
	v8 =	vmul.f32 $3.000000000e+01, v47  }
0x2a7: {  	v0 =	vadd.f32 v0, v5;
	v5 =	vpop (erf)  }
0x2a8: {  	v9 =	vmul.f32 $3.000000000e+01, v38;
	[tilespmem:$0x1F4B0] =	vst v8;
	v8 =	vadd.f32 v4, v5;
	v5 =	vpop (erf)  }
0x2a9: {  	v1 =	vadd.f32 v1, v5;
	v5 =	vpop (erf)  }
0x2aa: {  	[tilespmem:$0x1F490] =	vst v9;
	v0 =	vadd.f32 v0, v5;
	v9 =	vadd.f32 v3, v8;
	v4 =	vpop (erf)  }
0x2ab: {  	v6 =	vadd.f32 v7, v6;
	v5 =	vpop (erf)  }
0x2ac: {  	v55 =	vld [tilespmem:s17+$0x7300];
	v1 =	vadd.f32 v1, v5;
	v0 =	vadd.f32 v9, v0  }
0x2ad: {  	v15 =	vld [tilespmem:s17+$0x7280];
	v4 =	vadd.f32 v6, v4  }
0x2ae: {  	v25 =	vld [tilespmem:s17+$0x6380];
	v3 =	vpop (erf);
	v0 =	vadd.f32 v0, v1;
	v1 =	vmul.f32 $3.000000000e+01, v30  }
0x2af: {  	v22 =	vld [tilespmem:s17+$0x8280];
	v8 =	vmul.f32 $3.000000000e+01, v53;
	v3 =	vadd.f32 v4, v3  }
0x2b0: {  	v18 =	vld [tilespmem:s17+$0x8200];
	[tilespmem:$0x1F550] =	vst v1;
	v1 =	vmul.f32 $3.000000000e+01, v29  }
0x2b1: {  	v28 =	vld [tilespmem:s17+$0xC180];
	[tilespmem:$0x1F4F0] =	vst v8;
	v8 =	vadd.f32 v0, v3;
	v0 =	vmul.f32 $3.000000000e+01, v55  }
0x2b2: {  	v16 =	vld [tilespmem:s17+$0x9200];
	v3 =	vmul.f32 $3.000000000e+01, v15;
	[tilespmem:$0x1F560] =	vst v1  }
0x2b3: {  	v33 =	vld [tilespmem:s17+$0x5380];
	v1 =	vmul.f32 $3.000000000e+01, v25;
	[tilespmem:$0x1F590] =	vst v0  }
0x2b4: {  	v44 =	vld [tilespmem:s17+$0xB180];
	v0 =	vmul.f32 $3.000000000e+01, v22;
	[tilespmem:$0x1F600] =	vst v3  }
0x2b5: {  	v63 =	vld [tilespmem:s17+$0xC100];
	v3 =	vmul.f32 $3.000000000e+01, v18;
	[tilespmem:$0x1F570] =	vst v1  }
0x2b6: {  	v17 =	vld [tilespmem:s17+$0xA180];
	v1 =	vmul.f32 $3.000000000e+01, v28;
	[tilespmem:$0x1F5A0] =	vst v0  }
0x2b7: {  	v27 =	vld [tilespmem:s17+$0x6300];
	v0 =	vmul.f32 $3.000000000e+01, v16;
	[tilespmem:$0x1F610] =	vst v3  }
0x2b8: {  	[tilespmem:$0x1F580] =	vst v1;
	v1 =	vmul.f32 $3.000000000e+01, v33  }
0x2b9: {  	v19 =	vld [tilespmem:s17+$0xB100];
	[tilespmem:$0x1F5B0] =	vst v0;
	v0 =	vmul.f32 $3.000000000e+01, v44  }
0x2ba: {  	[tilespmem:$0x1F5D0] =	vst v1;
	v1 =	vmul.f32 $3.000000000e+01, v63  }
0x2bb: {  	v21 =	vld [tilespmem:s17+$0xC000];
	v3 =	vmul.f32 $3.000000000e+01, v17;
	[tilespmem:$0x1F5C0] =	vst v0  }
0x2bc: {  	v0 =	vand.u32 $0x7FFFFF, v8;
	[tilespmem:$0x1F5E0] =	vst v1;
	v1 =	vmul.f32 $3.000000000e+01, v27  }
0x2bd: {  	v26 =	vld [tilespmem:s17+$0xC080];
	[tilespmem:$0x1F620] =	vst v3;
	v0 =	vor.u32 $0x3F800000, v0  }
0x2be: {  	v3 =	vmul.f32 $3.000000000e+01, v19;
	[tilespmem:$0x1F5F0] =	vst v1;
	v1 =	vmul.f32 $5.000000000e-01, v0  }
0x2bf: {  	v14 =	vld [tilespmem:s17+$0x4380];
	vm1 =	vgt.f32 v0, $1.414213540e+00  }
0x2c0: {  	[tilespmem:$0x1F630] =	vst v3;
	v3 =	vsel vm1, v1, v0;
	v0 =	vmul.f32 $3.000000000e+01, v21  }
0x2c1: {  	v13 =	vld [tilespmem:s17+$0x5300]  }
0x2c2: {  	[tilespmem:$0x1F640] =	vst v0;
	v0 =	vmul.f32 $3.000000000e+01, v26  }
0x2c3: {  	[tilespmem:$0x1F400] =	vst v29;
	v51 =	vld [tilespmem:s17+$0x6280]  }
0x2c4: {  	[tilespmem:$0x1F650] =	vst v0;
	v0 =	vmul.f32 $3.000000000e+01, v14  }
0x2c5: {  	[tilespmem:$0x1F410] =	vst v28;
	v54 =	vld [tilespmem:s17+$0x7200]  }
0x2c6: {  	[tilespmem:$0x1F660] =	vst v0;
	v0 =	vmul.f32 $3.000000000e+01, v13  }
0x2c7: {  	[tilespmem:$0x1F2A0] =	vst v25;
	v59 =	vld [tilespmem:s17+$0x9180]  }
0x2c8: {  	[tilespmem:$0x1F670] =	vst v0;
	v0 =	vmul.f32 $3.000000000e+01, v51  }
0x2c9: {  	v34 =	vld [tilespmem:s17+$0xA100];
	[tilespmem:$0x1F3E0] =	vst v44  }
0x2ca: {  	[tilespmem:$0x1F680] =	vst v0;
	v0 =	vmul.f32 $3.000000000e+01, v54  }
0x2cb: {  	v36 =	vld [tilespmem:s17+$0xB000];
	[tilespmem:$0x1F3F0] =	vst v63  }
0x2cc: {  	[tilespmem:$0x1F690] =	vst v0;
	v0 =	vmul.f32 $3.000000000e+01, v59  }
0x2cd: {  	[tilespmem:$0x1F280] =	vst v33;
	v61 =	vld [tilespmem:s17+$0x3380]  }
0x2ce: {  	[tilespmem:$0x1F6A0] =	vst v0;
	v0 =	vmul.f32 $3.000000000e+01, v34  }
0x2cf: {  	v60 =	vld [tilespmem:s17+$0xB080];
	[tilespmem:$0x1F290] =	vst v27  }
0x2d0: {  	[tilespmem:$0x1F6B0] =	vst v0;
	v0 =	vmul.f32 $3.000000000e+01, v36  }
0x2d1: {  	v62 =	vld [tilespmem:s17+$0x4300];
	[tilespmem:$0x1F2F0] =	vst v18  }
0x2d2: {  	[tilespmem:$0x1F6C0] =	vst v0;
	v0 =	vmul.f32 $3.000000000e+01, v61  }
0x2d3: {  	[tilespmem:$0x1F370] =	vst v17;
	v39 =	vld [tilespmem:s17+$0x5280]  }
0x2d4: {  	[tilespmem:$0x1F6E0] =	vst v0;
	v0 =	vmul.f32 $3.000000000e+01, v60  }
0x2d5: {  	v46 =	vld [tilespmem:s17+$0x6200];
	[tilespmem:$0x1F3C0] =	vst v21  }
0x2d6: {  	[tilespmem:$0x1F6D0] =	vst v0;
	v0 =	vmul.f32 $3.000000000e+01, v62  }
0x2d7: {  	[tilespmem:$0x1F380] =	vst v34;
	v20 =	vld [tilespmem:s17+$0x8180]  }
0x2d8: {  	[tilespmem:$0x1F6F0] =	vst v0;
	v0 =	vmul.f32 $3.000000000e+01, v39  }
0x2d9: {  	[tilespmem:$0x1F3A0] =	vst v60;
	v11 =	vld [tilespmem:s17+$0x9100]  }
0x2da: {  	[tilespmem:$0x1F700] =	vst v0;
	v0 =	vmul.f32 $3.000000000e+01, v46  }
0x2db: {  	[tilespmem:$0x1F300] =	vst v22;
	v10 =	vld [tilespmem:s17+$0xA000]  }
0x2dc: {  	[tilespmem:$0x1F710] =	vst v0;
	v0 =	vmul.f32 $3.000000000e+01, v20  }
0x2dd: {  	v45 =	vld [tilespmem:s17+$0x2380];
	[tilespmem:$0x1F2C0] =	vst v55  }
0x2de: {  	[tilespmem:$0x1F720] =	vst v0;
	v0 =	vmul.f32 $3.000000000e+01, v11  }
0x2df: {  	v56 =	vld [tilespmem:s17+$0xA080];
	[tilespmem:$0x1F350] =	vst v16;
	v4 =	vadd.f32 $1.000000000e+00, v3  }
0x2e0: {  	[tilespmem:$0x1F730] =	vst v0;
	v0 =	vmul.f32 $3.000000000e+01, v10  }
0x2e1: {  	[tilespmem:$0x1F3B0] =	vst v19;
	v40 =	vld [tilespmem:s17+$0x3300];
	(erf) = vrcp.f32 v4  }
0x2e2: {  	[tilespmem:$0x1F740] =	vst v0;
	v0 =	vmul.f32 $3.000000000e+01, v45  }
0x2e3: {  	v41 =	vld [tilespmem:s17+$0x4280];
	[tilespmem:$0x1F2B0] =	vst v15  }
0x2e4: {  	[tilespmem:$0x1F760] =	vst v0;
	v0 =	vmul.f32 $3.000000000e+01, v56  }
0x2e5: {  	[tilespmem:$0x1F340] =	vst v59;
	v47 =	vld [tilespmem:s17+$0x5200]  }
0x2e6: {  	[tilespmem:$0x1F750] =	vst v0;
	v0 =	vmul.f32 $3.000000000e+01, v40  }
0x2e7: {  	s31 =	sor.u32 s15, s16;
	v52 =	vld [tilespmem:s17+$0x7180];
	[tilespmem:$0x1F3D0] =	vst v26;
	v7 =	vmul.f32 $3.000000000e+01, v49  }
0x2e8: {  	s0 =	sor.u32 $0x380, s31;
	v57 =	vld [tilespmem:s17+$0x8100];
	[tilespmem:$0x1F770] =	vst v0;
	v0 =	vmul.f32 $3.000000000e+01, v41  }
0x2e9: {  	v24 =	vld [tilespmem:s0+$0x0];
	[tilespmem:$0x1F4E0] =	vst v7;
	v7 =	vmul.f32 $3.000000000e+01, v50;
	v9 =	vadd.f32 $-1.000000000e+00, v3  }
0x2ea: {  	v42 =	vld [tilespmem:s17+$0x8000];
	v59 =	vmov v11;
	v11 =	vpop (erf);
	[tilespmem:$0x1F780] =	vst v0;
	v0 =	vmul.f32 $3.000000000e+01, v47  }
0x2eb: {  	v58 =	vld [tilespmem:s17+$0x9000];
	v6 =	vmul.f32 $3.000000000e+01, v48;
	[tilespmem:$0x1F500] =	vst v7;
	v55 =	vmov v13;
	v13 =	vmul.f32 v11, v9  }
0x2ec: {  	v43 =	vld [tilespmem:s17+$0x8080];
	[tilespmem:$0x1F790] =	vst v0;
	v0 =	vmul.f32 $3.000000000e+01, v52  }
0x2ed: {  	v50 =	vld [tilespmem:s17+$0x9080];
	v5 =	vmul.f32 $3.000000000e+01, v35;
	[tilespmem:$0x1F510] =	vst v6;
	v16 =	vmul.f32 v13, v13  }
0x2ee: {  	v12 =	vld [tilespmem:s17+$0x1300];
	[tilespmem:$0x1F7A0] =	vst v0;
	v0 =	vmul.f32 $3.000000000e+01, v57  }
0x2ef: {  	v23 =	vld [tilespmem:s17+$0x1380];
	v7 =	vmul.f32 $3.000000000e+01, v42;
	[tilespmem:$0x1F520] =	vst v5;
	v63 =	vmovc v54;
	v54 =	vmov v20;
	v20 =	vmul.f32 $2.000000030e-01, v16  }
0x2f0: {  	v53 =	vld [tilespmem:s17+$0x6180];
	[tilespmem:$0x1F7B0] =	vst v0;
	v0 =	vmul.f32 $3.000000000e+01, v58  }
0x2f1: {  	v6 =	vmul.f32 $3.000000000e+01, v32;
	v30 =	vld [tilespmem:s17+$0x2300];
	[tilespmem:$0x1F840] =	vst v7;
	v20 =	vadd.f32 $3.333333430e-01, v20  }
0x2f2: {  	v37 =	vld [tilespmem:s17+$0x80];
	v5 =	vmul.f32 $3.000000000e+01, v31;
	v25 =	vimm.s32 $0xFFFFFF81;
	[tilespmem:$0x1F7C0] =	vst v0;
	v0 =	vmul.f32 $3.000000000e+01, v50  }
0x2f3: {  	v35 =	vld [tilespmem:s17+$0x3280];
	[tilespmem:$0x1F530] =	vst v6;
	v8 =	vshra.s32 v8, $0x17;
	v27 =	vsel vm1, $0xFFFFFF82, v25;
	v16 =	vmul.f32 v20, v16  }
0x2f4: {  	v7 =	vmul.f32 $3.000000000e+01, v43;
	v44 =	vld [tilespmem:s17+$0x7100];
	v8 =	vadd.s32 v8, v27;
	[tilespmem:$0x1F7D0] =	vst v0;
	v0 =	vmul.f32 $3.000000000e+01, v23  }
0x2f5: {  	v38 =	vld [tilespmem:s17+$0x4200];
	[tilespmem:$0x1F540] =	vst v5;
	v8 =	vcvt.s32.f32 v8;
	v13 =	vadd.f32 v13, v13;
	v27 =	vadd.f32 $1.000000000e+00, v16  }
0x2f6: {  	v6 =	vld [tilespmem:s17+$0x280];
	v5 =	vmul.f32 $3.000000000e+01, v53;
	[tilespmem:$0x1F7E0] =	vst v0;
	v0 =	vmul.f32 $3.000000000e+01, v30  }
0x2f7: {  	v48 =	vld [tilespmem:s17+$0x0];
	[tilespmem:$0x1F850] =	vst v7;
	v8 =	vmul.f32 $6.931471820e-01, v8;
	v13 =	vmul.f32 v27, v13  }
0x2f8: {  	v11 =	vld [tilespmem:s17+$0x6080];
	[tilespmem:$0x1F7F0] =	vst v0;
	v0 =	vmul.f32 $3.000000000e+01, v35  }
0x2f9: {  	v29 =	vld [tilespmem:s17+$0x7080];
	[tilespmem:$0x1F820] =	vst v5;
	v5 =	vmul.f32 $3.000000000e+01, v44;
	v8 =	vadd.f32 v13, v8  }
0x2fa: {  	v3 =	vmul.f32 $3.000000000e+01, v38;
	[tilespmem:$0x1F800] =	vst v0;
	v0 =	vld [tilespmem:s17+$0x1200]  }
0x2fb: {  	v22 =	vld [tilespmem:s17+$0x5180];
	[tilespmem:$0x1F830] =	vst v5;
	v2 =	vadd.f32 v8, v2;
	v8 =	vmul.f32 $3.000000000e+01, v6  }
0x2fc: {  	[tilespmem:$0x1F810] =	vst v3;
	v3 =	vld [tilespmem:s17+$0x3180];
	v9 =	vmul.f32 $3.000000000e+01, v24  }
0x2fd: {  	v18 =	vld [tilespmem:s17+$0x2280];
	[tilespmem:$0x1F960] =	vst v8;
	v8 =	vmul.f32 $3.000000000e+01, v11  }
0x2fe: {  	v26 =	vld [tilespmem:s17+$0x6100];
	[tilespmem:$0x1F860] =	vst v9;
	v9 =	vmul.f32 $3.000000000e+01, v12  }
0x2ff: {  	v21 =	vld [tilespmem:s17+$0x3200];
	[tilespmem:$0x1F950] =	vst v8;
	v8 =	vmul.f32 $3.000000000e+01, v0  }
0x300: {  	v33 =	vld [tilespmem:s17+$0x7000];
	[tilespmem:$0x1F870] =	vst v9;
	v16 =	vmul.f32 $3.000000000e+01, v22  }
0x301: {  	v60 =	vmov v10;
	v10 =	vld [tilespmem:s17+$0x2200];
	[tilespmem:$0x1F970] =	vst v8;
	v8 =	vmul.f32 $3.000000000e+01, v3  }
0x302: {  	v5 =	vld [tilespmem:s17+$0x4100];
	v20 =	vmul.f32 $3.000000000e+01, v18;
	[tilespmem:$0x1F8A0] =	vst v16  }
0x303: {  	v16 =	vmul.f32 $3.000000000e+01, v26;
	[tilespmem:$0x1FC80] =	vst v8;
	v8 =	vld [tilespmem:$0x1FFE0]  }
0x304: {  	v49 =	vmov v14;
	v14 =	vld [tilespmem:s17+$0x4180];
	[tilespmem:$0x1F880] =	vst v20;
	v20 =	vmul.f32 $3.000000000e+01, v21  }
0x305: {  	v7 =	vld [tilespmem:s17+$0x5000];
	[tilespmem:$0x1F8B0] =	vst v16;
	v16 =	vmul.f32 $3.000000000e+01, v33  }
0x306: {  	v17 =	vld [tilespmem:s17+$0x5100];
	[tilespmem:$0x1F890] =	vst v20;
	v13 =	vmul.f32 $3.000000000e+01, v10  }
0x307: {  	v1 =	vld [tilespmem:s17+$0x200];
	[tilespmem:$0x1F8C0] =	vst v16;
	v16 =	vmul.f32 $3.000000000e+01, v29  }
0x308: {  	v19 =	vld [tilespmem:s17+$0x6000];
	[tilespmem:$0x1F910] =	vst v13;
	v8 =	vadd.f32 v2, v8;
	v2 =	vmul.f32 $3.000000000e+01, v5  }
0x309: {  	v9 =	vld [tilespmem:s17+$0x5080];
	v13 =	vmul.f32 $3.000000000e+01, v14;
	[tilespmem:$0x1F8E0] =	vst v16  }
0x30a: {  	v15 =	vld [tilespmem:s17+$0x300];
	[tilespmem:$0x1FC90] =	vst v2;
	v2 =	vmul.f32 $3.000000000e+01, v7  }
0x30b: {  	v4 =	vld [tilespmem:s17+$0x1280];
	[tilespmem:$0x1F920] =	vst v13;
	v13 =	vmul.f32 $3.000000000e+01, v17  }
0x30c: {  	v32 =	vld [tilespmem:s17+$0x1080];
	[tilespmem:$0x1FCB0] =	vst v2;
	v2 =	vmul.f32 $3.000000000e+01, v1  }
0x30d: {  	v28 =	vld [tilespmem:s17+$0x2180];
	[tilespmem:$0x1F930] =	vst v13;
	v13 =	vmul.f32 $3.000000000e+01, v19  }
0x30e: {  	v34 =	vld [tilespmem:s17+$0x180];
	[tilespmem:$0x1F8D0] =	vst v2;
	v2 =	vmul.f32 $3.000000000e+01, v9  }
0x30f: {  	v20 =	vld [tilespmem:s17+$0x1180];
	v16 =	vmul.f32 $3.000000000e+01, v15;
	[tilespmem:$0x1F940] =	vst v13  }
0x310: {  	v13 =	vld [tilespmem:s17+$0x2080];
	[tilespmem:$0x1FCE0] =	vst v2;
	v2 =	vmax.f32 v6, v4;
	v6 =	vmax.f32 v15, v12;
	v12 =	vmax.f32 v24, v23  }
0x311: {  	v45 =	vmax.f32 v12, v45;
	v12 =	vld [tilespmem:s17+$0x3080]  }
0x312: {  	[tilespmem:$0x1F8F0] =	vst v16;
	v16 =	vmul.f32 $3.000000000e+01, v4;
	v6 =	vmax.f32 v6, v30;
	v30 =	vld [tilespmem:s17+$0x4080]  }
0x313: {  	v31 =	vld [tilespmem:s17+$0x1000];
	v24 =	vmax.f32 v1, v0  }
0x314: {  	[tilespmem:$0x1F900] =	vst v16;
	v16 =	vld [tilespmem:s17+$0x2000];
	v23 =	vmax.f32 v34, v20;
	v1 =	vmax.f32 v37, v32;
	v10 =	vmax.f32 v24, v10  }
0x315: {  	v4 =	vld [tilespmem:s17+$0x3000];
	v2 =	vmax.f32 v2, v18;
	v1 =	vmax.f32 v1, v13;
	v10 =	vmax.f32 v10, v21  }
0x316: {  	v18 =	vmax.f32 v23, v28;
	v23 =	vld [tilespmem:s17+$0x4000];
	v10 =	vmax.f32 v10, v38;
	v1 =	vmax.f32 v1, v12  }
0x317: {  	v10 =	vmax.f32 v10, v47;
	v1 =	vmax.f32 v1, v30  }
0x318: {  	v0 =	vmax.f32 v48, v31;
	v1 =	vmax.f32 v1, v9;
	v9 =	vmax.f32 v10, v46;
	v10 =	vld [tilespmem:$0x1F2B0]  }
0x319: {  	v0 =	vmax.f32 v0, v16;
	v2 =	vmax.f32 v2, v35  }
0x31a: {  	v2 =	vmax.f32 v2, v41;
	v0 =	vmax.f32 v0, v4  }
0x31b: {  	v2 =	vmax.f32 v2, v39;
	v0 =	vmax.f32 v0, v23  }
0x31c: {  	v2 =	vmax.f32 v2, v51;
	v0 =	vmax.f32 v0, v7;
	v7 =	vld [tilespmem:$0x1F290]  }
0x31d: {  	v2 =	vmax.f32 v2, v10;
	v10 =	vld [tilespmem:$0x1F2C0]  }
0x31e: {  	v6 =	vmax.f32 v6, v40  }
0x31f: {  	v3 =	vmax.f32 v18, v3;
	v6 =	vmax.f32 v6, v62  }
0x320: {  	v3 =	vmax.f32 v3, v14;
	v14 =	vld [tilespmem:$0x1F280];
	v6 =	vmax.f32 v6, v55  }
0x321: {  	v6 =	vmax.f32 v6, v7;
	v7 =	vld [tilespmem:$0x1F2A0]  }
0x322: {  	v6 =	vmax.f32 v6, v10;
	v10 =	vld [tilespmem:$0x1F2D0]  }
0x323: {  	v24 =	vmax.f32 v45, v61  }
0x324: {  	v18 =	vmax.f32 v24, v49  }
0x325: {  	v14 =	vmax.f32 v18, v14  }
0x326: {  	v7 =	vmax.f32 v14, v7  }
0x327: {  	v7 =	vmax.f32 v7, v10;
	v10 =	vld [tilespmem:$0x1F2E0];
	_ =	sdelay $0x4  }
0x328: {  	v7 =	vmax.f32 v7, v10;
	v10 =	vld [tilespmem:$0x1F2F0];
	_ =	sdelay $0x3  }
0x329: {  	v9 =	vmax.f32 v9, v63  }
0x32a: {  	v9 =	vmax.f32 v9, v10;
	v10 =	vld [tilespmem:$0x1F300];
	_ =	sdelay $0x4  }
0x32b: {  	v2 =	vmax.f32 v2, v10;
	v10 =	vld [tilespmem:$0x1F310];
	_ =	sdelay $0x4  }
0x32c: {  	v6 =	vmax.f32 v6, v10;
	v10 =	vld [tilespmem:$0x1F320];
	_ =	sdelay $0x4  }
0x32d: {  	v6 =	vmax.f32 v6, v10;
	v10 =	vld [tilespmem:$0x1F330];
	_ =	sdelay $0x4  }
0x32e: {  	v7 =	vmax.f32 v7, v10;
	v10 =	vld [tilespmem:$0x1F340]  }
0x32f: {  	v3 =	vmax.f32 v3, v22  }
0x330: {  	v3 =	vmax.f32 v3, v53  }
0x331: {  	v3 =	vmax.f32 v3, v52  }
0x332: {  	v3 =	vmax.f32 v3, v54  }
0x333: {  	v3 =	vmax.f32 v3, v10;
	v10 =	vld [tilespmem:$0x1F350];
	_ =	sdelay $0x3  }
0x334: {  	[tilespmem:$0x1F390] =	vst v36;
	v36 =	vld [tilespmem:s17+$0x100]  }
0x335: {  	v9 =	vmax.f32 v9, v10;
	v10 =	vld [tilespmem:$0x1F360]  }
0x336: {  	v27 =	vld [tilespmem:s17+$0x1100]  }
0x337: {  	[tilespmem:$0x1FFE0] =	vst v8;
	v8 =	vld [tilespmem:s17+$0x2100]  }
0x338: {  	v25 =	vld [tilespmem:s17+$0x3100];
	_ =	sdelay $0x1  }
0x339: {  	v2 =	vmax.f32 v2, v10;
	v10 =	vld [tilespmem:$0x1F370]  }
0x33a: {  	v15 =	vmax.f32 v36, v27  }
0x33b: {  	v15 =	vmax.f32 v15, v8  }
0x33c: {  	v15 =	vmax.f32 v15, v25  }
0x33d: {  	v5 =	vmax.f32 v15, v5  }
0x33e: {  	v5 =	vmax.f32 v5, v17;
	v3 =	vmax.f32 v3, v10;
	v10 =	vld [tilespmem:$0x1F380]  }
0x33f: {  	v5 =	vmax.f32 v5, v26  }
0x340: {  	v5 =	vmax.f32 v5, v44  }
0x341: {  	v5 =	vmax.f32 v5, v57  }
0x342: {  	v5 =	vmax.f32 v5, v59  }
0x343: {  	v0 =	vmax.f32 v0, v19;
	v5 =	vmax.f32 v5, v10;
	v10 =	vld [tilespmem:$0x1F390]  }
0x344: {  	v0 =	vmax.f32 v0, v33  }
0x345: {  	v0 =	vmax.f32 v0, v42  }
0x346: {  	v0 =	vmax.f32 v0, v58  }
0x347: {  	v0 =	vmax.f32 v0, v60  }
0x348: {  	v1 =	vmax.f32 v1, v11;
	v0 =	vmax.f32 v0, v10;
	v10 =	vld [tilespmem:$0x1F3A0]  }
0x349: {  	v1 =	vmax.f32 v1, v29  }
0x34a: {  	v1 =	vmax.f32 v1, v43  }
0x34b: {  	v1 =	vmax.f32 v1, v50  }
0x34c: {  	v1 =	vmax.f32 v1, v56  }
0x34d: {  	v1 =	vmax.f32 v1, v10;
	v10 =	vld [tilespmem:$0x1F3B0];
	_ =	sdelay $0x4  }
0x34e: {  	v5 =	vmax.f32 v5, v10;
	v10 =	vld [tilespmem:$0x1F3C0];
	_ =	sdelay $0x4  }
0x34f: {  	v0 =	vmax.f32 v0, v10;
	v10 =	vld [tilespmem:$0x1F3D0];
	_ =	sdelay $0x4  }
0x350: {  	v1 =	vmax.f32 v1, v10;
	v10 =	vld [tilespmem:$0x1F3E0];
	_ =	sdelay $0x4  }
0x351: {  	v3 =	vmax.f32 v3, v10;
	v10 =	vld [tilespmem:$0x1F3F0];
	_ =	sdelay $0x4  }
0x352: {  	v0 =	vmax.f32 v0, v1;
	v5 =	vmax.f32 v5, v10  }
0x353: {  	v0 =	vmax.f32 v0, v5;
	v5 =	vld [tilespmem:$0x1F420];
	_ =	sdelay $0x1  }
0x354: {  	v1 =	vld [tilespmem:$0x1F400];
	_ =	sdelay $0x2  }
0x355: {  	v2 =	vmax.f32 v2, v5;
	v5 =	vld [tilespmem:$0x1F430];
	_ =	sdelay $0x1  }
0x356: {  	v1 =	vmax.f32 v9, v1;
	v9 =	vld [tilespmem:$0x1F410];
	_ =	sdelay $0x2  }
0x357: {  	v1 =	vmax.f32 v1, v5;
	v5 =	vld [tilespmem:$0x1F450];
	_ =	sdelay $0x1  }
0x358: {  	v3 =	vmax.f32 v3, v9  }
0x359: {  	v0 =	vmax.f32 v0, v3;
	v3 =	vld [tilespmem:$0x1F440]  }
0x35a: {  	v0 =	vmax.f32 v0, v1;
	v1 =	vld [tilespmem:$0x1F460]  }
0x35b: {  	v2 =	vmax.f32 v2, v5;
	v5 =	vld [tilespmem:$0x1F470]  }
0x35c: {  	v0 =	vmax.f32 v0, v2;
	v2 =	vld [tilespmem:$0x1F480];
	_ =	sdelay $0x2  }
0x35d: {  	v3 =	vmax.f32 v6, v3  }
0x35e: {  	v1 =	vmax.f32 v7, v1;
	v3 =	vmax.f32 v3, v5  }
0x35f: {  	v1 =	vmax.f32 v1, v2;
	v0 =	vmax.f32 v0, v3;
	v3 =	vld [tilespmem:$0x1F4D0]  }
0x360: {  	v0 =	vmax.f32 v0, v1  }
0x361: {  	v2 =	vmul.f32 $3.000000000e+01, v0;
	v0 =	vld [tilespmem:$0x1F490];
	_ =	sdelay $0x2  }
0x362: {  	v53 =	vmul.f32 $3.000000000e+01, v8;
	v8 =	vsub.f32 v3, v2;
	v3 =	vld [tilespmem:$0x1F4E0];
	_ =	sdelay $0x1  }
0x363: {  	v1 =	vsub.f32 v0, v2;
	v0 =	vld [tilespmem:$0x1F4A0];
	_ =	sdelay $0x2  }
0x364: {  	v10 =	vsub.f32 v3, v2;
	v3 =	vld [tilespmem:$0x1F4F0];
	_ =	sdelay $0x1  }
0x365: {  	v49 =	vmul.f32 $3.000000000e+01, v4;
	v4 =	vsub.f32 v0, v2;
	v0 =	vld [tilespmem:$0x1F4B0];
	_ =	sdelay $0x2  }
0x366: {  	v11 =	vsub.f32 v3, v2;
	v3 =	vld [tilespmem:$0x1F500];
	_ =	sdelay $0x1  }
0x367: {  	v6 =	vsub.f32 v0, v2;
	v0 =	vld [tilespmem:$0x1F4C0];
	_ =	sdelay $0x2  }
0x368: {  	v46 =	vmul.f32 $3.000000000e+01, v12;
	v12 =	vsub.f32 v3, v2;
	v3 =	vld [tilespmem:$0x1F510];
	_ =	sdelay $0x1  }
0x369: {  	v1 =	vmul.f32 $1.442695020e+00, v1;
	v7 =	vsub.f32 v0, v2;
	_ =	sdelay $0x1  }
0x36a: {  	v5 =	vld [tilespmem:$0x1F530];
	[tilespmem:$0x1FE20] =	vst v1;
	v1 =	vmul.f32 $1.442695020e+00, v7  }
0x36b: {  	v14 =	vsub.f32 v3, v2;
	v3 =	vld [tilespmem:$0x1F520]  }
0x36c: {  	[tilespmem:$0x1FE30] =	vst v1;
	v1 =	vmul.f32 $1.442695020e+00, v6;
	v6 =	vld [tilespmem:$0x1F620]  }
0x36d: {  	v7 =	vmul.f32 $1.442695020e+00, v8  }
0x36e: {  	v10 =	vmul.f32 $1.442695020e+00, v10  }
0x36f: {  	[tilespmem:$0x1FE40] =	vst v7;
	v7 =	vmul.f32 $1.442695020e+00, v11;
	v11 =	vmul.f32 $1.442695020e+00, v14  }
0x370: {  	v15 =	vsub.f32 v3, v2;
	v3 =	vmul.f32 $3.000000000e+01, v13;
	v13 =	vsub.f32 v5, v2  }
0x371: {  	v9 =	vld [tilespmem:$0x1F550];
	[tilespmem:$0x1FE50] =	vst v10;
	v10 =	vmul.f32 $1.442695020e+00, v12;
	v6 =	vsub.f32 v6, v2  }
0x372: {  	[tilespmem:$0x1FE60] =	vst v11;
	v11 =	vld [tilespmem:$0x1F640];
	v12 =	vmul.f32 $1.442695020e+00, v13;
	v13 =	vmul.f32 $1.442695020e+00, v15  }
0x373: {  	v50 =	vmul.f32 $3.000000000e+01, v30;
	v30 =	vmul.f32 $1.442695020e+00, v6;
	v6 =	vld [tilespmem:$0x1F6D0]  }
0x374: {  	[tilespmem:$0x1FE70] =	vst v13;
	v13 =	vld [tilespmem:$0x1F650];
	_ =	sdelay $0x2  }
0x375: {  	v17 =	vsub.f32 v9, v2;
	v9 =	vld [tilespmem:$0x1F560];
	v11 =	vsub.f32 v11, v2  }
0x376: {  	v6 =	vsub.f32 v6, v2  }
0x377: {  	v56 =	vmul.f32 $3.000000000e+01, v20;
	v20 =	vld [tilespmem:$0x1F580];
	v11 =	vmul.f32 $1.442695020e+00, v11;
	v13 =	vsub.f32 v13, v2  }
0x378: {  	v6 =	vmul.f32 $1.442695020e+00, v6  }
0x379: {  	[tilespmem:$0x1FEC0] =	vst v11;
	v11 =	vmul.f32 $1.442695020e+00, v13;
	v13 =	vld [tilespmem:$0x1F700]  }
0x37a: {  	v18 =	vsub.f32 v9, v2;
	[tilespmem:$0x1FEF0] =	vst v6;
	v6 =	vld [tilespmem:$0x1F730]  }
0x37b: {  	v5 =	vld [tilespmem:$0x1F540]  }
0x37c: {  	v20 =	vsub.f32 v20, v2;
	v18 =	vmul.f32 $1.442695020e+00, v18;
	_ =	sdelay $0x1  }
0x37d: {  	[tilespmem:$0x1FE80] =	vst v18;
	v18 =	vmul.f32 $1.442695020e+00, v20  }
0x37e: {  	v13 =	vsub.f32 v13, v2;
	v6 =	vsub.f32 v6, v2  }
0x37f: {  	v52 =	vmul.f32 $3.000000000e+01, v16;
	[tilespmem:$0x1FE90] =	vst v18;
	v18 =	vld [tilespmem:$0x1F680];
	v16 =	vsub.f32 v5, v2  }
0x380: {  	v40 =	vmul.f32 $1.442695020e+00, v13;
	v13 =	vmul.f32 $1.442695020e+00, v6;
	v6 =	vld [tilespmem:$0x1F750]  }
0x381: {  	v15 =	vmul.f32 $1.442695020e+00, v16;
	v16 =	vmul.f32 $1.442695020e+00, v17;
	v17 =	vld [tilespmem:$0x1F670]  }
0x382: {  	v24 =	vld [tilespmem:$0x1F5C0];
	_ =	sdelay $0x1  }
0x383: {  	v26 =	vld [tilespmem:$0x1F5E0];
	v18 =	vsub.f32 v18, v2  }
0x384: {  	v6 =	vsub.f32 v6, v2  }
0x385: {  	v33 =	vmul.f32 $1.442695020e+00, v18;
	v18 =	vld [tilespmem:$0x1F720];
	v17 =	vsub.f32 v17, v2  }
0x386: {  	v24 =	vsub.f32 v24, v2;
	(erf) = vpow2.f32 v1;
	v1 =	vld [tilespmem:$0x1F770];
	v6 =	vmul.f32 $1.442695020e+00, v6  }
0x387: {  	v57 =	vmul.f32 $3.000000000e+01, v32;
	v32 =	vmul.f32 $1.442695020e+00, v17;
	v17 =	vld [tilespmem:$0x1F710]  }
0x388: {  	v26 =	vsub.f32 v26, v2;
	v24 =	vmul.f32 $1.442695020e+00, v24;
	[tilespmem:$0x1FF10] =	vst v6;
	v6 =	vld [tilespmem:$0x1F780];
	_ =	sdelay $0x1  }
0x389: {  	[tilespmem:$0x1FEA0] =	vst v24;
	v24 =	vmul.f32 $1.442695020e+00, v26  }
0x38a: {  	v18 =	vsub.f32 v18, v2;
	v1 =	vsub.f32 v1, v2  }
0x38b: {  	[tilespmem:$0x1FEB0] =	vst v24;
	v24 =	vld [tilespmem:$0x1F6B0];
	v17 =	vsub.f32 v17, v2  }
0x38c: {  	v44 =	vmul.f32 $1.442695020e+00, v18;
	v18 =	vmul.f32 $1.442695020e+00, v1;
	v1 =	vld [tilespmem:$0x1F790];
	v6 =	vsub.f32 v6, v2  }
0x38d: {  	v41 =	vmul.f32 $1.442695020e+00, v17;
	v17 =	vld [tilespmem:$0x1F760]  }
0x38e: {  	v47 =	vmul.f32 $1.442695020e+00, v6;
	v6 =	vld [tilespmem:$0x1F7A0];
	_ =	sdelay $0x1  }
0x38f: {  	[tilespmem:$0x1FED0] =	vst v11;
	v11 =	vld [tilespmem:$0x1F6F0]  }
0x390: {  	v21 =	vld [tilespmem:$0x1F590]  }
0x391: {  	v62 =	vmul.f32 $3.000000000e+01, v48;
	v22 =	vld [tilespmem:$0x1F5A0];
	v1 =	vsub.f32 v1, v2;
	v17 =	vsub.f32 v17, v2  }
0x392: {  	v19 =	vld [tilespmem:$0x1F570];
	v24 =	vsub.f32 v24, v2;
	v5 =	vmul.f32 $3.000000000e+01, v36;
	v6 =	vsub.f32 v6, v2  }
0x393: {  	v48 =	vmul.f32 $1.442695020e+00, v17;
	v17 =	vmul.f32 $1.442695020e+00, v1;
	v1 =	vld [tilespmem:$0x1F7B0]  }
0x394: {  	v36 =	vmul.f32 $1.442695020e+00, v24;
	v11 =	vsub.f32 v11, v2;
	v24 =	vmul.f32 $1.442695020e+00, v6;
	v6 =	vld [tilespmem:$0x1F7C0]  }
0x395: {  	v45 =	vmul.f32 $3.000000000e+01, v28;
	v51 =	vmul.f32 $3.000000000e+01, v23;
	v23 =	vld [tilespmem:$0x1F5B0]  }
0x396: {  	v60 =	vmul.f32 $3.000000000e+01, v37;
	v37 =	vmul.f32 $1.442695020e+00, v11;
	v11 =	vld [tilespmem:$0x1F740]  }
0x397: {  	v38 =	vmul.f32 $3.000000000e+01, v25;
	v25 =	vld [tilespmem:$0x1F5D0];
	v63 =	vmul.f32 $3.000000000e+01, v27;
	v19 =	vsub.f32 v19, v2  }
0x398: {  	v27 =	vld [tilespmem:$0x1F5F0];
	v21 =	vsub.f32 v21, v2;
	(erf) = vpow2.f32 v7;
	v1 =	vsub.f32 v1, v2  }
0x399: {  	v22 =	vsub.f32 v22, v2;
	v19 =	vmul.f32 $1.442695020e+00, v19;
	v7 =	vld [tilespmem:$0x1F7E0];
	v6 =	vsub.f32 v6, v2  }
0x39a: {  	v23 =	vsub.f32 v23, v2;
	v4 =	vmul.f32 $1.442695020e+00, v4;
	v54 =	vmul.f32 $1.442695020e+00, v1;
	v1 =	vld [tilespmem:$0x1F7D0]  }
0x39b: {  	v22 =	vmul.f32 $1.442695020e+00, v22;
	v11 =	vsub.f32 v11, v2;
	v43 =	vmul.f32 $1.442695020e+00, v6;
	v6 =	vld [tilespmem:$0x1F7F0]  }
0x39c: {  	v25 =	vsub.f32 v25, v2;
	v23 =	vmul.f32 $1.442695020e+00, v23;
	[tilespmem:$0x1FE10] =	vst v4;
	v4 =	vld [tilespmem:$0x1F610];
	(erf) = vpow2.f32 v10  }
0x39d: {  	v28 =	vld [tilespmem:$0x1F600];
	v27 =	vsub.f32 v27, v2;
	(erf) = vpow2.f32 v12;
	v11 =	vmul.f32 $1.442695020e+00, v11  }
0x39e: {  	v25 =	vmul.f32 $1.442695020e+00, v25;
	v7 =	vsub.f32 v7, v2;
	(erf) = vpow2.f32 v15  }
0x39f: {  	v20 =	vmul.f32 $1.442695020e+00, v21;
	(erf) = vpow2.f32 v16;
	[tilespmem:$0x1FF00] =	vst v11;
	v11 =	vsub.f32 v1, v2;
	v1 =	vpop (erf)  }
0x3a0: {  	(erf) = vpow2.f32 v19;
	[tilespmem:$0x1FA00] =	vst v1;
	v1 =	vmul.f32 $1.442695020e+00, v7;
	v7 =	vld [tilespmem:$0x1F800];
	v6 =	vsub.f32 v6, v2  }
0x3a1: {  	v26 =	vmul.f32 $1.442695020e+00, v27;
	v4 =	vsub.f32 v4, v2;
	(erf) = vpow2.f32 v20;
	v10 =	vpop (erf)  }
0x3a2: {  	v28 =	vsub.f32 v28, v2;
	(erf) = vpow2.f32 v22;
	[tilespmem:$0x1FA10] =	vst v10;
	v10 =	vmul.f32 $1.442695020e+00, v6;
	v6 =	vld [tilespmem:$0x1F810]  }
0x3a3: {  	v4 =	vmul.f32 $1.442695020e+00, v4;
	(erf) = vpow2.f32 v23  }
0x3a4: {  	v27 =	vmul.f32 $1.442695020e+00, v28;
	(erf) = vpow2.f32 v25  }
0x3a5: {  	(erf) = vpow2.f32 v26;
	v42 =	vmul.f32 $1.442695020e+00, v11;
	v11 =	vpop (erf);
	v7 =	vsub.f32 v7, v2  }
0x3a6: {  	(erf) = vpow2.f32 v27;
	v12 =	vpop (erf)  }
0x3a7: {  	[tilespmem:$0x1FA20] =	vst v11;
	(erf) = vpow2.f32 v4;
	v4 =	vpop (erf);
	v11 =	vmul.f32 $1.442695020e+00, v7;
	v7 =	vld [tilespmem:$0x1F820];
	v6 =	vsub.f32 v6, v2  }
0x3a8: {  	[tilespmem:$0x1FA40] =	vst v4;
	v4 =	vld [tilespmem:$0x1F840]  }
0x3a9: {  	v20 =	vmul.f32 $1.442695020e+00, v6;
	v6 =	vld [tilespmem:$0x1F830]  }
0x3aa: {  	v8 =	vld [tilespmem:$0x1F630]  }
0x3ab: {  	v14 =	vld [tilespmem:$0x1F660]  }
0x3ac: {  	v15 =	vsub.f32 v7, v2;
	v7 =	vpop (erf)  }
0x3ad: {  	[tilespmem:$0x1FA30] =	vst v12;
	v12 =	vpop (erf)  }
0x3ae: {  	v16 =	vsub.f32 v6, v2;
	v6 =	vmul.f32 $1.442695020e+00, v15;
	v15 =	vsub.f32 v4, v2;
	v4 =	vpop (erf)  }
0x3af: {  	v8 =	vsub.f32 v8, v2;
	[tilespmem:$0x1FA70] =	vst v4;
	v4 =	vld [tilespmem:$0x1F870]  }
0x3b0: {  	v14 =	vsub.f32 v14, v2  }
0x3b1: {  	v8 =	vmul.f32 $1.442695020e+00, v8;
	[tilespmem:$0x1FA50] =	vst v7;
	v7 =	vld [tilespmem:$0x1F850]  }
0x3b2: {  	v28 =	vld [tilespmem:$0x1F6C0];
	v14 =	vmul.f32 $1.442695020e+00, v14;
	(erf) = vpow2.f32 v30  }
0x3b3: {  	v9 =	vmul.f32 $3.000000000e+01, v31;
	v31 =	vld [tilespmem:$0x1F6E0];
	(erf) = vpow2.f32 v8  }
0x3b4: {  	v21 =	vld [tilespmem:$0x1F690];
	(erf) = vpow2.f32 v14;
	v4 =	vsub.f32 v4, v2  }
0x3b5: {  	v8 =	vld [tilespmem:$0x1F860];
	(erf) = vpow2.f32 v32  }
0x3b6: {  	v61 =	vmul.f32 $1.442695020e+00, v16;
	v16 =	vsub.f32 v7, v2;
	v7 =	vpop (erf);
	v32 =	vmul.f32 $1.442695020e+00, v4;
	v4 =	vld [tilespmem:$0x1F890]  }
0x3b7: {  	[tilespmem:$0x1FA80] =	vst v7;
	v7 =	vld [tilespmem:$0x1F880];
	_ =	sdelay $0x1  }
0x3b8: {  	v28 =	vsub.f32 v28, v2  }
0x3b9: {  	v21 =	vsub.f32 v21, v2;
	[tilespmem:$0x1FA60] =	vst v12;
	v12 =	vsub.f32 v8, v2;
	v8 =	vpop (erf)  }
0x3ba: {  	v31 =	vsub.f32 v31, v2;
	v0 =	vmul.f32 $3.000000000e+01, v34;
	[tilespmem:$0x1FA90] =	vst v8;
	v8 =	vsub.f32 v4, v2  }
0x3bb: {  	v34 =	vmul.f32 $1.442695020e+00, v21;
	v21 =	vmul.f32 $1.442695020e+00, v28;
	v7 =	vsub.f32 v7, v2  }
0x3bc: {  	v28 =	vmul.f32 $1.442695020e+00, v31;
	v31 =	vmul.f32 $1.442695020e+00, v8;
	v8 =	vld [tilespmem:$0x1F8B0]  }
0x3bd: {  	v4 =	vmul.f32 $1.442695020e+00, v7;
	v7 =	vld [tilespmem:$0x1F8A0]  }
0x3be: {  	v29 =	vld [tilespmem:$0x1F6A0]  }
0x3bf: {  	v39 =	vpop (erf)  }
0x3c0: {  	[tilespmem:$0x1FEE0] =	vst v21;
	v21 =	vmul.f32 $1.442695020e+00, v12;
	v12 =	vpop (erf)  }
0x3c1: {  	[tilespmem:$0x1FAA0] =	vst v12;
	v12 =	vpop (erf);
	v8 =	vsub.f32 v8, v2  }
0x3c2: {  	[tilespmem:$0x1FAB0] =	vst v12;
	v12 =	vpop (erf);
	v7 =	vsub.f32 v7, v2  }
0x3c3: {  	v29 =	vsub.f32 v29, v2;
	[tilespmem:$0x1FAC0] =	vst v12;
	v12 =	vmul.f32 $1.442695020e+00, v8;
	v8 =	vld [tilespmem:$0x1F8E0]  }
0x3c4: {  	v26 =	vmul.f32 $1.442695020e+00, v16;
	v16 =	vmul.f32 $1.442695020e+00, v7;
	v7 =	vld [tilespmem:$0x1F8C0]  }
0x3c5: {  	v29 =	vmul.f32 $1.442695020e+00, v29;
	(erf) = vpow2.f32 v33  }
0x3c6: {  	(erf) = vpow2.f32 v34  }
0x3c7: {  	(erf) = vpow2.f32 v29  }
0x3c8: {  	(erf) = vpow2.f32 v36;
	v14 =	vsub.f32 v8, v2;
	v8 =	vpop (erf)  }
0x3c9: {  	(erf) = vpow2.f32 v28;
	v19 =	vsub.f32 v7, v2;
	[tilespmem:$0x1FAD0] =	vst v8;
	v8 =	vld [tilespmem:$0x1F8F0];
	v7 =	vpop (erf)  }
0x3ca: {  	(erf) = vpow2.f32 v37;
	[tilespmem:$0x1FAE0] =	vst v7;
	v7 =	vld [tilespmem:$0x1F900]  }
0x3cb: {  	(erf) = vpow2.f32 v40  }
0x3cc: {  	v55 =	vpop (erf);
	(erf) = vpow2.f32 v41  }
0x3cd: {  	v59 =	vmul.f32 $1.442695020e+00, v15;
	v58 =	vpop (erf);
	(erf) = vpow2.f32 v44  }
0x3ce: {  	v15 =	vsub.f32 v8, v2;
	v8 =	vmul.f32 $1.442695020e+00, v19;
	v19 =	vpop (erf);
	(erf) = vpow2.f32 v13;
	v13 =	vld [tilespmem:$0x1F930]  }
0x3cf: {  	v22 =	vsub.f32 v7, v2;
	v7 =	vmul.f32 $1.442695020e+00, v14;
	v14 =	vld [tilespmem:$0x1F910]  }
0x3d0: {  	v23 =	vmul.f32 $1.442695020e+00, v15;
	v15 =	vld [tilespmem:$0x1F920];
	_ =	sdelay $0x2  }
0x3d1: {  	[tilespmem:$0x1FAF0] =	vst v19;
	v19 =	vld [tilespmem:$0x1F960]  }
0x3d2: {  	(erf) = vpow2.f32 v48;
	v14 =	vsub.f32 v14, v2  }
0x3d3: {  	v37 =	vpop (erf);
	(erf) = vpow2.f32 v18;
	v13 =	vsub.f32 v13, v2;
	v15 =	vsub.f32 v15, v2  }
0x3d4: {  	v40 =	vpop (erf);
	(erf) = vpow2.f32 v47;
	v27 =	vmul.f32 $1.442695020e+00, v14;
	v14 =	vld [tilespmem:$0x1F940]  }
0x3d5: {  	v44 =	vpop (erf);
	v34 =	vmul.f32 $1.442695020e+00, v15;
	v15 =	vmul.f32 $1.442695020e+00, v13;
	v13 =	vld [tilespmem:$0x1F950]  }
0x3d6: {  	v36 =	vsub.f32 v19, v2;
	v19 =	vpop (erf);
	(erf) = vpow2.f32 v17;
	v17 =	vld [tilespmem:$0x1F970]  }
0x3d7: {  	p0 =	sne.s32 s16, $0x1F0  }
.Ltmp1:
0x3d8: {  	_ = 	snop;
	(pc) =	sbr.rel @p0 .LBB2_4-.Ltmp1, $4  }
0x3d9: {  	_ = 	snop  }
0x3da: {  	v14 =	vsub.f32 v14, v2;
	v13 =	vsub.f32 v13, v2  }
0x3db: {  	v30 =	vmul.f32 $1.442695020e+00, v22;
	v29 =	vsub.f32 v17, v2;
	v17 =	vpop (erf);
	(erf) = vpow2.f32 v24  }
0x3dc: {  	s16 =	sadd.s32 $0x10, s16;
	v28 =	vld [tilespmem:$0x1F8D0];
	v14 =	vmul.f32 $1.442695020e+00, v14;
	v13 =	vmul.f32 $1.442695020e+00, v13  }
0x3dd: {  	(erf) = vpow2.f32 v1  }
0x3de: {  	(erf) = vpow2.f32 v10  }
0x3df: {  	v10 =	vpop (erf);
	(erf) = vpow2.f32 v11  }
0x3e0: {  	v1 =	vpop (erf);
	(erf) = vpow2.f32 v20  }
0x3e1: {  	v20 =	vpop (erf);
	(erf) = vpow2.f32 v21  }
0x3e2: {  	v22 =	vmul.f32 $1.442695020e+00, v36;
	v47 =	vpop (erf);
	(erf) = vpow2.f32 v32  }
0x3e3: {  	v25 =	vmul.f32 $1.442695020e+00, v29;
	v18 =	vpop (erf);
	(erf) = vpow2.f32 v4  }
0x3e4: {  	v0 =	vsub.f32 v0, v2;
	v5 =	vsub.f32 v5, v2;
	v24 =	vpop (erf);
	(erf) = vpow2.f32 v31  }
0x3e5: {  	v62 =	vsub.f32 v62, v2;
	v33 =	vsub.f32 v56, v2;
	v21 =	vpop (erf);
	(erf) = vpow2.f32 v23  }
0x3e6: {  	v0 =	vmul.f32 $1.442695020e+00, v0;
	v41 =	vsub.f32 v28, v2;
	v11 =	vpop (erf);
	(erf) = vpow2.f32 v30  }
0x3e7: {  	v36 =	vsub.f32 v63, v2;
	v5 =	vmul.f32 $1.442695020e+00, v5;
	v4 =	vpop (erf);
	(erf) = vpow2.f32 v27  }
0x3e8: {  	v9 =	vsub.f32 v9, v2;
	v48 =	vmul.f32 $1.442695020e+00, v41;
	v23 =	vpop (erf);
	(erf) = vpow2.f32 v22  }
0x3e9: {  	v53 =	vsub.f32 v53, v2;
	v27 =	vpop (erf);
	(erf) = vpow2.f32 v25;
	v25 =	vmul.f32 $1.442695020e+00, v62  }
0x3ea: {  	v9 =	vmul.f32 $1.442695020e+00, v9;
	v32 =	vsub.f32 v60, v2;
	v28 =	vpop (erf);
	(erf) = vpow2.f32 v48  }
0x3eb: {  	v56 =	vmul.f32 $1.442695020e+00, v53;
	v29 =	vpop (erf);
	v48 =	vsub.f32 v45, v2;
	v45 =	vld [tilespmem:$0x1FC80];
	(erf) = vpow2.f32 v0  }
0x3ec: {  	v41 =	vsub.f32 v57, v2;
	v35 =	vmul.f32 $1.442695020e+00, v32;
	v30 =	vpop (erf);
	(erf) = vpow2.f32 v5  }
0x3ed: {  	v57 =	vsub.f32 v52, v2;
	v0 =	vmul.f32 $1.442695020e+00, v33;
	(erf) = vpow2.f32 v25;
	v25 =	vpop (erf)  }
0x3ee: {  	v46 =	vsub.f32 v46, v2;
	v22 =	vmul.f32 $1.442695020e+00, v36;
	(erf) = vpow2.f32 v35;
	v31 =	vpop (erf)  }
0x3ef: {  	v60 =	vsub.f32 v3, v2;
	v63 =	vmul.f32 $1.442695020e+00, v57;
	(erf) = vpow2.f32 v0;
	v32 =	vpop (erf)  }
0x3f0: {  	v5 =	vmul.f32 $1.442695020e+00, v41;
	v36 =	vsub.f32 v45, v2;
	(erf) = vpow2.f32 v22;
	v33 =	vpop (erf)  }
0x3f1: {  	v0 =	vmul.f32 $1.442695020e+00, v48;
	v48 =	vsub.f32 v38, v2;
	(erf) = vpow2.f32 v9;
	v9 =	vpop (erf)  }
0x3f2: {  	v30 =	vadd.f32 $0.0e+00, v30;
	v53 =	vmul.f32 $1.442695020e+00, v36;
	(erf) = vpow2.f32 v5;
	v35 =	vpop (erf)  }
0x3f3: {  	v45 =	vsub.f32 v50, v2;
	v5 =	vmul.f32 $1.442695020e+00, v48;
	(erf) = vpow2.f32 v0;
	v62 =	vpop (erf)  }
0x3f4: {  	v0 =	vmul.f32 $1.442695020e+00, v60;
	(erf) = vpow2.f32 v56;
	v22 =	vpop (erf);
	v3 =	vadd.f32 $0.0e+00, v62  }
0x3f5: {  	v60 =	vadd.f32 $0.0e+00, v33;
	v56 =	vsub.f32 v49, v2;
	v41 =	vpop (erf);
	(erf) = vpow2.f32 v63  }
0x3f6: {  	v52 =	vpop (erf);
	(erf) = vpow2.f32 v0;
	v0 =	vadd.f32 v30, v23;
	v3 =	vadd.f32 v3, v9  }
0x3f7: {  	v23 =	vadd.f32 v60, v25;
	v49 =	vmul.f32 $1.442695020e+00, v56;
	v62 =	vadd.f32 $0.0e+00, v52;
	v52 =	vld [tilespmem:$0x1FC90]  }
0x3f8: {  	v30 =	vpop (erf);
	(erf) = vpow2.f32 v53;
	v53 =	vadd.f32 $0.0e+00, v41;
	v41 =	vsub.f32 v51, v2  }
0x3f9: {  	(erf) = vpow2.f32 v5;
	v30 =	vadd.f32 $0.0e+00, v30;
	v0 =	vadd.f32 v0, v18  }
0x3fa: {  	v57 =	vpop (erf);
	v5 =	vmul.f32 $1.442695020e+00, v46;
	v3 =	vadd.f32 v3, v31;
	v23 =	vadd.f32 v23, v27  }
0x3fb: {  	v51 =	vld [tilespmem:$0x1FCB0];
	v18 =	vmul.f32 $1.442695020e+00, v45;
	v63 =	vpop (erf);
	v56 =	vadd.f32 $0.0e+00, v57;
	v22 =	vadd.f32 v53, v22  }
0x3fc: {  	(erf) = vpow2.f32 v49;
	v48 =	vpop (erf);
	v60 =	vadd.f32 $0.0e+00, v63;
	v33 =	vsub.f32 v52, v2  }
0x3fd: {  	v53 =	vld [tilespmem:$0x1FCE0];
	(erf) = vpow2.f32 v5;
	v0 =	vadd.f32 v0, v19;
	v3 =	vadd.f32 v3, v28;
	v57 =	vpop (erf)  }
0x3fe: {  	v23 =	vadd.f32 v23, v24;
	v9 =	vadd.f32 v62, v48;
	v62 =	vpop (erf);
	v33 =	vmul.f32 $1.442695020e+00, v33  }
0x3ff: {  	v48 =	vmul.f32 $1.442695020e+00, v41;
	v22 =	vadd.f32 v22, v35;
	v63 =	vpop (erf);
	(erf) = vpow2.f32 v34  }
0x400: {  	v30 =	vadd.f32 v30, v57;
	v27 =	vsub.f32 v51, v2;
	v46 =	vpop (erf);
	(erf) = vpow2.f32 v33  }
0x401: {  	v0 =	vadd.f32 v0, v55;
	v3 =	vadd.f32 v3, v21;
	v49 =	vpop (erf);
	(erf) = vpow2.f32 v48  }
0x402: {  	v19 =	vld [tilespmem:$0x1FA40];
	v50 =	vpop (erf);
	v52 =	vadd.f32 v30, v49;
	v30 =	vsub.f32 v53, v2;
	(erf) = vpow2.f32 v18  }
0x403: {  	v55 =	vld [tilespmem:$0x1FA30];
	v25 =	vadd.f32 v56, v62;
	v57 =	vmul.f32 $1.442695020e+00, v27;
	v56 =	vpop (erf);
	(erf) = vpow2.f32 v16  }
0x404: {  	v21 =	vld [tilespmem:$0x1FEA0];
	v5 =	vadd.f32 v60, v63;
	v60 =	vmul.f32 $1.442695020e+00, v30;
	v62 =	vpop (erf);
	(erf) = vpow2.f32 v15  }
0x405: {  	v31 =	vadd.f32 v23, v17;
	v23 =	vld [tilespmem:$0x1FEB0];
	v63 =	vpop (erf);
	(erf) = vpow2.f32 v57  }
0x406: {  	v24 =	vadd.f32 v22, v32;
	v9 =	vadd.f32 v9, v46;
	v46 =	vld [tilespmem:$0x1FA60];
	v27 =	vpop (erf);
	(erf) = vpow2.f32 v60  }
0x407: {  	v0 =	vadd.f32 v0, v39;
	v3 =	vadd.f32 v3, v10;
	v49 =	vld [tilespmem:$0x1FAF0];
	v28 =	vpop (erf);
	(erf) = vpow2.f32 v6  }
0x408: {  	v38 =	vadd.f32 v31, v58;
	v58 =	vld [tilespmem:$0x1FAB0];
	v33 =	vadd.f32 v24, v29;
	v30 =	vpop (erf);
	(erf) = vpow2.f32 v12  }
0x409: {  	v25 =	vadd.f32 v25, v50;
	v50 =	vld [tilespmem:$0x1FAA0];
	v5 =	vadd.f32 v5, v56;
	(erf) = vpow2.f32 v14;
	v32 =	vpop (erf)  }
0x40a: {  	v53 =	vld [tilespmem:$0x1FF00];
	v9 =	vadd.f32 v9, v62;
	v16 =	vadd.f32 v52, v63;
	(erf) = vpow2.f32 v13;
	v34 =	vpop (erf)  }
0x40b: {  	v18 =	vld [tilespmem:$0x1FA80];
	v0 =	vadd.f32 v0, v46;
	v15 =	vadd.f32 v25, v27;
	(erf) = vpow2.f32 v54;
	v35 =	vpop (erf)  }
0x40c: {  	v56 =	vld [tilespmem:$0x1FF10];
	v3 =	vadd.f32 v3, v49;
	v5 =	vadd.f32 v5, v28;
	(erf) = vpow2.f32 v61;
	v36 =	vpop (erf)  }
0x40d: {  	v62 =	vld [tilespmem:$0x1FEF0];
	v6 =	vadd.f32 v9, v30;
	v9 =	vadd.f32 v33, v11;
	(erf) = vpow2.f32 v8;
	v39 =	vpop (erf)  }
0x40e: {  	v25 =	vld [tilespmem:$0x1FAC0];
	v10 =	vadd.f32 v38, v50;
	v3 =	vadd.f32 v3, v58;
	(erf) = vpow2.f32 v7;
	v41 =	vpop (erf)  }
0x40f: {  	v0 =	vadd.f32 v0, v55;
	v60 =	vld [tilespmem:$0x1FEE0];
	v1 =	vadd.f32 v9, v1;
	(erf) = vpow2.f32 v59;
	v45 =	vpop (erf)  }
0x410: {  	v28 =	vld [tilespmem:$0x1FE90];
	v3 =	vadd.f32 v3, v18;
	v13 =	vadd.f32 v15, v34;
	(erf) = vpow2.f32 v26;
	v48 =	vpop (erf)  }
0x411: {  	v38 =	vld [tilespmem:$0x1FAD0];
	v14 =	vadd.f32 v16, v32;
	v1 =	vadd.f32 v1, v37;
	(erf) = vpow2.f32 v43;
	v51 =	vpop (erf)  }
0x412: {  	v5 =	vadd.f32 v5, v35;
	v7 =	vadd.f32 v13, v41;
	v13 =	vld [tilespmem:$0x1FEC0];
	(erf) = vpow2.f32 v42;
	v52 =	vpop (erf)  }
0x413: {  	v16 =	vld [tilespmem:$0x1FED0];
	v6 =	vadd.f32 v6, v36;
	v8 =	vadd.f32 v14, v39;
	(erf) = vpow2.f32 v53;
	v54 =	vpop (erf)  }
0x414: {  	v30 =	vld [tilespmem:$0x1FE60];
	v1 =	vadd.f32 v1, v25;
	v5 =	vadd.f32 v5, v45;
	(erf) = vpow2.f32 v56;
	v57 =	vpop (erf)  }
0x415: {  	v32 =	vld [tilespmem:$0x1FE70];
	v6 =	vadd.f32 v6, v48;
	v8 =	vadd.f32 v8, v51;
	(erf) = vpow2.f32 v60;
	v61 =	vpop (erf)  }
0x416: {  	v26 =	vld [tilespmem:$0x1FE80];
	v7 =	vadd.f32 v7, v52;
	v5 =	vadd.f32 v5, v54;
	(erf) = vpow2.f32 v62;
	v63 =	vpop (erf)  }
0x417: {  	v15 =	vld [tilespmem:$0x1FA10];
	v4 =	vadd.f32 v6, v4;
	v12 =	vadd.f32 v8, v61;
	(erf) = vpow2.f32 v13;
	v14 =	vpop (erf)  }
0x418: {  	v59 =	vld [tilespmem:$0x1FA70];
	v6 =	vadd.f32 v7, v63;
	v5 =	vadd.f32 v5, v14;
	(erf) = vpow2.f32 v16;
	v17 =	vpop (erf)  }
0x419: {  	v34 =	vld [tilespmem:$0x1FE40];
	v4 =	vadd.f32 v4, v20;
	v7 =	vadd.f32 v12, v57;
	(erf) = vpow2.f32 v21;
	v22 =	vpop (erf)  }
0x41a: {  	v36 =	vld [tilespmem:$0x1FE50];
	v6 =	vadd.f32 v6, v17;
	v5 =	vadd.f32 v5, v22;
	(erf) = vpow2.f32 v23;
	v24 =	vpop (erf)  }
0x41b: {  	v39 =	vld [tilespmem:$0x1FAE0];
	v4 =	vadd.f32 v4, v40;
	v7 =	vadd.f32 v7, v47;
	(erf) = vpow2.f32 v26;
	v27 =	vpop (erf)  }
0x41c: {  	v40 =	vld [tilespmem:$0x1FE20];
	v6 =	vadd.f32 v6, v24;
	v5 =	vadd.f32 v5, v27;
	(erf) = vpow2.f32 v28;
	v29 =	vpop (erf)  }
0x41d: {  	v42 =	vld [tilespmem:$0x1FE30];
	v10 =	vadd.f32 v10, v59;
	v7 =	vadd.f32 v7, v44;
	(erf) = vpow2.f32 v30;
	v31 =	vpop (erf)  }
0x41e: {  	v44 =	vld [tilespmem:$0x1FA90];
	v6 =	vadd.f32 v6, v29;
	v5 =	vadd.f32 v5, v31;
	(erf) = vpow2.f32 v32;
	v33 =	vpop (erf)  }
0x41f: {  	v46 =	vld [tilespmem:$0x1FE10];
	v0 =	vadd.f32 v0, v15;
	v10 =	vadd.f32 v10, v19;
	(erf) = vpow2.f32 v34;
	v35 =	vpop (erf)  }
0x420: {  	v48 =	vld [tilespmem:$0x1FA50];
	v6 =	vadd.f32 v6, v33;
	v5 =	vadd.f32 v5, v35;
	(erf) = vpow2.f32 v36;
	v37 =	vpop (erf)  }
0x421: {  	v4 =	vadd.f32 v4, v38;
	v7 =	vadd.f32 v7, v39;
	(erf) = vpow2.f32 v40;
	v41 =	vpop (erf)  }
0x422: {  	v51 =	vld [tilespmem:$0x1FA20];
	v6 =	vadd.f32 v6, v37;
	v5 =	vadd.f32 v5, v41;
	(erf) = vpow2.f32 v42;
	v43 =	vpop (erf)  }
0x423: {  	v1 =	vadd.f32 v1, v44;
	v4 =	vadd.f32 v4, v43;
	v45 =	vpop (erf)  }
0x424: {  	v54 =	vld [tilespmem:$0x1FA00];
	(erf) = vpow2.f32 v46;
	v7 =	vadd.f32 v7, v45;
	v5 =	vadd.f32 v5, v6;
	v47 =	vpop (erf)  }
0x425: {  	v3 =	vadd.f32 v3, v48;
	v1 =	vadd.f32 v1, v47;
	v49 =	vpop (erf)  }
0x426: {  	v4 =	vadd.f32 v4, v49;
	v5 =	vadd.f32 v5, v7;
	v50 =	vpop (erf)  }
0x427: {  	v7 =	vadd.f32 v10, v51;
	v3 =	vadd.f32 v3, v50;
	v52 =	vpop (erf)  }
0x428: {  	v1 =	vadd.f32 v1, v52;
	v4 =	vadd.f32 v5, v4;
	v53 =	vpop (erf)  }
0x429: {  	v0 =	vadd.f32 v0, v54;
	v5 =	vadd.f32 v7, v53;
	v55 =	vpop (erf)  }
0x42a: {  	v3 =	vadd.f32 v3, v55;
	v1 =	vadd.f32 v4, v1;
	v56 =	vpop (erf)  }
0x42b: {  	v0 =	vadd.f32 v0, v56;
	v57 =	vpop (erf)  }
0x42c: {  	v4 =	vadd.f32 v5, v57;
	v1 =	vadd.f32 v1, v3  }
0x42d: {  	v58 =	vpop (erf)  }
0x42e: {  	v0 =	vadd.f32 v0, v58;
	v1 =	vadd.f32 v1, v4;
	_ =	sdelay $0x1  }
0x42f: {  	v0 =	vadd.f32 v1, v0;
	_ =	sdelay $0x1  }
0x430: {  	v1 =	vand.u32 $0x7FFFFF, v0  }
0x431: {  	v1 =	vor.u32 $0x3F800000, v1  }
0x432: {  	v59 =	vmul.f32 $5.000000000e-01, v1  }
0x433: {  	vm1 =	vgt.f32 v1, $1.414213540e+00  }
0x434: {  	v1 =	vsel vm1, v59, v1  }
0x435: {  	v3 =	vadd.f32 $1.000000000e+00, v1;
	_ =	sdelay $0x1  }
0x436: {  	(erf) = vrcp.f32 v3;
	_ =	sdelay $0x7  }
0x437: {  	v1 =	vadd.f32 $-1.000000000e+00, v1  }
0x438: {  	v3 =	vpop (erf)  }
0x439: {  	v1 =	vmul.f32 v3, v1;
	_ =	sdelay $0x1  }
0x43a: {  	v3 =	vmul.f32 v1, v1;
	_ =	sdelay $0x1  }
0x43b: {  	v60 =	vmul.f32 $2.000000030e-01, v3;
	_ =	sdelay $0x1  }
0x43c: {  	v4 =	vadd.f32 $3.333333430e-01, v60  }
0x43d: {  	v61 =	vimm.s32 $0xFFFFFF81  }
0x43e: {  	v0 =	vshra.s32 v0, $0x17;
	v3 =	vmul.f32 v4, v3;
	v4 =	vsel vm1, $0xFFFFFF82, v61  }
0x43f: {  	v0 =	vadd.s32 v0, v4  }
0x440: {  	v1 =	vadd.f32 v1, v1;
	v0 =	vcvt.s32.f32 v0;
	v3 =	vadd.f32 $1.000000000e+00, v3;
	_ =	sdelay $0x1  }
0x441: {  	v62 =	vld [tilespmem:$0x1FFE0];
	v1 =	vmul.f32 v3, v1;
	v0 =	vmul.f32 $6.931471820e-01, v0  }
0x442: {  	v63 =	vld [tilespmem:$0x1FD30]  }
0x443: {  	v0 =	vadd.f32 v1, v0;
	_ =	sdelay $0x1  }
0x444: {  	v0 =	vadd.f32 v0, v2;
	_ =	sdelay $0x1  }
0x445: {  	v1 =	vmul.f32 $-3.000000000e+01, v63;
	v0 =	vadd.f32 v0, v62;
	_ =	sdelay $0x1  }
0x446: {  	v0 =	vadd.f32 v1, v0;
	_ =	sdelay $0x1  }
0x447: {  	s14 =	sadd.s32 $0x1, s14;
	v0 =	vmul.f32 $6.103515630e-05, v0  }
0x448: {  	p0 =	sne.s32 s14, s7  }
.Ltmp2:
0x449: {  	[tilespmem:$0xD280] =	vst v0;
	(pc) =	sbr.rel @p0 .LBB2_1-.Ltmp2, $4  }
0x44a: {  	[hbm4b:s6+s3] =	stream.linear.scatter [tilespmem:s13], [sflag:$0x2], $0x80, $0x38;
	[tilespmem:$0xD300] =	vst v63  }
0x44b: {  	_ =	swait.ge [sflag:s10], $0x80  }
0x44c: {  	[sflag:s10] =	ssyncset.done $0x0  }
0x44d: {  	[sflag:s10] =	ssyncadd.s32 $0xFFFFFF80  }
0x44e: {  	_ =	sfence.sel $0x180000  }
0x44f: {  	[bflag:$0x0] =	sbarrier.arrive $0xFFFF  }
0x450: {  	_ =	strace $0x90000047  }
0x451: {  	s0 =	stileid.u32;
	[bflag:$0x2] =	sbarrier.arrive $0xFFFF  }
0x452: {  	p0 =	sne.s32 s0, $0x0;
	s0 =	rddreg [dreg:$0x4]  }
0x453: {  	s0 =	sadd.s32 @!p0 $0x100000, s0  }
0x454: {  	[sflag:s0] =	ssyncadd.tile.s32 @!p0 $0x1;
	_ =	shalt  }
.Lfunc_end2:
_tile_overlayer_lowered:
.L_overlay_start_2:
0x455: {  	(tag) =	ssettag $0x2  }
0x456: {  	s0 =	rddreg [dreg:$0x0];
	s2 =	stileid.u32  }
0x457: {  	s1 =	rddreg [dreg:$0x1];
	p0 =	sne.s32 s2, $0x0  }
0x458: {  	s3 =	rddreg [dreg:$0x2];
	[bflag:$0x3] =	sbarrier.arrive $0xFFFF;
	s2 =	simm.s32 @!p0 $0x1C02  }
0x459: {  	[timem:s3], [sflag:s2] =	dma.local @!p0 [hbm:s0], s1  }
0x45a: {  	s0 =	simm.s32 @!p0 $0x2  }
0x45b: {  	_ =	swait.ge @!p0 [sflag:s0], s1  }
0x45c: {  	s1 =	ssub.s32 @!p0 $0x0, s1;
	[sflag:s0] =	ssyncset.done @!p0 $0x0  }
0x45d: {  	[sflag:s0] =	ssyncadd.s32 @!p0 s1  }
0x45e: {  	[bflag:$0x3] =	sbarrier.arrive $0xFFFF  }
0x45f: {  	_ =	shalt  }

</sc_bundles>
